<compile_context>
chip_gen: v7x
topology: tpu7x:2x2x1
jax: 0.10.2.dev20260603
libtpu: 0.0.44.dev20260713+nightly
codegen_flags: <defaults>
</compile_context>

<pallas_src>
import functools

import jax
import jax.numpy as jnp
from jax import lax
from jax.experimental import pallas as pl
from jax.experimental.pallas import tpu as pltpu
from jax.experimental.pallas import tpu_sc as plsc

N = 10000
E = 320000
NP = 10112
DUMMY = 10000
NW = 32
CHUNK = 128
NCHUNK = 80
EP = CHUNK * NCHUNK * NW
RPT = NP // 16
R = 2528
G = NP // R

_mesh = functools.partial(plsc.VectorSubcoreMesh,
                          core_axis_name="c", subcore_axis_name="s",
                          num_cores=2, num_subcores=16)


def _edge_agg(table, srcs, dsts, zeros, dp):

  def body(table_ref, srcs_ref, dsts_ref, zeros_ref, out_ref,
           srcv, dstv, rows, agg):
    cid = lax.axis_index("c")
    sid = lax.axis_index("s")
    wid = cid * 16 + sid
    rbase = sid * RPT
    pltpu.sync_copy(zeros_ref.at[pl.ds(rbase, RPT)], agg.at[pl.ds(rbase, RPT)])
    pltpu.sync_copy(srcs_ref.at[wid], srcv)
    pltpu.sync_copy(dsts_ref.at[wid], dstv)
    plsc.subcore_barrier()

    def step(j, c):
      pltpu.sync_copy(table_ref.at[srcv.at[j]], rows)
      pltpu.sync_copy(rows, agg.at[dstv.at[j]], add=True)
      return c

    lax.fori_loop(0, NCHUNK, step, 0)
    plsc.subcore_barrier()
    pltpu.sync_copy(agg.at[pl.ds(rbase, RPT)],
                    out_ref.at[cid, pl.ds(rbase, RPT)])

  f = pl.kernel(
      body,
      out_type=jax.ShapeDtypeStruct((2, NP, dp), jnp.float32),
      mesh=_mesh(),
      compiler_params=pltpu.CompilerParams(use_tc_tiling_on_sc=False),
      scratch_types=[
          pltpu.VMEM((NCHUNK, CHUNK), jnp.int32),
          pltpu.VMEM((NCHUNK, CHUNK), jnp.int32),
          pltpu.VMEM((CHUNK, dp), jnp.float32),
          pltpu.VMEM_SHARED((NP, dp), jnp.float32),
      ])
  return f(table, srcs, dsts, zeros)


def _deg_count(dsts, ones_rows, zeros):

  def body(dsts_ref, ones_ref, zeros_ref, out_ref, dstv, rows, agg):
    cid = lax.axis_index("c")
    sid = lax.axis_index("s")
    wid = cid * 16 + sid
    rbase = sid * RPT
    pltpu.sync_copy(zeros_ref.at[pl.ds(rbase, RPT)], agg.at[pl.ds(rbase, RPT)])
    pltpu.sync_copy(dsts_ref.at[wid], dstv)
    pltpu.sync_copy(ones_ref, rows)
    plsc.subcore_barrier()

    def step(j, c):
      pltpu.sync_copy(rows, agg.at[dstv.at[j]], add=True)
      return c

    lax.fori_loop(0, NCHUNK, step, 0)
    plsc.subcore_barrier()
    pltpu.sync_copy(agg.at[pl.ds(rbase, RPT)],
                    out_ref.at[cid, pl.ds(rbase, RPT)])

  f = pl.kernel(
      body,
      out_type=jax.ShapeDtypeStruct((2, NP, 16), jnp.float32),
      mesh=_mesh(),
      scratch_types=[
          pltpu.VMEM((NCHUNK, CHUNK), jnp.int32),
          pltpu.VMEM((CHUNK, 16), jnp.float32),
          pltpu.VMEM_SHARED((NP, 16), jnp.float32),
      ])
  return f(dsts, ones_rows, zeros)


def _tc_first(degp, xp, w, dpo):

  def body(degp_ref, x_ref, w_ref, hp_ref, dinv_ref):
    deg = degp_ref[0, :, 0:1] + degp_ref[1, :, 0:1] + 1.0
    dinv = lax.rsqrt(deg)
    h = jnp.dot(x_ref[...], w_ref[...], preferred_element_type=jnp.float32)
    hp_ref[...] = h * dinv
    dinv_ref[...] = dinv

  dpi = xp.shape[1]
  return pl.pallas_call(
      body,
      grid=(G,),
      in_specs=[
          pl.BlockSpec((2, R, 16), lambda i: (0, i, 0)),
          pl.BlockSpec((R, dpi), lambda i: (i, 0)),
          pl.BlockSpec((dpi, dpo), lambda i: (0, 0)),
      ],
      out_specs=[
          pl.BlockSpec((R, dpo), lambda i: (i, 0)),
          pl.BlockSpec((R, 1), lambda i: (i, 0)),
      ],
      out_shape=[
          jax.ShapeDtypeStruct((NP, dpo), jnp.float32),
          jax.ShapeDtypeStruct((NP, 1), jnp.float32),
      ])(degp, xp, w)


def _tc_mid(p, hp, dinv, b8, w, dpo):

  def body(p_ref, hp_ref, dinv_ref, b_ref, w_ref, o_ref):
    dinv = dinv_ref[...]
    a = (p_ref[0] + p_ref[1] + hp_ref[...]) * dinv + b_ref[0:1, :]
    a = jnp.maximum(a, 0.0)
    h = jnp.dot(a, w_ref[...], preferred_element_type=jnp.float32)
    o_ref[...] = h * dinv

  dpi = hp.shape[1]
  return pl.pallas_call(
      body,
      grid=(G,),
      in_specs=[
          pl.BlockSpec((2, R, dpi), lambda i: (0, i, 0)),
          pl.BlockSpec((R, dpi), lambda i: (i, 0)),
          pl.BlockSpec((R, 1), lambda i: (i, 0)),
          pl.BlockSpec((8, dpi), lambda i: (0, 0)),
          pl.BlockSpec((dpi, dpo), lambda i: (0, 0)),
      ],
      out_specs=pl.BlockSpec((R, dpo), lambda i: (i, 0)),
      out_shape=jax.ShapeDtypeStruct((NP, dpo), jnp.float32),
  )(p, hp, dinv, b8, w)


def _tc_last(p, hp, dinv, b8, w, bl8, dpo):

  def body(p_ref, hp_ref, dinv_ref, b_ref, w_ref, bl_ref, o_ref):
    dinv = dinv_ref[...]
    a = (p_ref[0] + p_ref[1] + hp_ref[...]) * dinv + b_ref[0:1, :]
    a = jnp.maximum(a, 0.0)
    h = jnp.dot(a, w_ref[...], preferred_element_type=jnp.float32)
    o_ref[...] = h + bl_ref[0:1, :]

  dpi = hp.shape[1]
  return pl.pallas_call(
      body,
      grid=(G,),
      in_specs=[
          pl.BlockSpec((2, R, dpi), lambda i: (0, i, 0)),
          pl.BlockSpec((R, dpi), lambda i: (i, 0)),
          pl.BlockSpec((R, 1), lambda i: (i, 0)),
          pl.BlockSpec((8, dpi), lambda i: (0, 0)),
          pl.BlockSpec((dpi, dpo), lambda i: (0, 0)),
          pl.BlockSpec((8, dpo), lambda i: (0, 0)),
      ],
      out_specs=pl.BlockSpec((R, dpo), lambda i: (i, 0)),
      out_shape=jax.ShapeDtypeStruct((NP, dpo), jnp.float32),
  )(p, hp, dinv, b8, w, bl8)


def _padw(w, ri, ci):
  return jnp.pad(w, ((0, ri - w.shape[0]), (0, ci - w.shape[1])))


def _padb(b, ci):
  return jnp.tile(jnp.pad(b, (0, ci - b.shape[0]))[None, :], (8, 1))


def kernel(x, edge_index, W1, b1, W2, b2, W6, b6, W3, b3, W4, b4, Wl, bl):
  src = edge_index[0]
  dst = edge_index[1]
  npad = EP - E
  srcp = jnp.concatenate(
      [src, jnp.zeros((npad,), jnp.int32)]).reshape(NW, NCHUNK, CHUNK)
  dstp = jnp.concatenate(
      [dst, jnp.full((npad,), DUMMY, jnp.int32)]).reshape(NW, NCHUNK, CHUNK)
  xp = jnp.pad(x, ((0, NP - N), (0, 0)))

  W1p = _padw(W1, 128, 96)
  W2p = _padw(W2, 96, 80)
  W6p = _padw(W6, 80, 64)
  W3p = _padw(W3, 64, 32)
  W4p = _padw(W4, 32, 32)
  Wlp = _padw(Wl, 32, 128)
  b1p = _padb(b1, 96)
  b2p = _padb(b2, 80)
  b6p = _padb(b6, 64)
  b3p = _padb(b3, 32)
  b4p = _padb(b4, 32)
  blp = _padb(bl, 128)

  ones16 = jnp.ones((CHUNK, 16), jnp.float32)
  z16 = jnp.zeros((NP, 16), jnp.float32)
  z96 = jnp.zeros((NP, 96), jnp.float32)
  z80 = jnp.zeros((NP, 80), jnp.float32)
  z64 = jnp.zeros((NP, 64), jnp.float32)
  z32 = jnp.zeros((NP, 32), jnp.float32)

  degp = _deg_count(dstp, ones16, z16)
  hp1, dinv = _tc_first(degp, xp, W1p, 96)
  p1 = _edge_agg(hp1, srcp, dstp, z96, 96)
  hp2 = _tc_mid(p1, hp1, dinv, b1p, W2p, 80)
  p2 = _edge_agg(hp2, srcp, dstp, z80, 80)
  hp3 = _tc_mid(p2, hp2, dinv, b2p, W6p, 64)
  p3 = _edge_agg(hp3, srcp, dstp, z64, 64)
  hp4 = _tc_mid(p3, hp3, dinv, b6p, W3p, 32)
  p4 = _edge_agg(hp4, srcp, dstp, z32, 32)
  hp5 = _tc_mid(p4, hp4, dinv, b3p, W4p, 32)
  p5 = _edge_agg(hp5, srcp, dstp, z32, 32)
  outp = _tc_last(p5, hp5, dinv, b4p, Wlp, blp, 128)
  return outp[:N, :4]

# --- scband reference (transcript-rebuilt; emitter-appended) ---
"""Pipeline reference for scband-net-33432025432566 (READ-ONLY COPY).

The authoritative reference and input builder live on the scoring server;
editing this copy changes nothing except your own understanding.
"""

import jax, jax.numpy as jnp
import numpy as np

N = 10000
E = 320000
D = 128
NUM_CLASSES = 4


def _glorot(key, fan_in, fan_out):
    scale = jnp.sqrt(2.0 / (fan_in + fan_out))
    return jax.random.normal(key, (fan_in, fan_out), dtype=jnp.float32) * scale


def setup_inputs(seed: int = 0) -> dict:
    key = jax.random.key(seed)
    ks = jax.random.split(key, 16)
    x = jax.random.normal(ks[0], (N, D), dtype=jnp.float32)
    edge_index = jax.random.randint(ks[1], (2, E), 0, N, dtype=jnp.int32)
    dims = [(D, 85), (85, 80), (80, 50), (50, 30), (30, 20), (20, NUM_CLASSES)]
    names = ['1', '2', '6', '3', '4', 'l']
    inp = {'x': x, 'edge_index': edge_index}
    for i, ((fi, fo), nm) in enumerate(zip(dims, names)):
        inp['W' + nm] = _glorot(ks[2 + 2 * i], fi, fo)
        inp['b' + nm] = jnp.zeros((fo,), dtype=jnp.float32)
    return inp


def gcn_conv(x, edge_index, W, b):
    n = x.shape[0]
    loop = jnp.arange(n, dtype=edge_index.dtype)
    src = jnp.concatenate([edge_index[0], loop])
    dst = jnp.concatenate([edge_index[1], loop])
    deg = jax.ops.segment_sum(jnp.ones(src.shape[0], dtype=x.dtype), dst, num_segments=n)
    dinv = jnp.where(deg > 0, jax.lax.rsqrt(jnp.maximum(deg, 1e-12)), 0.0)
    norm = dinv[src] * dinv[dst]
    h = x @ W
    out = jax.ops.segment_sum(h[src] * norm[:, None], dst, num_segments=n)
    return out + b


def reference(x, edge_index, W1, b1, W2, b2, W6, b6, W3, b3, W4, b4, Wl, bl):
    h = jax.nn.relu(gcn_conv(x, edge_index, W1, b1))
    h = jax.nn.relu(gcn_conv(h, edge_index, W2, b2))
    h = jax.nn.relu(gcn_conv(h, edge_index, W6, b6))
    h = jax.nn.relu(gcn_conv(h, edge_index, W3, b3))
    h = jax.nn.relu(gcn_conv(h, edge_index, W4, b4))
    return h @ Wl + bl

if __name__ == "__main__":
    import jax
    _d = setup_inputs()
    print(jax.jit(kernel)(*tuple(_d.values())))

</pallas_src>

<mosaic_0001>
#map = affine_map<(d0, d1) -> (0, 0, 0)>
#map1 = affine_map<(d0, d1) -> (0, 0)>
module attributes {stable_mosaic.version = 14 : i64} {
  func.func @body(%arg0: i32, %arg1: i32, %arg2: memref<32x80x128xi32, #tpu.memory_space<hbm>>, %arg3: memref<128x16xf32, #tpu.memory_space<hbm>>, %arg4: memref<10112x16xf32, #tpu.memory_space<hbm>>, %arg5: memref<2x10112x16xf32, #tpu.memory_space<hbm>>, %arg6: memref<80x128xi32, #tpu.memory_space<vmem>>, %arg7: memref<128x16xf32, #tpu.memory_space<vmem>>, %arg8: memref<10112x16xf32, #tpu.memory_space<vmem_shared>>) attributes {dimension_semantics = [#tpu.dimension_semantics<core_parallel>, #tpu.dimension_semantics<subcore_parallel>], iteration_bounds = array<i64: 2, 16>, scalar_prefetch = 0 : i64, scratch_operands = 3 : i64, tpu.core_type = #tpu.core_type<sc_vector_subcore>, window_params = [{transform_indices = #map}, {transform_indices = #map1}, {transform_indices = #map1}, {transform_indices = #map}]} {
    %mul3A = arith.constant 16 : i32
    %mul3A_0 = arith.muli %arg0, %mul3A : i32
    %add3A = arith.addi %mul3A_0, %arg1 : i32
    %mul3A_1 = arith.constant 632 : i32
    %mul3A_2 = arith.muli %arg1, %mul3A_1 : i32
    "tpu.region"() ({
      %run_scoped3A = tpu.sem_alloc : memref<!tpu.dma_semaphore, #tpu.memory_space<semaphore_mem>>
      %dma_start3A = arith.constant 0 : i32
      %dma_start3A_9 = tpu.memref_slice %arg8[%mul3A_2, %dma_start3A] : memref<10112x16xf32, #tpu.memory_space<vmem_shared>> -> memref<632x16xf32, #tpu.memory_space<vmem_shared>>
      %dma_start3A_10 = arith.constant 0 : i32
      %dma_start3A_11 = tpu.memref_slice %arg4[%mul3A_2, %dma_start3A_10] : memref<10112x16xf32, #tpu.memory_space<hbm>> -> memref<632x16xf32, #tpu.memory_space<hbm>>
      tpu.enqueue_dma source(%dma_start3A_11 : memref<632x16xf32, #tpu.memory_space<hbm>>) target(%dma_start3A_9 : memref<632x16xf32, #tpu.memory_space<vmem_shared>>) target_semaphore(%run_scoped3A : memref<!tpu.dma_semaphore, #tpu.memory_space<semaphore_mem>>)
      %dma_wait3A = arith.constant 0 : i32
      %dma_wait3A_12 = tpu.memref_slice %arg8[%mul3A_2, %dma_wait3A] : memref<10112x16xf32, #tpu.memory_space<vmem_shared>> -> memref<632x16xf32, #tpu.memory_space<vmem_shared>>
      %dma_wait3A_13 = arith.constant 0 : i32
      %dma_wait3A_14 = tpu.memref_slice %arg4[%mul3A_2, %dma_wait3A_13] : memref<10112x16xf32, #tpu.memory_space<hbm>> -> memref<632x16xf32, #tpu.memory_space<hbm>>
      tpu.wait_dma2 semaphore(%run_scoped3A : memref<!tpu.dma_semaphore, #tpu.memory_space<semaphore_mem>>) src(%dma_wait3A_14 : memref<632x16xf32, #tpu.memory_space<hbm>>) dst(%dma_wait3A_12 : memref<632x16xf32, #tpu.memory_space<vmem_shared>>)
      tpu.yield
    }) : () -> ()
    "tpu.region"() ({
      %run_scoped3A = tpu.sem_alloc : memref<!tpu.dma_semaphore, #tpu.memory_space<semaphore_mem>>
      %dma_start3A = arith.constant 0 : i32
      %dma_start3A_9 = arith.constant 0 : i32
      %dma_start3A_10 = tpu.memref_slice %arg2[%add3A, %dma_start3A, %dma_start3A_9] : memref<32x80x128xi32, #tpu.memory_space<hbm>> -> memref<1x80x128xi32, #tpu.memory_space<hbm>>
      %dma_start3A_11 = tpu.memref_squeeze %dma_start3A_10 : memref<1x80x128xi32, #tpu.memory_space<hbm>> -> memref<80x128xi32, #tpu.memory_space<hbm>>
      %dma_start3A_12 = arith.constant 0 : i32
      %dma_start3A_13 = arith.constant 0 : i32
      %dma_start3A_14 = tpu.memref_slice %arg2[%add3A, %dma_start3A_12, %dma_start3A_13] : memref<32x80x128xi32, #tpu.memory_space<hbm>> -> memref<1x80x128xi32, #tpu.memory_space<hbm>>
      %dma_start3A_15 = tpu.memref_squeeze %dma_start3A_14 : memref<1x80x128xi32, #tpu.memory_space<hbm>> -> memref<80x128xi32, #tpu.memory_space<hbm>>
      tpu.enqueue_dma source(%dma_start3A_15 : memref<80x128xi32, #tpu.memory_space<hbm>>) target(%arg6 : memref<80x128xi32, #tpu.memory_space<vmem>>) target_semaphore(%run_scoped3A : memref<!tpu.dma_semaphore, #tpu.memory_space<semaphore_mem>>)
      %dma_wait3A = arith.constant 0 : i32
      %dma_wait3A_16 = arith.constant 0 : i32
      %dma_wait3A_17 = tpu.memref_slice %arg2[%add3A, %dma_wait3A, %dma_wait3A_16] : memref<32x80x128xi32, #tpu.memory_space<hbm>> -> memref<1x80x128xi32, #tpu.memory_space<hbm>>
      %dma_wait3A_18 = tpu.memref_squeeze %dma_wait3A_17 : memref<1x80x128xi32, #tpu.memory_space<hbm>> -> memref<80x128xi32, #tpu.memory_space<hbm>>
      %dma_wait3A_19 = arith.constant 0 : i32
      %dma_wait3A_20 = arith.constant 0 : i32
      %dma_wait3A_21 = tpu.memref_slice %arg2[%add3A, %dma_wait3A_19, %dma_wait3A_20] : memref<32x80x128xi32, #tpu.memory_space<hbm>> -> memref<1x80x128xi32, #tpu.memory_space<hbm>>
      %dma_wait3A_22 = tpu.memref_squeeze %dma_wait3A_21 : memref<1x80x128xi32, #tpu.memory_space<hbm>> -> memref<80x128xi32, #tpu.memory_space<hbm>>
      tpu.wait_dma2 semaphore(%run_scoped3A : memref<!tpu.dma_semaphore, #tpu.memory_space<semaphore_mem>>) src(%dma_wait3A_22 : memref<80x128xi32, #tpu.memory_space<hbm>>) dst(%arg6 : memref<80x128xi32, #tpu.memory_space<vmem>>)
      tpu.yield
    }) : () -> ()
    "tpu.region"() ({
      %run_scoped3A = tpu.sem_alloc : memref<!tpu.dma_semaphore, #tpu.memory_space<semaphore_mem>>
      tpu.enqueue_dma source(%arg3 : memref<128x16xf32, #tpu.memory_space<hbm>>) target(%arg7 : memref<128x16xf32, #tpu.memory_space<vmem>>) target_semaphore(%run_scoped3A : memref<!tpu.dma_semaphore, #tpu.memory_space<semaphore_mem>>)
      tpu.wait_dma2 semaphore(%run_scoped3A : memref<!tpu.dma_semaphore, #tpu.memory_space<semaphore_mem>>) src(%arg3 : memref<128x16xf32, #tpu.memory_space<hbm>>) dst(%arg7 : memref<128x16xf32, #tpu.memory_space<vmem>>)
      tpu.yield
    }) : () -> ()
    %barrier3A = arith.constant 0 : index
    tpu.barrier barrier_id(%barrier3A)
    %scan3A = arith.constant 0 : i32
    %scan3A_3 = arith.constant 0 : i32
    %scan3A_4 = arith.constant 80 : i32
    %scan3A_5 = arith.addi %scan3A_3, %scan3A_4 : i32
    %scan3A_6 = arith.constant 1 : i32
    scf.for %scan3A_9 = %scan3A_3 to %scan3A_5 step %scan3A_6  : i32 {
      "tpu.region"() ({
        %run_scoped3A = tpu.sem_alloc : memref<!tpu.dma_semaphore, #tpu.memory_space<semaphore_mem>>
        %dma_start3A = arith.constant 0 : i32
        %dma_start3A_10 = tpu.memref_slice %arg6[%scan3A_9, %dma_start3A] : memref<80x128xi32, #tpu.memory_space<vmem>> -> memref<1x128xi32, #tpu.memory_space<vmem>>
        %dma_start3A_11 = tpu.memref_squeeze %dma_start3A_10 : memref<1x128xi32, #tpu.memory_space<vmem>> -> memref<128xi32, #tpu.memory_space<vmem>>
        %dma_start3A_12 = arith.constant 0 : i32
        %dma_start3A_13 = arith.constant 0 : i32
        %dma_start3A_14 = tpu.memref_slice %arg8[%dma_start3A_12, %dma_start3A_13] : memref<10112x16xf32, #tpu.memory_space<vmem_shared>> -> memref<10112x16xf32, #tpu.memory_space<vmem_shared>>
        tpu.enqueue_indirect_dma source(%arg7 : memref<128x16xf32, #tpu.memory_space<vmem>>) target(%dma_start3A_14 : memref<10112x16xf32, #tpu.memory_space<vmem_shared>>) offsets(%dma_start3A_11 : memref<128xi32, #tpu.memory_space<vmem>>) semaphore(%run_scoped3A : memref<!tpu.dma_semaphore, #tpu.memory_space<semaphore_mem>>) {add = true}
        %dma_wait3A = arith.constant 0 : i32
        %dma_wait3A_15 = tpu.memref_slice %arg6[%scan3A_9, %dma_wait3A] : memref<80x128xi32, #tpu.memory_space<vmem>> -> memref<1x128xi32, #tpu.memory_space<vmem>>
        %dma_wait3A_16 = tpu.memref_squeeze %dma_wait3A_15 : memref<1x128xi32, #tpu.memory_space<vmem>> -> memref<128xi32, #tpu.memory_space<vmem>>
        %dma_wait3A_17 = arith.constant 0 : i32
        %dma_wait3A_18 = arith.constant 0 : i32
        %dma_wait3A_19 = tpu.memref_slice %arg8[%dma_wait3A_17, %dma_wait3A_18] : memref<10112x16xf32, #tpu.memory_space<vmem_shared>> -> memref<10112x16xf32, #tpu.memory_space<vmem_shared>>
        tpu.wait_indirect_dma semaphore(%run_scoped3A : memref<!tpu.dma_semaphore, #tpu.memory_space<semaphore_mem>>) src(%arg7 : memref<128x16xf32, #tpu.memory_space<vmem>>) dst(%dma_wait3A_19 : memref<10112x16xf32, #tpu.memory_space<vmem_shared>>)
        tpu.yield
      }) : () -> ()
    }
    %scan3A_7 = arith.constant 80 : i32
    %barrier3A_8 = arith.constant 0 : index
    tpu.barrier barrier_id(%barrier3A_8)
    "tpu.region"() ({
      %run_scoped3A = tpu.sem_alloc : memref<!tpu.dma_semaphore, #tpu.memory_space<semaphore_mem>>
      %dma_start3A = arith.constant 0 : i32
      %dma_start3A_9 = tpu.memref_slice %arg5[%arg0, %mul3A_2, %dma_start3A] : memref<2x10112x16xf32, #tpu.memory_space<hbm>> -> memref<1x632x16xf32, #tpu.memory_space<hbm>>
      %dma_start3A_10 = tpu.memref_squeeze %dma_start3A_9 : memref<1x632x16xf32, #tpu.memory_space<hbm>> -> memref<632x16xf32, #tpu.memory_space<hbm>>
      %dma_start3A_11 = arith.constant 0 : i32
      %dma_start3A_12 = tpu.memref_slice %arg8[%mul3A_2, %dma_start3A_11] : memref<10112x16xf32, #tpu.memory_space<vmem_shared>> -> memref<632x16xf32, #tpu.memory_space<vmem_shared>>
      tpu.enqueue_dma source(%dma_start3A_12 : memref<632x16xf32, #tpu.memory_space<vmem_shared>>) target(%dma_start3A_10 : memref<632x16xf32, #tpu.memory_space<hbm>>) target_semaphore(%run_scoped3A : memref<!tpu.dma_semaphore, #tpu.memory_space<semaphore_mem>>)
      %dma_wait3A = arith.constant 0 : i32
      %dma_wait3A_13 = tpu.memref_slice %arg5[%arg0, %mul3A_2, %dma_wait3A] : memref<2x10112x16xf32, #tpu.memory_space<hbm>> -> memref<1x632x16xf32, #tpu.memory_space<hbm>>
      %dma_wait3A_14 = tpu.memref_squeeze %dma_wait3A_13 : memref<1x632x16xf32, #tpu.memory_space<hbm>> -> memref<632x16xf32, #tpu.memory_space<hbm>>
      %dma_wait3A_15 = arith.constant 0 : i32
      %dma_wait3A_16 = tpu.memref_slice %arg8[%mul3A_2, %dma_wait3A_15] : memref<10112x16xf32, #tpu.memory_space<vmem_shared>> -> memref<632x16xf32, #tpu.memory_space<vmem_shared>>
      tpu.wait_dma2 semaphore(%run_scoped3A : memref<!tpu.dma_semaphore, #tpu.memory_space<semaphore_mem>>) src(%dma_wait3A_16 : memref<632x16xf32, #tpu.memory_space<vmem_shared>>) dst(%dma_wait3A_14 : memref<632x16xf32, #tpu.memory_space<hbm>>)
      tpu.yield
    }) : () -> ()
    return
  }
}

#map = affine_map<(d0, d1) -> (0, 0)>
#map1 = affine_map<(d0, d1) -> (0, 0, 0)>
module attributes {stable_mosaic.version = 14 : i64} {
  func.func @body(%arg0: i32, %arg1: i32, %arg2: memref<10112x64xf32, #tpu.memory_space<hbm>>, %arg3: memref<32x80x128xi32, #tpu.memory_space<hbm>>, %arg4: memref<32x80x128xi32, #tpu.memory_space<hbm>>, %arg5: memref<10112x64xf32, #tpu.memory_space<hbm>>, %arg6: memref<2x10112x64xf32, #tpu.memory_space<hbm>>, %arg7: memref<80x128xi32, #tpu.memory_space<vmem>>, %arg8: memref<80x128xi32, #tpu.memory_space<vmem>>, %arg9: memref<128x64xf32, #tpu.memory_space<vmem>>, %arg10: memref<10112x64xf32, #tpu.memory_space<vmem_shared>>) attributes {dimension_semantics = [#tpu.dimension_semantics<core_parallel>, #tpu.dimension_semantics<subcore_parallel>], iteration_bounds = array<i64: 2, 16>, scalar_prefetch = 0 : i64, scratch_operands = 4 : i64, tpu.core_type = #tpu.core_type<sc_vector_subcore>, window_params = [{transform_indices = #map}, {transform_indices = #map1}, {transform_indices = #map1}, {transform_indices = #map}, {transform_indices = #map1}]} {
    %mul3A = arith.constant 16 : i32
    %mul3A_0 = arith.muli %arg0, %mul3A : i32
    %add3A = arith.addi %mul3A_0, %arg1 : i32
    %mul3A_1 = arith.constant 632 : i32
    %mul3A_2 = arith.muli %arg1, %mul3A_1 : i32
    "tpu.region"() ({
      %run_scoped3A = tpu.sem_alloc : memref<!tpu.dma_semaphore, #tpu.memory_space<semaphore_mem>>
      %dma_start3A = arith.constant 0 : i32
      %dma_start3A_9 = tpu.memref_slice %arg10[%mul3A_2, %dma_start3A] : memref<10112x64xf32, #tpu.memory_space<vmem_shared>> -> memref<632x64xf32, #tpu.memory_space<vmem_shared>>
      %dma_start3A_10 = arith.constant 0 : i32
      %dma_start3A_11 = tpu.memref_slice %arg5[%mul3A_2, %dma_start3A_10] : memref<10112x64xf32, #tpu.memory_space<hbm>> -> memref<632x64xf32, #tpu.memory_space<hbm>>
      tpu.enqueue_dma source(%dma_start3A_11 : memref<632x64xf32, #tpu.memory_space<hbm>>) target(%dma_start3A_9 : memref<632x64xf32, #tpu.memory_space<vmem_shared>>) target_semaphore(%run_scoped3A : memref<!tpu.dma_semaphore, #tpu.memory_space<semaphore_mem>>)
      %dma_wait3A = arith.constant 0 : i32
      %dma_wait3A_12 = tpu.memref_slice %arg10[%mul3A_2, %dma_wait3A] : memref<10112x64xf32, #tpu.memory_space<vmem_shared>> -> memref<632x64xf32, #tpu.memory_space<vmem_shared>>
      %dma_wait3A_13 = arith.constant 0 : i32
      %dma_wait3A_14 = tpu.memref_slice %arg5[%mul3A_2, %dma_wait3A_13] : memref<10112x64xf32, #tpu.memory_space<hbm>> -> memref<632x64xf32, #tpu.memory_space<hbm>>
      tpu.wait_dma2 semaphore(%run_scoped3A : memref<!tpu.dma_semaphore, #tpu.memory_space<semaphore_mem>>) src(%dma_wait3A_14 : memref<632x64xf32, #tpu.memory_space<hbm>>) dst(%dma_wait3A_12 : memref<632x64xf32, #tpu.memory_space<vmem_shared>>)
      tpu.yield
    }) : () -> ()
    "tpu.region"() ({
      %run_scoped3A = tpu.sem_alloc : memref<!tpu.dma_semaphore, #tpu.memory_space<semaphore_mem>>
      %dma_start3A = arith.constant 0 : i32
      %dma_start3A_9 = arith.constant 0 : i32
      %dma_start3A_10 = tpu.memref_slice %arg3[%add3A, %dma_start3A, %dma_start3A_9] : memref<32x80x128xi32, #tpu.memory_space<hbm>> -> memref<1x80x128xi32, #tpu.memory_space<hbm>>
      %dma_start3A_11 = tpu.memref_squeeze %dma_start3A_10 : memref<1x80x128xi32, #tpu.memory_space<hbm>> -> memref<80x128xi32, #tpu.memory_space<hbm>>
      %dma_start3A_12 = arith.constant 0 : i32
      %dma_start3A_13 = arith.constant 0 : i32
      %dma_start3A_14 = tpu.memref_slice %arg3[%add3A, %dma_start3A_12, %dma_start3A_13] : memref<32x80x128xi32, #tpu.memory_space<hbm>> -> memref<1x80x128xi32, #tpu.memory_space<hbm>>
      %dma_start3A_15 = tpu.memref_squeeze %dma_start3A_14 : memref<1x80x128xi32, #tpu.memory_space<hbm>> -> memref<80x128xi32, #tpu.memory_space<hbm>>
      tpu.enqueue_dma source(%dma_start3A_15 : memref<80x128xi32, #tpu.memory_space<hbm>>) target(%arg7 : memref<80x128xi32, #tpu.memory_space<vmem>>) target_semaphore(%run_scoped3A : memref<!tpu.dma_semaphore, #tpu.memory_space<semaphore_mem>>)
      %dma_wait3A = arith.constant 0 : i32
      %dma_wait3A_16 = arith.constant 0 : i32
      %dma_wait3A_17 = tpu.memref_slice %arg3[%add3A, %dma_wait3A, %dma_wait3A_16] : memref<32x80x128xi32, #tpu.memory_space<hbm>> -> memref<1x80x128xi32, #tpu.memory_space<hbm>>
      %dma_wait3A_18 = tpu.memref_squeeze %dma_wait3A_17 : memref<1x80x128xi32, #tpu.memory_space<hbm>> -> memref<80x128xi32, #tpu.memory_space<hbm>>
      %dma_wait3A_19 = arith.constant 0 : i32
      %dma_wait3A_20 = arith.constant 0 : i32
      %dma_wait3A_21 = tpu.memref_slice %arg3[%add3A, %dma_wait3A_19, %dma_wait3A_20] : memref<32x80x128xi32, #tpu.memory_space<hbm>> -> memref<1x80x128xi32, #tpu.memory_space<hbm>>
      %dma_wait3A_22 = tpu.memref_squeeze %dma_wait3A_21 : memref<1x80x128xi32, #tpu.memory_space<hbm>> -> memref<80x128xi32, #tpu.memory_space<hbm>>
      tpu.wait_dma2 semaphore(%run_scoped3A : memref<!tpu.dma_semaphore, #tpu.memory_space<semaphore_mem>>) src(%dma_wait3A_22 : memref<80x128xi32, #tpu.memory_space<hbm>>) dst(%arg7 : memref<80x128xi32, #tpu.memory_space<vmem>>)
      tpu.yield
    }) : () -> ()
    "tpu.region"() ({
      %run_scoped3A = tpu.sem_alloc : memref<!tpu.dma_semaphore, #tpu.memory_space<semaphore_mem>>
      %dma_start3A = arith.constant 0 : i32
      %dma_start3A_9 = arith.constant 0 : i32
      %dma_start3A_10 = tpu.memref_slice %arg4[%add3A, %dma_start3A, %dma_start3A_9] : memref<32x80x128xi32, #tpu.memory_space<hbm>> -> memref<1x80x128xi32, #tpu.memory_space<hbm>>
      %dma_start3A_11 = tpu.memref_squeeze %dma_start3A_10 : memref<1x80x128xi32, #tpu.memory_space<hbm>> -> memref<80x128xi32, #tpu.memory_space<hbm>>
      %dma_start3A_12 = arith.constant 0 : i32
      %dma_start3A_13 = arith.constant 0 : i32
      %dma_start3A_14 = tpu.memref_slice %arg4[%add3A, %dma_start3A_12, %dma_start3A_13] : memref<32x80x128xi32, #tpu.memory_space<hbm>> -> memref<1x80x128xi32, #tpu.memory_space<hbm>>
      %dma_start3A_15 = tpu.memref_squeeze %dma_start3A_14 : memref<1x80x128xi32, #tpu.memory_space<hbm>> -> memref<80x128xi32, #tpu.memory_space<hbm>>
      tpu.enqueue_dma source(%dma_start3A_15 : memref<80x128xi32, #tpu.memory_space<hbm>>) target(%arg8 : memref<80x128xi32, #tpu.memory_space<vmem>>) target_semaphore(%run_scoped3A : memref<!tpu.dma_semaphore, #tpu.memory_space<semaphore_mem>>)
      %dma_wait3A = arith.constant 0 : i32
      %dma_wait3A_16 = arith.constant 0 : i32
      %dma_wait3A_17 = tpu.memref_slice %arg4[%add3A, %dma_wait3A, %dma_wait3A_16] : memref<32x80x128xi32, #tpu.memory_space<hbm>> -> memref<1x80x128xi32, #tpu.memory_space<hbm>>
      %dma_wait3A_18 = tpu.memref_squeeze %dma_wait3A_17 : memref<1x80x128xi32, #tpu.memory_space<hbm>> -> memref<80x128xi32, #tpu.memory_space<hbm>>
      %dma_wait3A_19 = arith.constant 0 : i32
      %dma_wait3A_20 = arith.constant 0 : i32
      %dma_wait3A_21 = tpu.memref_slice %arg4[%add3A, %dma_wait3A_19, %dma_wait3A_20] : memref<32x80x128xi32, #tpu.memory_space<hbm>> -> memref<1x80x128xi32, #tpu.memory_space<hbm>>
      %dma_wait3A_22 = tpu.memref_squeeze %dma_wait3A_21 : memref<1x80x128xi32, #tpu.memory_space<hbm>> -> memref<80x128xi32, #tpu.memory_space<hbm>>
      tpu.wait_dma2 semaphore(%run_scoped3A : memref<!tpu.dma_semaphore, #tpu.memory_space<semaphore_mem>>) src(%dma_wait3A_22 : memref<80x128xi32, #tpu.memory_space<hbm>>) dst(%arg8 : memref<80x128xi32, #tpu.memory_space<vmem>>)
      tpu.yield
    }) : () -> ()
    %barrier3A = arith.constant 0 : index
    tpu.barrier barrier_id(%barrier3A)
    %scan3A = arith.constant 0 : i32
    %scan3A_3 = arith.constant 0 : i32
    %scan3A_4 = arith.constant 80 : i32
    %scan3A_5 = arith.addi %scan3A_3, %scan3A_4 : i32
    %scan3A_6 = arith.constant 1 : i32
    scf.for %scan3A_9 = %scan3A_3 to %scan3A_5 step %scan3A_6  : i32 {
      "tpu.region"() ({
        %run_scoped3A = tpu.sem_alloc : memref<!tpu.dma_semaphore, #tpu.memory_space<semaphore_mem>>
        %dma_start3A = arith.constant 0 : i32
        %dma_start3A_10 = tpu.memref_slice %arg7[%scan3A_9, %dma_start3A] : memref<80x128xi32, #tpu.memory_space<vmem>> -> memref<1x128xi32, #tpu.memory_space<vmem>>
        %dma_start3A_11 = tpu.memref_squeeze %dma_start3A_10 : memref<1x128xi32, #tpu.memory_space<vmem>> -> memref<128xi32, #tpu.memory_space<vmem>>
        %dma_start3A_12 = arith.constant 0 : i32
        %dma_start3A_13 = arith.constant 0 : i32
        %dma_start3A_14 = tpu.memref_slice %arg2[%dma_start3A_12, %dma_start3A_13] : memref<10112x64xf32, #tpu.memory_space<hbm>> -> memref<10112x64xf32, #tpu.memory_space<hbm>>
        tpu.enqueue_indirect_dma source(%dma_start3A_14 : memref<10112x64xf32, #tpu.memory_space<hbm>>) target(%arg9 : memref<128x64xf32, #tpu.memory_space<vmem>>) offsets(%dma_start3A_11 : memref<128xi32, #tpu.memory_space<vmem>>) semaphore(%run_scoped3A : memref<!tpu.dma_semaphore, #tpu.memory_space<semaphore_mem>>)
        %dma_wait3A = arith.constant 0 : i32
        %dma_wait3A_15 = tpu.memref_slice %arg7[%scan3A_9, %dma_wait3A] : memref<80x128xi32, #tpu.memory_space<vmem>> -> memref<1x128xi32, #tpu.memory_space<vmem>>
        %dma_wait3A_16 = tpu.memref_squeeze %dma_wait3A_15 : memref<1x128xi32, #tpu.memory_space<vmem>> -> memref<128xi32, #tpu.memory_space<vmem>>
        %dma_wait3A_17 = arith.constant 0 : i32
        %dma_wait3A_18 = arith.constant 0 : i32
        %dma_wait3A_19 = tpu.memref_slice %arg2[%dma_wait3A_17, %dma_wait3A_18] : memref<10112x64xf32, #tpu.memory_space<hbm>> -> memref<10112x64xf32, #tpu.memory_space<hbm>>
        tpu.wait_indirect_dma semaphore(%run_scoped3A : memref<!tpu.dma_semaphore, #tpu.memory_space<semaphore_mem>>) src(%dma_wait3A_19 : memref<10112x64xf32, #tpu.memory_space<hbm>>) dst(%arg9 : memref<128x64xf32, #tpu.memory_space<vmem>>)
        tpu.yield
      }) : () -> ()
      "tpu.region"() ({
        %run_scoped3A = tpu.sem_alloc : memref<!tpu.dma_semaphore, #tpu.memory_space<semaphore_mem>>
        %dma_start3A = arith.constant 0 : i32
        %dma_start3A_10 = tpu.memref_slice %arg8[%scan3A_9, %dma_start3A] : memref<80x128xi32, #tpu.memory_space<vmem>> -> memref<1x128xi32, #tpu.memory_space<vmem>>
        %dma_start3A_11 = tpu.memref_squeeze %dma_start3A_10 : memref<1x128xi32, #tpu.memory_space<vmem>> -> memref<128xi32, #tpu.memory_space<vmem>>
        %dma_start3A_12 = arith.constant 0 : i32
        %dma_start3A_13 = arith.constant 0 : i32
        %dma_start3A_14 = tpu.memref_slice %arg10[%dma_start3A_12, %dma_start3A_13] : memref<10112x64xf32, #tpu.memory_space<vmem_shared>> -> memref<10112x64xf32, #tpu.memory_space<vmem_shared>>
        tpu.enqueue_indirect_dma source(%arg9 : memref<128x64xf32, #tpu.memory_space<vmem>>) target(%dma_start3A_14 : memref<10112x64xf32, #tpu.memory_space<vmem_shared>>) offsets(%dma_start3A_11 : memref<128xi32, #tpu.memory_space<vmem>>) semaphore(%run_scoped3A : memref<!tpu.dma_semaphore, #tpu.memory_space<semaphore_mem>>) {add = true}
        %dma_wait3A = arith.constant 0 : i32
        %dma_wait3A_15 = tpu.memref_slice %arg8[%scan3A_9, %dma_wait3A] : memref<80x128xi32, #tpu.memory_space<vmem>> -> memref<1x128xi32, #tpu.memory_space<vmem>>
        %dma_wait3A_16 = tpu.memref_squeeze %dma_wait3A_15 : memref<1x128xi32, #tpu.memory_space<vmem>> -> memref<128xi32, #tpu.memory_space<vmem>>
        %dma_wait3A_17 = arith.constant 0 : i32
        %dma_wait3A_18 = arith.constant 0 : i32
        %dma_wait3A_19 = tpu.memref_slice %arg10[%dma_wait3A_17, %dma_wait3A_18] : memref<10112x64xf32, #tpu.memory_space<vmem_shared>> -> memref<10112x64xf32, #tpu.memory_space<vmem_shared>>
        tpu.wait_indirect_dma semaphore(%run_scoped3A : memref<!tpu.dma_semaphore, #tpu.memory_space<semaphore_mem>>) src(%arg9 : memref<128x64xf32, #tpu.memory_space<vmem>>) dst(%dma_wait3A_19 : memref<10112x64xf32, #tpu.memory_space<vmem_shared>>)
        tpu.yield
      }) : () -> ()
    }
    %scan3A_7 = arith.constant 80 : i32
    %barrier3A_8 = arith.constant 0 : index
    tpu.barrier barrier_id(%barrier3A_8)
    "tpu.region"() ({
      %run_scoped3A = tpu.sem_alloc : memref<!tpu.dma_semaphore, #tpu.memory_space<semaphore_mem>>
      %dma_start3A = arith.constant 0 : i32
      %dma_start3A_9 = tpu.memref_slice %arg6[%arg0, %mul3A_2, %dma_start3A] : memref<2x10112x64xf32, #tpu.memory_space<hbm>> -> memref<1x632x64xf32, #tpu.memory_space<hbm>>
      %dma_start3A_10 = tpu.memref_squeeze %dma_start3A_9 : memref<1x632x64xf32, #tpu.memory_space<hbm>> -> memref<632x64xf32, #tpu.memory_space<hbm>>
      %dma_start3A_11 = arith.constant 0 : i32
      %dma_start3A_12 = tpu.memref_slice %arg10[%mul3A_2, %dma_start3A_11] : memref<10112x64xf32, #tpu.memory_space<vmem_shared>> -> memref<632x64xf32, #tpu.memory_space<vmem_shared>>
      tpu.enqueue_dma source(%dma_start3A_12 : memref<632x64xf32, #tpu.memory_space<vmem_shared>>) target(%dma_start3A_10 : memref<632x64xf32, #tpu.memory_space<hbm>>) target_semaphore(%run_scoped3A : memref<!tpu.dma_semaphore, #tpu.memory_space<semaphore_mem>>)
      %dma_wait3A = arith.constant 0 : i32
      %dma_wait3A_13 = tpu.memref_slice %arg6[%arg0, %mul3A_2, %dma_wait3A] : memref<2x10112x64xf32, #tpu.memory_space<hbm>> -> memref<1x632x64xf32, #tpu.memory_space<hbm>>
      %dma_wait3A_14 = tpu.memref_squeeze %dma_wait3A_13 : memref<1x632x64xf32, #tpu.memory_space<hbm>> -> memref<632x64xf32, #tpu.memory_space<hbm>>
      %dma_wait3A_15 = arith.constant 0 : i32
      %dma_wait3A_16 = tpu.memref_slice %arg10[%mul3A_2, %dma_wait3A_15] : memref<10112x64xf32, #tpu.memory_space<vmem_shared>> -> memref<632x64xf32, #tpu.memory_space<vmem_shared>>
      tpu.wait_dma2 semaphore(%run_scoped3A : memref<!tpu.dma_semaphore, #tpu.memory_space<semaphore_mem>>) src(%dma_wait3A_16 : memref<632x64xf32, #tpu.memory_space<vmem_shared>>) dst(%dma_wait3A_14 : memref<632x64xf32, #tpu.memory_space<hbm>>)
      tpu.yield
    }) : () -> ()
    return
  }
}

#map = affine_map<(d0, d1) -> (0, 0)>
#map1 = affine_map<(d0, d1) -> (0, 0, 0)>
module attributes {stable_mosaic.version = 14 : i64} {
  func.func @body(%arg0: i32, %arg1: i32, %arg2: memref<10112x96xf32, #tpu.memory_space<hbm>>, %arg3: memref<32x80x128xi32, #tpu.memory_space<hbm>>, %arg4: memref<32x80x128xi32, #tpu.memory_space<hbm>>, %arg5: memref<10112x96xf32, #tpu.memory_space<hbm>>, %arg6: memref<2x10112x96xf32, #tpu.memory_space<hbm>>, %arg7: memref<80x128xi32, #tpu.memory_space<vmem>>, %arg8: memref<80x128xi32, #tpu.memory_space<vmem>>, %arg9: memref<128x96xf32, #tpu.memory_space<vmem>>, %arg10: memref<10112x96xf32, #tpu.memory_space<vmem_shared>>) attributes {dimension_semantics = [#tpu.dimension_semantics<core_parallel>, #tpu.dimension_semantics<subcore_parallel>], iteration_bounds = array<i64: 2, 16>, scalar_prefetch = 0 : i64, scratch_operands = 4 : i64, tpu.core_type = #tpu.core_type<sc_vector_subcore>, window_params = [{transform_indices = #map}, {transform_indices = #map1}, {transform_indices = #map1}, {transform_indices = #map}, {transform_indices = #map1}]} {
    %mul3A = arith.constant 16 : i32
    %mul3A_0 = arith.muli %arg0, %mul3A : i32
    %add3A = arith.addi %mul3A_0, %arg1 : i32
    %mul3A_1 = arith.constant 632 : i32
    %mul3A_2 = arith.muli %arg1, %mul3A_1 : i32
    "tpu.region"() ({
      %run_scoped3A = tpu.sem_alloc : memref<!tpu.dma_semaphore, #tpu.memory_space<semaphore_mem>>
      %dma_start3A = arith.constant 0 : i32
      %dma_start3A_9 = tpu.memref_slice %arg10[%mul3A_2, %dma_start3A] : memref<10112x96xf32, #tpu.memory_space<vmem_shared>> -> memref<632x96xf32, #tpu.memory_space<vmem_shared>>
      %dma_start3A_10 = arith.constant 0 : i32
      %dma_start3A_11 = tpu.memref_slice %arg5[%mul3A_2, %dma_start3A_10] : memref<10112x96xf32, #tpu.memory_space<hbm>> -> memref<632x96xf32, #tpu.memory_space<hbm>>
      tpu.enqueue_dma source(%dma_start3A_11 : memref<632x96xf32, #tpu.memory_space<hbm>>) target(%dma_start3A_9 : memref<632x96xf32, #tpu.memory_space<vmem_shared>>) target_semaphore(%run_scoped3A : memref<!tpu.dma_semaphore, #tpu.memory_space<semaphore_mem>>)
      %dma_wait3A = arith.constant 0 : i32
      %dma_wait3A_12 = tpu.memref_slice %arg10[%mul3A_2, %dma_wait3A] : memref<10112x96xf32, #tpu.memory_space<vmem_shared>> -> memref<632x96xf32, #tpu.memory_space<vmem_shared>>
      %dma_wait3A_13 = arith.constant 0 : i32
      %dma_wait3A_14 = tpu.memref_slice %arg5[%mul3A_2, %dma_wait3A_13] : memref<10112x96xf32, #tpu.memory_space<hbm>> -> memref<632x96xf32, #tpu.memory_space<hbm>>
      tpu.wait_dma2 semaphore(%run_scoped3A : memref<!tpu.dma_semaphore, #tpu.memory_space<semaphore_mem>>) src(%dma_wait3A_14 : memref<632x96xf32, #tpu.memory_space<hbm>>) dst(%dma_wait3A_12 : memref<632x96xf32, #tpu.memory_space<vmem_shared>>)
      tpu.yield
    }) : () -> ()
    "tpu.region"() ({
      %run_scoped3A = tpu.sem_alloc : memref<!tpu.dma_semaphore, #tpu.memory_space<semaphore_mem>>
      %dma_start3A = arith.constant 0 : i32
      %dma_start3A_9 = arith.constant 0 : i32
      %dma_start3A_10 = tpu.memref_slice %arg3[%add3A, %dma_start3A, %dma_start3A_9] : memref<32x80x128xi32, #tpu.memory_space<hbm>> -> memref<1x80x128xi32, #tpu.memory_space<hbm>>
      %dma_start3A_11 = tpu.memref_squeeze %dma_start3A_10 : memref<1x80x128xi32, #tpu.memory_space<hbm>> -> memref<80x128xi32, #tpu.memory_space<hbm>>
      %dma_start3A_12 = arith.constant 0 : i32
      %dma_start3A_13 = arith.constant 0 : i32
      %dma_start3A_14 = tpu.memref_slice %arg3[%add3A, %dma_start3A_12, %dma_start3A_13] : memref<32x80x128xi32, #tpu.memory_space<hbm>> -> memref<1x80x128xi32, #tpu.memory_space<hbm>>
      %dma_start3A_15 = tpu.memref_squeeze %dma_start3A_14 : memref<1x80x128xi32, #tpu.memory_space<hbm>> -> memref<80x128xi32, #tpu.memory_space<hbm>>
      tpu.enqueue_dma source(%dma_start3A_15 : memref<80x128xi32, #tpu.memory_space<hbm>>) target(%arg7 : memref<80x128xi32, #tpu.memory_space<vmem>>) target_semaphore(%run_scoped3A : memref<!tpu.dma_semaphore, #tpu.memory_space<semaphore_mem>>)
      %dma_wait3A = arith.constant 0 : i32
      %dma_wait3A_16 = arith.constant 0 : i32
      %dma_wait3A_17 = tpu.memref_slice %arg3[%add3A, %dma_wait3A, %dma_wait3A_16] : memref<32x80x128xi32, #tpu.memory_space<hbm>> -> memref<1x80x128xi32, #tpu.memory_space<hbm>>
      %dma_wait3A_18 = tpu.memref_squeeze %dma_wait3A_17 : memref<1x80x128xi32, #tpu.memory_space<hbm>> -> memref<80x128xi32, #tpu.memory_space<hbm>>
      %dma_wait3A_19 = arith.constant 0 : i32
      %dma_wait3A_20 = arith.constant 0 : i32
      %dma_wait3A_21 = tpu.memref_slice %arg3[%add3A, %dma_wait3A_19, %dma_wait3A_20] : memref<32x80x128xi32, #tpu.memory_space<hbm>> -> memref<1x80x128xi32, #tpu.memory_space<hbm>>
      %dma_wait3A_22 = tpu.memref_squeeze %dma_wait3A_21 : memref<1x80x128xi32, #tpu.memory_space<hbm>> -> memref<80x128xi32, #tpu.memory_space<hbm>>
      tpu.wait_dma2 semaphore(%run_scoped3A : memref<!tpu.dma_semaphore, #tpu.memory_space<semaphore_mem>>) src(%dma_wait3A_22 : memref<80x128xi32, #tpu.memory_space<hbm>>) dst(%arg7 : memref<80x128xi32, #tpu.memory_space<vmem>>)
      tpu.yield
    }) : () -> ()
    "tpu.region"() ({
      %run_scoped3A = tpu.sem_alloc : memref<!tpu.dma_semaphore, #tpu.memory_space<semaphore_mem>>
      %dma_start3A = arith.constant 0 : i32
      %dma_start3A_9 = arith.constant 0 : i32
      %dma_start3A_10 = tpu.memref_slice %arg4[%add3A, %dma_start3A, %dma_start3A_9] : memref<32x80x128xi32, #tpu.memory_space<hbm>> -> memref<1x80x128xi32, #tpu.memory_space<hbm>>
      %dma_start3A_11 = tpu.memref_squeeze %dma_start3A_10 : memref<1x80x128xi32, #tpu.memory_space<hbm>> -> memref<80x128xi32, #tpu.memory_space<hbm>>
      %dma_start3A_12 = arith.constant 0 : i32
      %dma_start3A_13 = arith.constant 0 : i32
      %dma_start3A_14 = tpu.memref_slice %arg4[%add3A, %dma_start3A_12, %dma_start3A_13] : memref<32x80x128xi32, #tpu.memory_space<hbm>> -> memref<1x80x128xi32, #tpu.memory_space<hbm>>
      %dma_start3A_15 = tpu.memref_squeeze %dma_start3A_14 : memref<1x80x128xi32, #tpu.memory_space<hbm>> -> memref<80x128xi32, #tpu.memory_space<hbm>>
      tpu.enqueue_dma source(%dma_start3A_15 : memref<80x128xi32, #tpu.memory_space<hbm>>) target(%arg8 : memref<80x128xi32, #tpu.memory_space<vmem>>) target_semaphore(%run_scoped3A : memref<!tpu.dma_semaphore, #tpu.memory_space<semaphore_mem>>)
      %dma_wait3A = arith.constant 0 : i32
      %dma_wait3A_16 = arith.constant 0 : i32
      %dma_wait3A_17 = tpu.memref_slice %arg4[%add3A, %dma_wait3A, %dma_wait3A_16] : memref<32x80x128xi32, #tpu.memory_space<hbm>> -> memref<1x80x128xi32, #tpu.memory_space<hbm>>
      %dma_wait3A_18 = tpu.memref_squeeze %dma_wait3A_17 : memref<1x80x128xi32, #tpu.memory_space<hbm>> -> memref<80x128xi32, #tpu.memory_space<hbm>>
      %dma_wait3A_19 = arith.constant 0 : i32
      %dma_wait3A_20 = arith.constant 0 : i32
      %dma_wait3A_21 = tpu.memref_slice %arg4[%add3A, %dma_wait3A_19, %dma_wait3A_20] : memref<32x80x128xi32, #tpu.memory_space<hbm>> -> memref<1x80x128xi32, #tpu.memory_space<hbm>>
      %dma_wait3A_22 = tpu.memref_squeeze %dma_wait3A_21 : memref<1x80x128xi32, #tpu.memory_space<hbm>> -> memref<80x128xi32, #tpu.memory_space<hbm>>
      tpu.wait_dma2 semaphore(%run_scoped3A : memref<!tpu.dma_semaphore, #tpu.memory_space<semaphore_mem>>) src(%dma_wait3A_22 : memref<80x128xi32, #tpu.memory_space<hbm>>) dst(%arg8 : memref<80x128xi32, #tpu.memory_space<vmem>>)
      tpu.yield
    }) : () -> ()
    %barrier3A = arith.constant 0 : index
    tpu.barrier barrier_id(%barrier3A)
    %scan3A = arith.constant 0 : i32
    %scan3A_3 = arith.constant 0 : i32
    %scan3A_4 = arith.constant 80 : i32
    %scan3A_5 = arith.addi %scan3A_3, %scan3A_4 : i32
    %scan3A_6 = arith.constant 1 : i32
    scf.for %scan3A_9 = %scan3A_3 to %scan3A_5 step %scan3A_6  : i32 {
      "tpu.region"() ({
        %run_scoped3A = tpu.sem_alloc : memref<!tpu.dma_semaphore, #tpu.memory_space<semaphore_mem>>
        %dma_start3A = arith.constant 0 : i32
        %dma_start3A_10 = tpu.memref_slice %arg7[%scan3A_9, %dma_start3A] : memref<80x128xi32, #tpu.memory_space<vmem>> -> memref<1x128xi32, #tpu.memory_space<vmem>>
        %dma_start3A_11 = tpu.memref_squeeze %dma_start3A_10 : memref<1x128xi32, #tpu.memory_space<vmem>> -> memref<128xi32, #tpu.memory_space<vmem>>
        %dma_start3A_12 = arith.constant 0 : i32
        %dma_start3A_13 = arith.constant 0 : i32
        %dma_start3A_14 = tpu.memref_slice %arg2[%dma_start3A_12, %dma_start3A_13] : memref<10112x96xf32, #tpu.memory_space<hbm>> -> memref<10112x96xf32, #tpu.memory_space<hbm>>
        tpu.enqueue_indirect_dma source(%dma_start3A_14 : memref<10112x96xf32, #tpu.memory_space<hbm>>) target(%arg9 : memref<128x96xf32, #tpu.memory_space<vmem>>) offsets(%dma_start3A_11 : memref<128xi32, #tpu.memory_space<vmem>>) semaphore(%run_scoped3A : memref<!tpu.dma_semaphore, #tpu.memory_space<semaphore_mem>>)
        %dma_wait3A = arith.constant 0 : i32
        %dma_wait3A_15 = tpu.memref_slice %arg7[%scan3A_9, %dma_wait3A] : memref<80x128xi32, #tpu.memory_space<vmem>> -> memref<1x128xi32, #tpu.memory_space<vmem>>
        %dma_wait3A_16 = tpu.memref_squeeze %dma_wait3A_15 : memref<1x128xi32, #tpu.memory_space<vmem>> -> memref<128xi32, #tpu.memory_space<vmem>>
        %dma_wait3A_17 = arith.constant 0 : i32
        %dma_wait3A_18 = arith.constant 0 : i32
        %dma_wait3A_19 = tpu.memref_slice %arg2[%dma_wait3A_17, %dma_wait3A_18] : memref<10112x96xf32, #tpu.memory_space<hbm>> -> memref<10112x96xf32, #tpu.memory_space<hbm>>
        tpu.wait_indirect_dma semaphore(%run_scoped3A : memref<!tpu.dma_semaphore, #tpu.memory_space<semaphore_mem>>) src(%dma_wait3A_19 : memref<10112x96xf32, #tpu.memory_space<hbm>>) dst(%arg9 : memref<128x96xf32, #tpu.memory_space<vmem>>)
        tpu.yield
      }) : () -> ()
      "tpu.region"() ({
        %run_scoped3A = tpu.sem_alloc : memref<!tpu.dma_semaphore, #tpu.memory_space<semaphore_mem>>
        %dma_start3A = arith.constant 0 : i32
        %dma_start3A_10 = tpu.memref_slice %arg8[%scan3A_9, %dma_start3A] : memref<80x128xi32, #tpu.memory_space<vmem>> -> memref<1x128xi32, #tpu.memory_space<vmem>>
        %dma_start3A_11 = tpu.memref_squeeze %dma_start3A_10 : memref<1x128xi32, #tpu.memory_space<vmem>> -> memref<128xi32, #tpu.memory_space<vmem>>
        %dma_start3A_12 = arith.constant 0 : i32
        %dma_start3A_13 = arith.constant 0 : i32
        %dma_start3A_14 = tpu.memref_slice %arg10[%dma_start3A_12, %dma_start3A_13] : memref<10112x96xf32, #tpu.memory_space<vmem_shared>> -> memref<10112x96xf32, #tpu.memory_space<vmem_shared>>
        tpu.enqueue_indirect_dma source(%arg9 : memref<128x96xf32, #tpu.memory_space<vmem>>) target(%dma_start3A_14 : memref<10112x96xf32, #tpu.memory_space<vmem_shared>>) offsets(%dma_start3A_11 : memref<128xi32, #tpu.memory_space<vmem>>) semaphore(%run_scoped3A : memref<!tpu.dma_semaphore, #tpu.memory_space<semaphore_mem>>) {add = true}
        %dma_wait3A = arith.constant 0 : i32
        %dma_wait3A_15 = tpu.memref_slice %arg8[%scan3A_9, %dma_wait3A] : memref<80x128xi32, #tpu.memory_space<vmem>> -> memref<1x128xi32, #tpu.memory_space<vmem>>
        %dma_wait3A_16 = tpu.memref_squeeze %dma_wait3A_15 : memref<1x128xi32, #tpu.memory_space<vmem>> -> memref<128xi32, #tpu.memory_space<vmem>>
        %dma_wait3A_17 = arith.constant 0 : i32
        %dma_wait3A_18 = arith.constant 0 : i32
        %dma_wait3A_19 = tpu.memref_slice %arg10[%dma_wait3A_17, %dma_wait3A_18] : memref<10112x96xf32, #tpu.memory_space<vmem_shared>> -> memref<10112x96xf32, #tpu.memory_space<vmem_shared>>
        tpu.wait_indirect_dma semaphore(%run_scoped3A : memref<!tpu.dma_semaphore, #tpu.memory_space<semaphore_mem>>) src(%arg9 : memref<128x96xf32, #tpu.memory_space<vmem>>) dst(%dma_wait3A_19 : memref<10112x96xf32, #tpu.memory_space<vmem_shared>>)
        tpu.yield
      }) : () -> ()
    }
    %scan3A_7 = arith.constant 80 : i32
    %barrier3A_8 = arith.constant 0 : index
    tpu.barrier barrier_id(%barrier3A_8)
    "tpu.region"() ({
      %run_scoped3A = tpu.sem_alloc : memref<!tpu.dma_semaphore, #tpu.memory_space<semaphore_mem>>
      %dma_start3A = arith.constant 0 : i32
      %dma_start3A_9 = tpu.memref_slice %arg6[%arg0, %mul3A_2, %dma_start3A] : memref<2x10112x96xf32, #tpu.memory_space<hbm>> -> memref<1x632x96xf32, #tpu.memory_space<hbm>>
      %dma_start3A_10 = tpu.memref_squeeze %dma_start3A_9 : memref<1x632x96xf32, #tpu.memory_space<hbm>> -> memref<632x96xf32, #tpu.memory_space<hbm>>
      %dma_start3A_11 = arith.constant 0 : i32
      %dma_start3A_12 = tpu.memref_slice %arg10[%mul3A_2, %dma_start3A_11] : memref<10112x96xf32, #tpu.memory_space<vmem_shared>> -> memref<632x96xf32, #tpu.memory_space<vmem_shared>>
      tpu.enqueue_dma source(%dma_start3A_12 : memref<632x96xf32, #tpu.memory_space<vmem_shared>>) target(%dma_start3A_10 : memref<632x96xf32, #tpu.memory_space<hbm>>) target_semaphore(%run_scoped3A : memref<!tpu.dma_semaphore, #tpu.memory_space<semaphore_mem>>)
      %dma_wait3A = arith.constant 0 : i32
      %dma_wait3A_13 = tpu.memref_slice %arg6[%arg0, %mul3A_2, %dma_wait3A] : memref<2x10112x96xf32, #tpu.memory_space<hbm>> -> memref<1x632x96xf32, #tpu.memory_space<hbm>>
      %dma_wait3A_14 = tpu.memref_squeeze %dma_wait3A_13 : memref<1x632x96xf32, #tpu.memory_space<hbm>> -> memref<632x96xf32, #tpu.memory_space<hbm>>
      %dma_wait3A_15 = arith.constant 0 : i32
      %dma_wait3A_16 = tpu.memref_slice %arg10[%mul3A_2, %dma_wait3A_15] : memref<10112x96xf32, #tpu.memory_space<vmem_shared>> -> memref<632x96xf32, #tpu.memory_space<vmem_shared>>
      tpu.wait_dma2 semaphore(%run_scoped3A : memref<!tpu.dma_semaphore, #tpu.memory_space<semaphore_mem>>) src(%dma_wait3A_16 : memref<632x96xf32, #tpu.memory_space<vmem_shared>>) dst(%dma_wait3A_14 : memref<632x96xf32, #tpu.memory_space<hbm>>)
      tpu.yield
    }) : () -> ()
    return
  }
}

#map = affine_map<(d0, d1) -> (0, 0)>
#map1 = affine_map<(d0, d1) -> (0, 0, 0)>
module attributes {stable_mosaic.version = 14 : i64} {
  func.func @body(%arg0: i32, %arg1: i32, %arg2: memref<10112x80xf32, #tpu.memory_space<hbm>>, %arg3: memref<32x80x128xi32, #tpu.memory_space<hbm>>, %arg4: memref<32x80x128xi32, #tpu.memory_space<hbm>>, %arg5: memref<10112x80xf32, #tpu.memory_space<hbm>>, %arg6: memref<2x10112x80xf32, #tpu.memory_space<hbm>>, %arg7: memref<80x128xi32, #tpu.memory_space<vmem>>, %arg8: memref<80x128xi32, #tpu.memory_space<vmem>>, %arg9: memref<128x80xf32, #tpu.memory_space<vmem>>, %arg10: memref<10112x80xf32, #tpu.memory_space<vmem_shared>>) attributes {dimension_semantics = [#tpu.dimension_semantics<core_parallel>, #tpu.dimension_semantics<subcore_parallel>], iteration_bounds = array<i64: 2, 16>, scalar_prefetch = 0 : i64, scratch_operands = 4 : i64, tpu.core_type = #tpu.core_type<sc_vector_subcore>, window_params = [{transform_indices = #map}, {transform_indices = #map1}, {transform_indices = #map1}, {transform_indices = #map}, {transform_indices = #map1}]} {
    %mul3A = arith.constant 16 : i32
    %mul3A_0 = arith.muli %arg0, %mul3A : i32
    %add3A = arith.addi %mul3A_0, %arg1 : i32
    %mul3A_1 = arith.constant 632 : i32
    %mul3A_2 = arith.muli %arg1, %mul3A_1 : i32
    "tpu.region"() ({
      %run_scoped3A = tpu.sem_alloc : memref<!tpu.dma_semaphore, #tpu.memory_space<semaphore_mem>>
      %dma_start3A = arith.constant 0 : i32
      %dma_start3A_9 = tpu.memref_slice %arg10[%mul3A_2, %dma_start3A] : memref<10112x80xf32, #tpu.memory_space<vmem_shared>> -> memref<632x80xf32, #tpu.memory_space<vmem_shared>>
      %dma_start3A_10 = arith.constant 0 : i32
      %dma_start3A_11 = tpu.memref_slice %arg5[%mul3A_2, %dma_start3A_10] : memref<10112x80xf32, #tpu.memory_space<hbm>> -> memref<632x80xf32, #tpu.memory_space<hbm>>
      tpu.enqueue_dma source(%dma_start3A_11 : memref<632x80xf32, #tpu.memory_space<hbm>>) target(%dma_start3A_9 : memref<632x80xf32, #tpu.memory_space<vmem_shared>>) target_semaphore(%run_scoped3A : memref<!tpu.dma_semaphore, #tpu.memory_space<semaphore_mem>>)
      %dma_wait3A = arith.constant 0 : i32
      %dma_wait3A_12 = tpu.memref_slice %arg10[%mul3A_2, %dma_wait3A] : memref<10112x80xf32, #tpu.memory_space<vmem_shared>> -> memref<632x80xf32, #tpu.memory_space<vmem_shared>>
      %dma_wait3A_13 = arith.constant 0 : i32
      %dma_wait3A_14 = tpu.memref_slice %arg5[%mul3A_2, %dma_wait3A_13] : memref<10112x80xf32, #tpu.memory_space<hbm>> -> memref<632x80xf32, #tpu.memory_space<hbm>>
      tpu.wait_dma2 semaphore(%run_scoped3A : memref<!tpu.dma_semaphore, #tpu.memory_space<semaphore_mem>>) src(%dma_wait3A_14 : memref<632x80xf32, #tpu.memory_space<hbm>>) dst(%dma_wait3A_12 : memref<632x80xf32, #tpu.memory_space<vmem_shared>>)
      tpu.yield
    }) : () -> ()
    "tpu.region"() ({
      %run_scoped3A = tpu.sem_alloc : memref<!tpu.dma_semaphore, #tpu.memory_space<semaphore_mem>>
      %dma_start3A = arith.constant 0 : i32
      %dma_start3A_9 = arith.constant 0 : i32
      %dma_start3A_10 = tpu.memref_slice %arg3[%add3A, %dma_start3A, %dma_start3A_9] : memref<32x80x128xi32, #tpu.memory_space<hbm>> -> memref<1x80x128xi32, #tpu.memory_space<hbm>>
      %dma_start3A_11 = tpu.memref_squeeze %dma_start3A_10 : memref<1x80x128xi32, #tpu.memory_space<hbm>> -> memref<80x128xi32, #tpu.memory_space<hbm>>
      %dma_start3A_12 = arith.constant 0 : i32
      %dma_start3A_13 = arith.constant 0 : i32
      %dma_start3A_14 = tpu.memref_slice %arg3[%add3A, %dma_start3A_12, %dma_start3A_13] : memref<32x80x128xi32, #tpu.memory_space<hbm>> -> memref<1x80x128xi32, #tpu.memory_space<hbm>>
      %dma_start3A_15 = tpu.memref_squeeze %dma_start3A_14 : memref<1x80x128xi32, #tpu.memory_space<hbm>> -> memref<80x128xi32, #tpu.memory_space<hbm>>
      tpu.enqueue_dma source(%dma_start3A_15 : memref<80x128xi32, #tpu.memory_space<hbm>>) target(%arg7 : memref<80x128xi32, #tpu.memory_space<vmem>>) target_semaphore(%run_scoped3A : memref<!tpu.dma_semaphore, #tpu.memory_space<semaphore_mem>>)
      %dma_wait3A = arith.constant 0 : i32
      %dma_wait3A_16 = arith.constant 0 : i32
      %dma_wait3A_17 = tpu.memref_slice %arg3[%add3A, %dma_wait3A, %dma_wait3A_16] : memref<32x80x128xi32, #tpu.memory_space<hbm>> -> memref<1x80x128xi32, #tpu.memory_space<hbm>>
      %dma_wait3A_18 = tpu.memref_squeeze %dma_wait3A_17 : memref<1x80x128xi32, #tpu.memory_space<hbm>> -> memref<80x128xi32, #tpu.memory_space<hbm>>
      %dma_wait3A_19 = arith.constant 0 : i32
      %dma_wait3A_20 = arith.constant 0 : i32
      %dma_wait3A_21 = tpu.memref_slice %arg3[%add3A, %dma_wait3A_19, %dma_wait3A_20] : memref<32x80x128xi32, #tpu.memory_space<hbm>> -> memref<1x80x128xi32, #tpu.memory_space<hbm>>
      %dma_wait3A_22 = tpu.memref_squeeze %dma_wait3A_21 : memref<1x80x128xi32, #tpu.memory_space<hbm>> -> memref<80x128xi32, #tpu.memory_space<hbm>>
      tpu.wait_dma2 semaphore(%run_scoped3A : memref<!tpu.dma_semaphore, #tpu.memory_space<semaphore_mem>>) src(%dma_wait3A_22 : memref<80x128xi32, #tpu.memory_space<hbm>>) dst(%arg7 : memref<80x128xi32, #tpu.memory_space<vmem>>)
      tpu.yield
    }) : () -> ()
    "tpu.region"() ({
      %run_scoped3A = tpu.sem_alloc : memref<!tpu.dma_semaphore, #tpu.memory_space<semaphore_mem>>
      %dma_start3A = arith.constant 0 : i32
      %dma_start3A_9 = arith.constant 0 : i32
      %dma_start3A_10 = tpu.memref_slice %arg4[%add3A, %dma_start3A, %dma_start3A_9] : memref<32x80x128xi32, #tpu.memory_space<hbm>> -> memref<1x80x128xi32, #tpu.memory_space<hbm>>
      %dma_start3A_11 = tpu.memref_squeeze %dma_start3A_10 : memref<1x80x128xi32, #tpu.memory_space<hbm>> -> memref<80x128xi32, #tpu.memory_space<hbm>>
      %dma_start3A_12 = arith.constant 0 : i32
      %dma_start3A_13 = arith.constant 0 : i32
      %dma_start3A_14 = tpu.memref_slice %arg4[%add3A, %dma_start3A_12, %dma_start3A_13] : memref<32x80x128xi32, #tpu.memory_space<hbm>> -> memref<1x80x128xi32, #tpu.memory_space<hbm>>
      %dma_start3A_15 = tpu.memref_squeeze %dma_start3A_14 : memref<1x80x128xi32, #tpu.memory_space<hbm>> -> memref<80x128xi32, #tpu.memory_space<hbm>>
      tpu.enqueue_dma source(%dma_start3A_15 : memref<80x128xi32, #tpu.memory_space<hbm>>) target(%arg8 : memref<80x128xi32, #tpu.memory_space<vmem>>) target_semaphore(%run_scoped3A : memref<!tpu.dma_semaphore, #tpu.memory_space<semaphore_mem>>)
      %dma_wait3A = arith.constant 0 : i32
      %dma_wait3A_16 = arith.constant 0 : i32
      %dma_wait3A_17 = tpu.memref_slice %arg4[%add3A, %dma_wait3A, %dma_wait3A_16] : memref<32x80x128xi32, #tpu.memory_space<hbm>> -> memref<1x80x128xi32, #tpu.memory_space<hbm>>
      %dma_wait3A_18 = tpu.memref_squeeze %dma_wait3A_17 : memref<1x80x128xi32, #tpu.memory_space<hbm>> -> memref<80x128xi32, #tpu.memory_space<hbm>>
      %dma_wait3A_19 = arith.constant 0 : i32
      %dma_wait3A_20 = arith.constant 0 : i32
      %dma_wait3A_21 = tpu.memref_slice %arg4[%add3A, %dma_wait3A_19, %dma_wait3A_20] : memref<32x80x128xi32, #tpu.memory_space<hbm>> -> memref<1x80x128xi32, #tpu.memory_space<hbm>>
      %dma_wait3A_22 = tpu.memref_squeeze %dma_wait3A_21 : memref<1x80x128xi32, #tpu.memory_space<hbm>> -> memref<80x128xi32, #tpu.memory_space<hbm>>
      tpu.wait_dma2 semaphore(%run_scoped3A : memref<!tpu.dma_semaphore, #tpu.memory_space<semaphore_mem>>) src(%dma_wait3A_22 : memref<80x128xi32, #tpu.memory_space<hbm>>) dst(%arg8 : memref<80x128xi32, #tpu.memory_space<vmem>>)
      tpu.yield
    }) : () -> ()
    %barrier3A = arith.constant 0 : index
    tpu.barrier barrier_id(%barrier3A)
    %scan3A = arith.constant 0 : i32
    %scan3A_3 = arith.constant 0 : i32
    %scan3A_4 = arith.constant 80 : i32
    %scan3A_5 = arith.addi %scan3A_3, %scan3A_4 : i32
    %scan3A_6 = arith.constant 1 : i32
    scf.for %scan3A_9 = %scan3A_3 to %scan3A_5 step %scan3A_6  : i32 {
      "tpu.region"() ({
        %run_scoped3A = tpu.sem_alloc : memref<!tpu.dma_semaphore, #tpu.memory_space<semaphore_mem>>
        %dma_start3A = arith.constant 0 : i32
        %dma_start3A_10 = tpu.memref_slice %arg7[%scan3A_9, %dma_start3A] : memref<80x128xi32, #tpu.memory_space<vmem>> -> memref<1x128xi32, #tpu.memory_space<vmem>>
        %dma_start3A_11 = tpu.memref_squeeze %dma_start3A_10 : memref<1x128xi32, #tpu.memory_space<vmem>> -> memref<128xi32, #tpu.memory_space<vmem>>
        %dma_start3A_12 = arith.constant 0 : i32
        %dma_start3A_13 = arith.constant 0 : i32
        %dma_start3A_14 = tpu.memref_slice %arg2[%dma_start3A_12, %dma_start3A_13] : memref<10112x80xf32, #tpu.memory_space<hbm>> -> memref<10112x80xf32, #tpu.memory_space<hbm>>
        tpu.enqueue_indirect_dma source(%dma_start3A_14 : memref<10112x80xf32, #tpu.memory_space<hbm>>) target(%arg9 : memref<128x80xf32, #tpu.memory_space<vmem>>) offsets(%dma_start3A_11 : memref<128xi32, #tpu.memory_space<vmem>>) semaphore(%run_scoped3A : memref<!tpu.dma_semaphore, #tpu.memory_space<semaphore_mem>>)
        %dma_wait3A = arith.constant 0 : i32
        %dma_wait3A_15 = tpu.memref_slice %arg7[%scan3A_9, %dma_wait3A] : memref<80x128xi32, #tpu.memory_space<vmem>> -> memref<1x128xi32, #tpu.memory_space<vmem>>
        %dma_wait3A_16 = tpu.memref_squeeze %dma_wait3A_15 : memref<1x128xi32, #tpu.memory_space<vmem>> -> memref<128xi32, #tpu.memory_space<vmem>>
        %dma_wait3A_17 = arith.constant 0 : i32
        %dma_wait3A_18 = arith.constant 0 : i32
        %dma_wait3A_19 = tpu.memref_slice %arg2[%dma_wait3A_17, %dma_wait3A_18] : memref<10112x80xf32, #tpu.memory_space<hbm>> -> memref<10112x80xf32, #tpu.memory_space<hbm>>
        tpu.wait_indirect_dma semaphore(%run_scoped3A : memref<!tpu.dma_semaphore, #tpu.memory_space<semaphore_mem>>) src(%dma_wait3A_19 : memref<10112x80xf32, #tpu.memory_space<hbm>>) dst(%arg9 : memref<128x80xf32, #tpu.memory_space<vmem>>)
        tpu.yield
      }) : () -> ()
      "tpu.region"() ({
        %run_scoped3A = tpu.sem_alloc : memref<!tpu.dma_semaphore, #tpu.memory_space<semaphore_mem>>
        %dma_start3A = arith.constant 0 : i32
        %dma_start3A_10 = tpu.memref_slice %arg8[%scan3A_9, %dma_start3A] : memref<80x128xi32, #tpu.memory_space<vmem>> -> memref<1x128xi32, #tpu.memory_space<vmem>>
        %dma_start3A_11 = tpu.memref_squeeze %dma_start3A_10 : memref<1x128xi32, #tpu.memory_space<vmem>> -> memref<128xi32, #tpu.memory_space<vmem>>
        %dma_start3A_12 = arith.constant 0 : i32
        %dma_start3A_13 = arith.constant 0 : i32
        %dma_start3A_14 = tpu.memref_slice %arg10[%dma_start3A_12, %dma_start3A_13] : memref<10112x80xf32, #tpu.memory_space<vmem_shared>> -> memref<10112x80xf32, #tpu.memory_space<vmem_shared>>
        tpu.enqueue_indirect_dma source(%arg9 : memref<128x80xf32, #tpu.memory_space<vmem>>) target(%dma_start3A_14 : memref<10112x80xf32, #tpu.memory_space<vmem_shared>>) offsets(%dma_start3A_11 : memref<128xi32, #tpu.memory_space<vmem>>) semaphore(%run_scoped3A : memref<!tpu.dma_semaphore, #tpu.memory_space<semaphore_mem>>) {add = true}
        %dma_wait3A = arith.constant 0 : i32
        %dma_wait3A_15 = tpu.memref_slice %arg8[%scan3A_9, %dma_wait3A] : memref<80x128xi32, #tpu.memory_space<vmem>> -> memref<1x128xi32, #tpu.memory_space<vmem>>
        %dma_wait3A_16 = tpu.memref_squeeze %dma_wait3A_15 : memref<1x128xi32, #tpu.memory_space<vmem>> -> memref<128xi32, #tpu.memory_space<vmem>>
        %dma_wait3A_17 = arith.constant 0 : i32
        %dma_wait3A_18 = arith.constant 0 : i32
        %dma_wait3A_19 = tpu.memref_slice %arg10[%dma_wait3A_17, %dma_wait3A_18] : memref<10112x80xf32, #tpu.memory_space<vmem_shared>> -> memref<10112x80xf32, #tpu.memory_space<vmem_shared>>
        tpu.wait_indirect_dma semaphore(%run_scoped3A : memref<!tpu.dma_semaphore, #tpu.memory_space<semaphore_mem>>) src(%arg9 : memref<128x80xf32, #tpu.memory_space<vmem>>) dst(%dma_wait3A_19 : memref<10112x80xf32, #tpu.memory_space<vmem_shared>>)
        tpu.yield
      }) : () -> ()
    }
    %scan3A_7 = arith.constant 80 : i32
    %barrier3A_8 = arith.constant 0 : index
    tpu.barrier barrier_id(%barrier3A_8)
    "tpu.region"() ({
      %run_scoped3A = tpu.sem_alloc : memref<!tpu.dma_semaphore, #tpu.memory_space<semaphore_mem>>
      %dma_start3A = arith.constant 0 : i32
      %dma_start3A_9 = tpu.memref_slice %arg6[%arg0, %mul3A_2, %dma_start3A] : memref<2x10112x80xf32, #tpu.memory_space<hbm>> -> memref<1x632x80xf32, #tpu.memory_space<hbm>>
      %dma_start3A_10 = tpu.memref_squeeze %dma_start3A_9 : memref<1x632x80xf32, #tpu.memory_space<hbm>> -> memref<632x80xf32, #tpu.memory_space<hbm>>
      %dma_start3A_11 = arith.constant 0 : i32
      %dma_start3A_12 = tpu.memref_slice %arg10[%mul3A_2, %dma_start3A_11] : memref<10112x80xf32, #tpu.memory_space<vmem_shared>> -> memref<632x80xf32, #tpu.memory_space<vmem_shared>>
      tpu.enqueue_dma source(%dma_start3A_12 : memref<632x80xf32, #tpu.memory_space<vmem_shared>>) target(%dma_start3A_10 : memref<632x80xf32, #tpu.memory_space<hbm>>) target_semaphore(%run_scoped3A : memref<!tpu.dma_semaphore, #tpu.memory_space<semaphore_mem>>)
      %dma_wait3A = arith.constant 0 : i32
      %dma_wait3A_13 = tpu.memref_slice %arg6[%arg0, %mul3A_2, %dma_wait3A] : memref<2x10112x80xf32, #tpu.memory_space<hbm>> -> memref<1x632x80xf32, #tpu.memory_space<hbm>>
      %dma_wait3A_14 = tpu.memref_squeeze %dma_wait3A_13 : memref<1x632x80xf32, #tpu.memory_space<hbm>> -> memref<632x80xf32, #tpu.memory_space<hbm>>
      %dma_wait3A_15 = arith.constant 0 : i32
      %dma_wait3A_16 = tpu.memref_slice %arg10[%mul3A_2, %dma_wait3A_15] : memref<10112x80xf32, #tpu.memory_space<vmem_shared>> -> memref<632x80xf32, #tpu.memory_space<vmem_shared>>
      tpu.wait_dma2 semaphore(%run_scoped3A : memref<!tpu.dma_semaphore, #tpu.memory_space<semaphore_mem>>) src(%dma_wait3A_16 : memref<632x80xf32, #tpu.memory_space<vmem_shared>>) dst(%dma_wait3A_14 : memref<632x80xf32, #tpu.memory_space<hbm>>)
      tpu.yield
    }) : () -> ()
    return
  }
}

#map = affine_map<(d0, d1) -> (0, 0)>
#map1 = affine_map<(d0, d1) -> (0, 0, 0)>
module attributes {stable_mosaic.version = 14 : i64} {
  func.func @body(%arg0: i32, %arg1: i32, %arg2: memref<10112x32xf32, #tpu.memory_space<hbm>>, %arg3: memref<32x80x128xi32, #tpu.memory_space<hbm>>, %arg4: memref<32x80x128xi32, #tpu.memory_space<hbm>>, %arg5: memref<10112x32xf32, #tpu.memory_space<hbm>>, %arg6: memref<2x10112x32xf32, #tpu.memory_space<hbm>>, %arg7: memref<80x128xi32, #tpu.memory_space<vmem>>, %arg8: memref<80x128xi32, #tpu.memory_space<vmem>>, %arg9: memref<128x32xf32, #tpu.memory_space<vmem>>, %arg10: memref<10112x32xf32, #tpu.memory_space<vmem_shared>>) attributes {dimension_semantics = [#tpu.dimension_semantics<core_parallel>, #tpu.dimension_semantics<subcore_parallel>], iteration_bounds = array<i64: 2, 16>, scalar_prefetch = 0 : i64, scratch_operands = 4 : i64, tpu.core_type = #tpu.core_type<sc_vector_subcore>, window_params = [{transform_indices = #map}, {transform_indices = #map1}, {transform_indices = #map1}, {transform_indices = #map}, {transform_indices = #map1}]} {
    %mul3A = arith.constant 16 : i32
    %mul3A_0 = arith.muli %arg0, %mul3A : i32
    %add3A = arith.addi %mul3A_0, %arg1 : i32
    %mul3A_1 = arith.constant 632 : i32
    %mul3A_2 = arith.muli %arg1, %mul3A_1 : i32
    "tpu.region"() ({
      %run_scoped3A = tpu.sem_alloc : memref<!tpu.dma_semaphore, #tpu.memory_space<semaphore_mem>>
      %dma_start3A = arith.constant 0 : i32
      %dma_start3A_9 = tpu.memref_slice %arg10[%mul3A_2, %dma_start3A] : memref<10112x32xf32, #tpu.memory_space<vmem_shared>> -> memref<632x32xf32, #tpu.memory_space<vmem_shared>>
      %dma_start3A_10 = arith.constant 0 : i32
      %dma_start3A_11 = tpu.memref_slice %arg5[%mul3A_2, %dma_start3A_10] : memref<10112x32xf32, #tpu.memory_space<hbm>> -> memref<632x32xf32, #tpu.memory_space<hbm>>
      tpu.enqueue_dma source(%dma_start3A_11 : memref<632x32xf32, #tpu.memory_space<hbm>>) target(%dma_start3A_9 : memref<632x32xf32, #tpu.memory_space<vmem_shared>>) target_semaphore(%run_scoped3A : memref<!tpu.dma_semaphore, #tpu.memory_space<semaphore_mem>>)
      %dma_wait3A = arith.constant 0 : i32
      %dma_wait3A_12 = tpu.memref_slice %arg10[%mul3A_2, %dma_wait3A] : memref<10112x32xf32, #tpu.memory_space<vmem_shared>> -> memref<632x32xf32, #tpu.memory_space<vmem_shared>>
      %dma_wait3A_13 = arith.constant 0 : i32
      %dma_wait3A_14 = tpu.memref_slice %arg5[%mul3A_2, %dma_wait3A_13] : memref<10112x32xf32, #tpu.memory_space<hbm>> -> memref<632x32xf32, #tpu.memory_space<hbm>>
      tpu.wait_dma2 semaphore(%run_scoped3A : memref<!tpu.dma_semaphore, #tpu.memory_space<semaphore_mem>>) src(%dma_wait3A_14 : memref<632x32xf32, #tpu.memory_space<hbm>>) dst(%dma_wait3A_12 : memref<632x32xf32, #tpu.memory_space<vmem_shared>>)
      tpu.yield
    }) : () -> ()
    "tpu.region"() ({
      %run_scoped3A = tpu.sem_alloc : memref<!tpu.dma_semaphore, #tpu.memory_space<semaphore_mem>>
      %dma_start3A = arith.constant 0 : i32
      %dma_start3A_9 = arith.constant 0 : i32
      %dma_start3A_10 = tpu.memref_slice %arg3[%add3A, %dma_start3A, %dma_start3A_9] : memref<32x80x128xi32, #tpu.memory_space<hbm>> -> memref<1x80x128xi32, #tpu.memory_space<hbm>>
      %dma_start3A_11 = tpu.memref_squeeze %dma_start3A_10 : memref<1x80x128xi32, #tpu.memory_space<hbm>> -> memref<80x128xi32, #tpu.memory_space<hbm>>
      %dma_start3A_12 = arith.constant 0 : i32
      %dma_start3A_13 = arith.constant 0 : i32
      %dma_start3A_14 = tpu.memref_slice %arg3[%add3A, %dma_start3A_12, %dma_start3A_13] : memref<32x80x128xi32, #tpu.memory_space<hbm>> -> memref<1x80x128xi32, #tpu.memory_space<hbm>>
      %dma_start3A_15 = tpu.memref_squeeze %dma_start3A_14 : memref<1x80x128xi32, #tpu.memory_space<hbm>> -> memref<80x128xi32, #tpu.memory_space<hbm>>
      tpu.enqueue_dma source(%dma_start3A_15 : memref<80x128xi32, #tpu.memory_space<hbm>>) target(%arg7 : memref<80x128xi32, #tpu.memory_space<vmem>>) target_semaphore(%run_scoped3A : memref<!tpu.dma_semaphore, #tpu.memory_space<semaphore_mem>>)
      %dma_wait3A = arith.constant 0 : i32
      %dma_wait3A_16 = arith.constant 0 : i32
      %dma_wait3A_17 = tpu.memref_slice %arg3[%add3A, %dma_wait3A, %dma_wait3A_16] : memref<32x80x128xi32, #tpu.memory_space<hbm>> -> memref<1x80x128xi32, #tpu.memory_space<hbm>>
      %dma_wait3A_18 = tpu.memref_squeeze %dma_wait3A_17 : memref<1x80x128xi32, #tpu.memory_space<hbm>> -> memref<80x128xi32, #tpu.memory_space<hbm>>
      %dma_wait3A_19 = arith.constant 0 : i32
      %dma_wait3A_20 = arith.constant 0 : i32
      %dma_wait3A_21 = tpu.memref_slice %arg3[%add3A, %dma_wait3A_19, %dma_wait3A_20] : memref<32x80x128xi32, #tpu.memory_space<hbm>> -> memref<1x80x128xi32, #tpu.memory_space<hbm>>
      %dma_wait3A_22 = tpu.memref_squeeze %dma_wait3A_21 : memref<1x80x128xi32, #tpu.memory_space<hbm>> -> memref<80x128xi32, #tpu.memory_space<hbm>>
      tpu.wait_dma2 semaphore(%run_scoped3A : memref<!tpu.dma_semaphore, #tpu.memory_space<semaphore_mem>>) src(%dma_wait3A_22 : memref<80x128xi32, #tpu.memory_space<hbm>>) dst(%arg7 : memref<80x128xi32, #tpu.memory_space<vmem>>)
      tpu.yield
    }) : () -> ()
    "tpu.region"() ({
      %run_scoped3A = tpu.sem_alloc : memref<!tpu.dma_semaphore, #tpu.memory_space<semaphore_mem>>
      %dma_start3A = arith.constant 0 : i32
      %dma_start3A_9 = arith.constant 0 : i32
      %dma_start3A_10 = tpu.memref_slice %arg4[%add3A, %dma_start3A, %dma_start3A_9] : memref<32x80x128xi32, #tpu.memory_space<hbm>> -> memref<1x80x128xi32, #tpu.memory_space<hbm>>
      %dma_start3A_11 = tpu.memref_squeeze %dma_start3A_10 : memref<1x80x128xi32, #tpu.memory_space<hbm>> -> memref<80x128xi32, #tpu.memory_space<hbm>>
      %dma_start3A_12 = arith.constant 0 : i32
      %dma_start3A_13 = arith.constant 0 : i32
      %dma_start3A_14 = tpu.memref_slice %arg4[%add3A, %dma_start3A_12, %dma_start3A_13] : memref<32x80x128xi32, #tpu.memory_space<hbm>> -> memref<1x80x128xi32, #tpu.memory_space<hbm>>
      %dma_start3A_15 = tpu.memref_squeeze %dma_start3A_14 : memref<1x80x128xi32, #tpu.memory_space<hbm>> -> memref<80x128xi32, #tpu.memory_space<hbm>>
      tpu.enqueue_dma source(%dma_start3A_15 : memref<80x128xi32, #tpu.memory_space<hbm>>) target(%arg8 : memref<80x128xi32, #tpu.memory_space<vmem>>) target_semaphore(%run_scoped3A : memref<!tpu.dma_semaphore, #tpu.memory_space<semaphore_mem>>)
      %dma_wait3A = arith.constant 0 : i32
      %dma_wait3A_16 = arith.constant 0 : i32
      %dma_wait3A_17 = tpu.memref_slice %arg4[%add3A, %dma_wait3A, %dma_wait3A_16] : memref<32x80x128xi32, #tpu.memory_space<hbm>> -> memref<1x80x128xi32, #tpu.memory_space<hbm>>
      %dma_wait3A_18 = tpu.memref_squeeze %dma_wait3A_17 : memref<1x80x128xi32, #tpu.memory_space<hbm>> -> memref<80x128xi32, #tpu.memory_space<hbm>>
      %dma_wait3A_19 = arith.constant 0 : i32
      %dma_wait3A_20 = arith.constant 0 : i32
      %dma_wait3A_21 = tpu.memref_slice %arg4[%add3A, %dma_wait3A_19, %dma_wait3A_20] : memref<32x80x128xi32, #tpu.memory_space<hbm>> -> memref<1x80x128xi32, #tpu.memory_space<hbm>>
      %dma_wait3A_22 = tpu.memref_squeeze %dma_wait3A_21 : memref<1x80x128xi32, #tpu.memory_space<hbm>> -> memref<80x128xi32, #tpu.memory_space<hbm>>
      tpu.wait_dma2 semaphore(%run_scoped3A : memref<!tpu.dma_semaphore, #tpu.memory_space<semaphore_mem>>) src(%dma_wait3A_22 : memref<80x128xi32, #tpu.memory_space<hbm>>) dst(%arg8 : memref<80x128xi32, #tpu.memory_space<vmem>>)
      tpu.yield
    }) : () -> ()
    %barrier3A = arith.constant 0 : index
    tpu.barrier barrier_id(%barrier3A)
    %scan3A = arith.constant 0 : i32
    %scan3A_3 = arith.constant 0 : i32
    %scan3A_4 = arith.constant 80 : i32
    %scan3A_5 = arith.addi %scan3A_3, %scan3A_4 : i32
    %scan3A_6 = arith.constant 1 : i32
    scf.for %scan3A_9 = %scan3A_3 to %scan3A_5 step %scan3A_6  : i32 {
      "tpu.region"() ({
        %run_scoped3A = tpu.sem_alloc : memref<!tpu.dma_semaphore, #tpu.memory_space<semaphore_mem>>
        %dma_start3A = arith.constant 0 : i32
        %dma_start3A_10 = tpu.memref_slice %arg7[%scan3A_9, %dma_start3A] : memref<80x128xi32, #tpu.memory_space<vmem>> -> memref<1x128xi32, #tpu.memory_space<vmem>>
        %dma_start3A_11 = tpu.memref_squeeze %dma_start3A_10 : memref<1x128xi32, #tpu.memory_space<vmem>> -> memref<128xi32, #tpu.memory_space<vmem>>
        %dma_start3A_12 = arith.constant 0 : i32
        %dma_start3A_13 = arith.constant 0 : i32
        %dma_start3A_14 = tpu.memref_slice %arg2[%dma_start3A_12, %dma_start3A_13] : memref<10112x32xf32, #tpu.memory_space<hbm>> -> memref<10112x32xf32, #tpu.memory_space<hbm>>
        tpu.enqueue_indirect_dma source(%dma_start3A_14 : memref<10112x32xf32, #tpu.memory_space<hbm>>) target(%arg9 : memref<128x32xf32, #tpu.memory_space<vmem>>) offsets(%dma_start3A_11 : memref<128xi32, #tpu.memory_space<vmem>>) semaphore(%run_scoped3A : memref<!tpu.dma_semaphore, #tpu.memory_space<semaphore_mem>>)
        %dma_wait3A = arith.constant 0 : i32
        %dma_wait3A_15 = tpu.memref_slice %arg7[%scan3A_9, %dma_wait3A] : memref<80x128xi32, #tpu.memory_space<vmem>> -> memref<1x128xi32, #tpu.memory_space<vmem>>
        %dma_wait3A_16 = tpu.memref_squeeze %dma_wait3A_15 : memref<1x128xi32, #tpu.memory_space<vmem>> -> memref<128xi32, #tpu.memory_space<vmem>>
        %dma_wait3A_17 = arith.constant 0 : i32
        %dma_wait3A_18 = arith.constant 0 : i32
        %dma_wait3A_19 = tpu.memref_slice %arg2[%dma_wait3A_17, %dma_wait3A_18] : memref<10112x32xf32, #tpu.memory_space<hbm>> -> memref<10112x32xf32, #tpu.memory_space<hbm>>
        tpu.wait_indirect_dma semaphore(%run_scoped3A : memref<!tpu.dma_semaphore, #tpu.memory_space<semaphore_mem>>) src(%dma_wait3A_19 : memref<10112x32xf32, #tpu.memory_space<hbm>>) dst(%arg9 : memref<128x32xf32, #tpu.memory_space<vmem>>)
        tpu.yield
      }) : () -> ()
      "tpu.region"() ({
        %run_scoped3A = tpu.sem_alloc : memref<!tpu.dma_semaphore, #tpu.memory_space<semaphore_mem>>
        %dma_start3A = arith.constant 0 : i32
        %dma_start3A_10 = tpu.memref_slice %arg8[%scan3A_9, %dma_start3A] : memref<80x128xi32, #tpu.memory_space<vmem>> -> memref<1x128xi32, #tpu.memory_space<vmem>>
        %dma_start3A_11 = tpu.memref_squeeze %dma_start3A_10 : memref<1x128xi32, #tpu.memory_space<vmem>> -> memref<128xi32, #tpu.memory_space<vmem>>
        %dma_start3A_12 = arith.constant 0 : i32
        %dma_start3A_13 = arith.constant 0 : i32
        %dma_start3A_14 = tpu.memref_slice %arg10[%dma_start3A_12, %dma_start3A_13] : memref<10112x32xf32, #tpu.memory_space<vmem_shared>> -> memref<10112x32xf32, #tpu.memory_space<vmem_shared>>
        tpu.enqueue_indirect_dma source(%arg9 : memref<128x32xf32, #tpu.memory_space<vmem>>) target(%dma_start3A_14 : memref<10112x32xf32, #tpu.memory_space<vmem_shared>>) offsets(%dma_start3A_11 : memref<128xi32, #tpu.memory_space<vmem>>) semaphore(%run_scoped3A : memref<!tpu.dma_semaphore, #tpu.memory_space<semaphore_mem>>) {add = true}
        %dma_wait3A = arith.constant 0 : i32
        %dma_wait3A_15 = tpu.memref_slice %arg8[%scan3A_9, %dma_wait3A] : memref<80x128xi32, #tpu.memory_space<vmem>> -> memref<1x128xi32, #tpu.memory_space<vmem>>
        %dma_wait3A_16 = tpu.memref_squeeze %dma_wait3A_15 : memref<1x128xi32, #tpu.memory_space<vmem>> -> memref<128xi32, #tpu.memory_space<vmem>>
        %dma_wait3A_17 = arith.constant 0 : i32
        %dma_wait3A_18 = arith.constant 0 : i32
        %dma_wait3A_19 = tpu.memref_slice %arg10[%dma_wait3A_17, %dma_wait3A_18] : memref<10112x32xf32, #tpu.memory_space<vmem_shared>> -> memref<10112x32xf32, #tpu.memory_space<vmem_shared>>
        tpu.wait_indirect_dma semaphore(%run_scoped3A : memref<!tpu.dma_semaphore, #tpu.memory_space<semaphore_mem>>) src(%arg9 : memref<128x32xf32, #tpu.memory_space<vmem>>) dst(%dma_wait3A_19 : memref<10112x32xf32, #tpu.memory_space<vmem_shared>>)
        tpu.yield
      }) : () -> ()
    }
    %scan3A_7 = arith.constant 80 : i32
    %barrier3A_8 = arith.constant 0 : index
    tpu.barrier barrier_id(%barrier3A_8)
    "tpu.region"() ({
      %run_scoped3A = tpu.sem_alloc : memref<!tpu.dma_semaphore, #tpu.memory_space<semaphore_mem>>
      %dma_start3A = arith.constant 0 : i32
      %dma_start3A_9 = tpu.memref_slice %arg6[%arg0, %mul3A_2, %dma_start3A] : memref<2x10112x32xf32, #tpu.memory_space<hbm>> -> memref<1x632x32xf32, #tpu.memory_space<hbm>>
      %dma_start3A_10 = tpu.memref_squeeze %dma_start3A_9 : memref<1x632x32xf32, #tpu.memory_space<hbm>> -> memref<632x32xf32, #tpu.memory_space<hbm>>
      %dma_start3A_11 = arith.constant 0 : i32
      %dma_start3A_12 = tpu.memref_slice %arg10[%mul3A_2, %dma_start3A_11] : memref<10112x32xf32, #tpu.memory_space<vmem_shared>> -> memref<632x32xf32, #tpu.memory_space<vmem_shared>>
      tpu.enqueue_dma source(%dma_start3A_12 : memref<632x32xf32, #tpu.memory_space<vmem_shared>>) target(%dma_start3A_10 : memref<632x32xf32, #tpu.memory_space<hbm>>) target_semaphore(%run_scoped3A : memref<!tpu.dma_semaphore, #tpu.memory_space<semaphore_mem>>)
      %dma_wait3A = arith.constant 0 : i32
      %dma_wait3A_13 = tpu.memref_slice %arg6[%arg0, %mul3A_2, %dma_wait3A] : memref<2x10112x32xf32, #tpu.memory_space<hbm>> -> memref<1x632x32xf32, #tpu.memory_space<hbm>>
      %dma_wait3A_14 = tpu.memref_squeeze %dma_wait3A_13 : memref<1x632x32xf32, #tpu.memory_space<hbm>> -> memref<632x32xf32, #tpu.memory_space<hbm>>
      %dma_wait3A_15 = arith.constant 0 : i32
      %dma_wait3A_16 = tpu.memref_slice %arg10[%mul3A_2, %dma_wait3A_15] : memref<10112x32xf32, #tpu.memory_space<vmem_shared>> -> memref<632x32xf32, #tpu.memory_space<vmem_shared>>
      tpu.wait_dma2 semaphore(%run_scoped3A : memref<!tpu.dma_semaphore, #tpu.memory_space<semaphore_mem>>) src(%dma_wait3A_16 : memref<632x32xf32, #tpu.memory_space<vmem_shared>>) dst(%dma_wait3A_14 : memref<632x32xf32, #tpu.memory_space<hbm>>)
      tpu.yield
    }) : () -> ()
    return
  }
}

#map = affine_map<(d0, d1) -> (0, 0)>
#map1 = affine_map<(d0, d1) -> (0, 0, 0)>
module attributes {stable_mosaic.version = 14 : i64} {
  func.func @body(%arg0: i32, %arg1: i32, %arg2: memref<10112x32xf32, #tpu.memory_space<hbm>>, %arg3: memref<32x80x128xi32, #tpu.memory_space<hbm>>, %arg4: memref<32x80x128xi32, #tpu.memory_space<hbm>>, %arg5: memref<10112x32xf32, #tpu.memory_space<hbm>>, %arg6: memref<2x10112x32xf32, #tpu.memory_space<hbm>>, %arg7: memref<80x128xi32, #tpu.memory_space<vmem>>, %arg8: memref<80x128xi32, #tpu.memory_space<vmem>>, %arg9: memref<128x32xf32, #tpu.memory_space<vmem>>, %arg10: memref<10112x32xf32, #tpu.memory_space<vmem_shared>>) attributes {dimension_semantics = [#tpu.dimension_semantics<core_parallel>, #tpu.dimension_semantics<subcore_parallel>], iteration_bounds = array<i64: 2, 16>, scalar_prefetch = 0 : i64, scratch_operands = 4 : i64, tpu.core_type = #tpu.core_type<sc_vector_subcore>, window_params = [{transform_indices = #map}, {transform_indices = #map1}, {transform_indices = #map1}, {transform_indices = #map}, {transform_indices = #map1}]} {
    %mul3A = arith.constant 16 : i32
    %mul3A_0 = arith.muli %arg0, %mul3A : i32
    %add3A = arith.addi %mul3A_0, %arg1 : i32
    %mul3A_1 = arith.constant 632 : i32
    %mul3A_2 = arith.muli %arg1, %mul3A_1 : i32
    "tpu.region"() ({
      %run_scoped3A = tpu.sem_alloc : memref<!tpu.dma_semaphore, #tpu.memory_space<semaphore_mem>>
      %dma_start3A = arith.constant 0 : i32
      %dma_start3A_9 = tpu.memref_slice %arg10[%mul3A_2, %dma_start3A] : memref<10112x32xf32, #tpu.memory_space<vmem_shared>> -> memref<632x32xf32, #tpu.memory_space<vmem_shared>>
      %dma_start3A_10 = arith.constant 0 : i32
      %dma_start3A_11 = tpu.memref_slice %arg5[%mul3A_2, %dma_start3A_10] : memref<10112x32xf32, #tpu.memory_space<hbm>> -> memref<632x32xf32, #tpu.memory_space<hbm>>
      tpu.enqueue_dma source(%dma_start3A_11 : memref<632x32xf32, #tpu.memory_space<hbm>>) target(%dma_start3A_9 : memref<632x32xf32, #tpu.memory_space<vmem_shared>>) target_semaphore(%run_scoped3A : memref<!tpu.dma_semaphore, #tpu.memory_space<semaphore_mem>>)
      %dma_wait3A = arith.constant 0 : i32
      %dma_wait3A_12 = tpu.memref_slice %arg10[%mul3A_2, %dma_wait3A] : memref<10112x32xf32, #tpu.memory_space<vmem_shared>> -> memref<632x32xf32, #tpu.memory_space<vmem_shared>>
      %dma_wait3A_13 = arith.constant 0 : i32
      %dma_wait3A_14 = tpu.memref_slice %arg5[%mul3A_2, %dma_wait3A_13] : memref<10112x32xf32, #tpu.memory_space<hbm>> -> memref<632x32xf32, #tpu.memory_space<hbm>>
      tpu.wait_dma2 semaphore(%run_scoped3A : memref<!tpu.dma_semaphore, #tpu.memory_space<semaphore_mem>>) src(%dma_wait3A_14 : memref<632x32xf32, #tpu.memory_space<hbm>>) dst(%dma_wait3A_12 : memref<632x32xf32, #tpu.memory_space<vmem_shared>>)
      tpu.yield
    }) : () -> ()
    "tpu.region"() ({
      %run_scoped3A = tpu.sem_alloc : memref<!tpu.dma_semaphore, #tpu.memory_space<semaphore_mem>>
      %dma_start3A = arith.constant 0 : i32
      %dma_start3A_9 = arith.constant 0 : i32
      %dma_start3A_10 = tpu.memref_slice %arg3[%add3A, %dma_start3A, %dma_start3A_9] : memref<32x80x128xi32, #tpu.memory_space<hbm>> -> memref<1x80x128xi32, #tpu.memory_space<hbm>>
      %dma_start3A_11 = tpu.memref_squeeze %dma_start3A_10 : memref<1x80x128xi32, #tpu.memory_space<hbm>> -> memref<80x128xi32, #tpu.memory_space<hbm>>
      %dma_start3A_12 = arith.constant 0 : i32
      %dma_start3A_13 = arith.constant 0 : i32
      %dma_start3A_14 = tpu.memref_slice %arg3[%add3A, %dma_start3A_12, %dma_start3A_13] : memref<32x80x128xi32, #tpu.memory_space<hbm>> -> memref<1x80x128xi32, #tpu.memory_space<hbm>>
      %dma_start3A_15 = tpu.memref_squeeze %dma_start3A_14 : memref<1x80x128xi32, #tpu.memory_space<hbm>> -> memref<80x128xi32, #tpu.memory_space<hbm>>
      tpu.enqueue_dma source(%dma_start3A_15 : memref<80x128xi32, #tpu.memory_space<hbm>>) target(%arg7 : memref<80x128xi32, #tpu.memory_space<vmem>>) target_semaphore(%run_scoped3A : memref<!tpu.dma_semaphore, #tpu.memory_space<semaphore_mem>>)
      %dma_wait3A = arith.constant 0 : i32
      %dma_wait3A_16 = arith.constant 0 : i32
      %dma_wait3A_17 = tpu.memref_slice %arg3[%add3A, %dma_wait3A, %dma_wait3A_16] : memref<32x80x128xi32, #tpu.memory_space<hbm>> -> memref<1x80x128xi32, #tpu.memory_space<hbm>>
      %dma_wait3A_18 = tpu.memref_squeeze %dma_wait3A_17 : memref<1x80x128xi32, #tpu.memory_space<hbm>> -> memref<80x128xi32, #tpu.memory_space<hbm>>
      %dma_wait3A_19 = arith.constant 0 : i32
      %dma_wait3A_20 = arith.constant 0 : i32
      %dma_wait3A_21 = tpu.memref_slice %arg3[%add3A, %dma_wait3A_19, %dma_wait3A_20] : memref<32x80x128xi32, #tpu.memory_space<hbm>> -> memref<1x80x128xi32, #tpu.memory_space<hbm>>
      %dma_wait3A_22 = tpu.memref_squeeze %dma_wait3A_21 : memref<1x80x128xi32, #tpu.memory_space<hbm>> -> memref<80x128xi32, #tpu.memory_space<hbm>>
      tpu.wait_dma2 semaphore(%run_scoped3A : memref<!tpu.dma_semaphore, #tpu.memory_space<semaphore_mem>>) src(%dma_wait3A_22 : memref<80x128xi32, #tpu.memory_space<hbm>>) dst(%arg7 : memref<80x128xi32, #tpu.memory_space<vmem>>)
      tpu.yield
    }) : () -> ()
    "tpu.region"() ({
      %run_scoped3A = tpu.sem_alloc : memref<!tpu.dma_semaphore, #tpu.memory_space<semaphore_mem>>
      %dma_start3A = arith.constant 0 : i32
      %dma_start3A_9 = arith.constant 0 : i32
      %dma_start3A_10 = tpu.memref_slice %arg4[%add3A, %dma_start3A, %dma_start3A_9] : memref<32x80x128xi32, #tpu.memory_space<hbm>> -> memref<1x80x128xi32, #tpu.memory_space<hbm>>
      %dma_start3A_11 = tpu.memref_squeeze %dma_start3A_10 : memref<1x80x128xi32, #tpu.memory_space<hbm>> -> memref<80x128xi32, #tpu.memory_space<hbm>>
      %dma_start3A_12 = arith.constant 0 : i32
      %dma_start3A_13 = arith.constant 0 : i32
      %dma_start3A_14 = tpu.memref_slice %arg4[%add3A, %dma_start3A_12, %dma_start3A_13] : memref<32x80x128xi32, #tpu.memory_space<hbm>> -> memref<1x80x128xi32, #tpu.memory_space<hbm>>
      %dma_start3A_15 = tpu.memref_squeeze %dma_start3A_14 : memref<1x80x128xi32, #tpu.memory_space<hbm>> -> memref<80x128xi32, #tpu.memory_space<hbm>>
      tpu.enqueue_dma source(%dma_start3A_15 : memref<80x128xi32, #tpu.memory_space<hbm>>) target(%arg8 : memref<80x128xi32, #tpu.memory_space<vmem>>) target_semaphore(%run_scoped3A : memref<!tpu.dma_semaphore, #tpu.memory_space<semaphore_mem>>)
      %dma_wait3A = arith.constant 0 : i32
      %dma_wait3A_16 = arith.constant 0 : i32
      %dma_wait3A_17 = tpu.memref_slice %arg4[%add3A, %dma_wait3A, %dma_wait3A_16] : memref<32x80x128xi32, #tpu.memory_space<hbm>> -> memref<1x80x128xi32, #tpu.memory_space<hbm>>
      %dma_wait3A_18 = tpu.memref_squeeze %dma_wait3A_17 : memref<1x80x128xi32, #tpu.memory_space<hbm>> -> memref<80x128xi32, #tpu.memory_space<hbm>>
      %dma_wait3A_19 = arith.constant 0 : i32
      %dma_wait3A_20 = arith.constant 0 : i32
      %dma_wait3A_21 = tpu.memref_slice %arg4[%add3A, %dma_wait3A_19, %dma_wait3A_20] : memref<32x80x128xi32, #tpu.memory_space<hbm>> -> memref<1x80x128xi32, #tpu.memory_space<hbm>>
      %dma_wait3A_22 = tpu.memref_squeeze %dma_wait3A_21 : memref<1x80x128xi32, #tpu.memory_space<hbm>> -> memref<80x128xi32, #tpu.memory_space<hbm>>
      tpu.wait_dma2 semaphore(%run_scoped3A : memref<!tpu.dma_semaphore, #tpu.memory_space<semaphore_mem>>) src(%dma_wait3A_22 : memref<80x128xi32, #tpu.memory_space<hbm>>) dst(%arg8 : memref<80x128xi32, #tpu.memory_space<vmem>>)
      tpu.yield
    }) : () -> ()
    %barrier3A = arith.constant 0 : index
    tpu.barrier barrier_id(%barrier3A)
    %scan3A = arith.constant 0 : i32
    %scan3A_3 = arith.constant 0 : i32
    %scan3A_4 = arith.constant 80 : i32
    %scan3A_5 = arith.addi %scan3A_3, %scan3A_4 : i32
    %scan3A_6 = arith.constant 1 : i32
    scf.for %scan3A_9 = %scan3A_3 to %scan3A_5 step %scan3A_6  : i32 {
      "tpu.region"() ({
        %run_scoped3A = tpu.sem_alloc : memref<!tpu.dma_semaphore, #tpu.memory_space<semaphore_mem>>
        %dma_start3A = arith.constant 0 : i32
        %dma_start3A_10 = tpu.memref_slice %arg7[%scan3A_9, %dma_start3A] : memref<80x128xi32, #tpu.memory_space<vmem>> -> memref<1x128xi32, #tpu.memory_space<vmem>>
        %dma_start3A_11 = tpu.memref_squeeze %dma_start3A_10 : memref<1x128xi32, #tpu.memory_space<vmem>> -> memref<128xi32, #tpu.memory_space<vmem>>
        %dma_start3A_12 = arith.constant 0 : i32
        %dma_start3A_13 = arith.constant 0 : i32
        %dma_start3A_14 = tpu.memref_slice %arg2[%dma_start3A_12, %dma_start3A_13] : memref<10112x32xf32, #tpu.memory_space<hbm>> -> memref<10112x32xf32, #tpu.memory_space<hbm>>
        tpu.enqueue_indirect_dma source(%dma_start3A_14 : memref<10112x32xf32, #tpu.memory_space<hbm>>) target(%arg9 : memref<128x32xf32, #tpu.memory_space<vmem>>) offsets(%dma_start3A_11 : memref<128xi32, #tpu.memory_space<vmem>>) semaphore(%run_scoped3A : memref<!tpu.dma_semaphore, #tpu.memory_space<semaphore_mem>>)
        %dma_wait3A = arith.constant 0 : i32
        %dma_wait3A_15 = tpu.memref_slice %arg7[%scan3A_9, %dma_wait3A] : memref<80x128xi32, #tpu.memory_space<vmem>> -> memref<1x128xi32, #tpu.memory_space<vmem>>
        %dma_wait3A_16 = tpu.memref_squeeze %dma_wait3A_15 : memref<1x128xi32, #tpu.memory_space<vmem>> -> memref<128xi32, #tpu.memory_space<vmem>>
        %dma_wait3A_17 = arith.constant 0 : i32
        %dma_wait3A_18 = arith.constant 0 : i32
        %dma_wait3A_19 = tpu.memref_slice %arg2[%dma_wait3A_17, %dma_wait3A_18] : memref<10112x32xf32, #tpu.memory_space<hbm>> -> memref<10112x32xf32, #tpu.memory_space<hbm>>
        tpu.wait_indirect_dma semaphore(%run_scoped3A : memref<!tpu.dma_semaphore, #tpu.memory_space<semaphore_mem>>) src(%dma_wait3A_19 : memref<10112x32xf32, #tpu.memory_space<hbm>>) dst(%arg9 : memref<128x32xf32, #tpu.memory_space<vmem>>)
        tpu.yield
      }) : () -> ()
      "tpu.region"() ({
        %run_scoped3A = tpu.sem_alloc : memref<!tpu.dma_semaphore, #tpu.memory_space<semaphore_mem>>
        %dma_start3A = arith.constant 0 : i32
        %dma_start3A_10 = tpu.memref_slice %arg8[%scan3A_9, %dma_start3A] : memref<80x128xi32, #tpu.memory_space<vmem>> -> memref<1x128xi32, #tpu.memory_space<vmem>>
        %dma_start3A_11 = tpu.memref_squeeze %dma_start3A_10 : memref<1x128xi32, #tpu.memory_space<vmem>> -> memref<128xi32, #tpu.memory_space<vmem>>
        %dma_start3A_12 = arith.constant 0 : i32
        %dma_start3A_13 = arith.constant 0 : i32
        %dma_start3A_14 = tpu.memref_slice %arg10[%dma_start3A_12, %dma_start3A_13] : memref<10112x32xf32, #tpu.memory_space<vmem_shared>> -> memref<10112x32xf32, #tpu.memory_space<vmem_shared>>
        tpu.enqueue_indirect_dma source(%arg9 : memref<128x32xf32, #tpu.memory_space<vmem>>) target(%dma_start3A_14 : memref<10112x32xf32, #tpu.memory_space<vmem_shared>>) offsets(%dma_start3A_11 : memref<128xi32, #tpu.memory_space<vmem>>) semaphore(%run_scoped3A : memref<!tpu.dma_semaphore, #tpu.memory_space<semaphore_mem>>) {add = true}
        %dma_wait3A = arith.constant 0 : i32
        %dma_wait3A_15 = tpu.memref_slice %arg8[%scan3A_9, %dma_wait3A] : memref<80x128xi32, #tpu.memory_space<vmem>> -> memref<1x128xi32, #tpu.memory_space<vmem>>
        %dma_wait3A_16 = tpu.memref_squeeze %dma_wait3A_15 : memref<1x128xi32, #tpu.memory_space<vmem>> -> memref<128xi32, #tpu.memory_space<vmem>>
        %dma_wait3A_17 = arith.constant 0 : i32
        %dma_wait3A_18 = arith.constant 0 : i32
        %dma_wait3A_19 = tpu.memref_slice %arg10[%dma_wait3A_17, %dma_wait3A_18] : memref<10112x32xf32, #tpu.memory_space<vmem_shared>> -> memref<10112x32xf32, #tpu.memory_space<vmem_shared>>
        tpu.wait_indirect_dma semaphore(%run_scoped3A : memref<!tpu.dma_semaphore, #tpu.memory_space<semaphore_mem>>) src(%arg9 : memref<128x32xf32, #tpu.memory_space<vmem>>) dst(%dma_wait3A_19 : memref<10112x32xf32, #tpu.memory_space<vmem_shared>>)
        tpu.yield
      }) : () -> ()
    }
    %scan3A_7 = arith.constant 80 : i32
    %barrier3A_8 = arith.constant 0 : index
    tpu.barrier barrier_id(%barrier3A_8)
    "tpu.region"() ({
      %run_scoped3A = tpu.sem_alloc : memref<!tpu.dma_semaphore, #tpu.memory_space<semaphore_mem>>
      %dma_start3A = arith.constant 0 : i32
      %dma_start3A_9 = tpu.memref_slice %arg6[%arg0, %mul3A_2, %dma_start3A] : memref<2x10112x32xf32, #tpu.memory_space<hbm>> -> memref<1x632x32xf32, #tpu.memory_space<hbm>>
      %dma_start3A_10 = tpu.memref_squeeze %dma_start3A_9 : memref<1x632x32xf32, #tpu.memory_space<hbm>> -> memref<632x32xf32, #tpu.memory_space<hbm>>
      %dma_start3A_11 = arith.constant 0 : i32
      %dma_start3A_12 = tpu.memref_slice %arg10[%mul3A_2, %dma_start3A_11] : memref<10112x32xf32, #tpu.memory_space<vmem_shared>> -> memref<632x32xf32, #tpu.memory_space<vmem_shared>>
      tpu.enqueue_dma source(%dma_start3A_12 : memref<632x32xf32, #tpu.memory_space<vmem_shared>>) target(%dma_start3A_10 : memref<632x32xf32, #tpu.memory_space<hbm>>) target_semaphore(%run_scoped3A : memref<!tpu.dma_semaphore, #tpu.memory_space<semaphore_mem>>)
      %dma_wait3A = arith.constant 0 : i32
      %dma_wait3A_13 = tpu.memref_slice %arg6[%arg0, %mul3A_2, %dma_wait3A] : memref<2x10112x32xf32, #tpu.memory_space<hbm>> -> memref<1x632x32xf32, #tpu.memory_space<hbm>>
      %dma_wait3A_14 = tpu.memref_squeeze %dma_wait3A_13 : memref<1x632x32xf32, #tpu.memory_space<hbm>> -> memref<632x32xf32, #tpu.memory_space<hbm>>
      %dma_wait3A_15 = arith.constant 0 : i32
      %dma_wait3A_16 = tpu.memref_slice %arg10[%mul3A_2, %dma_wait3A_15] : memref<10112x32xf32, #tpu.memory_space<vmem_shared>> -> memref<632x32xf32, #tpu.memory_space<vmem_shared>>
      tpu.wait_dma2 semaphore(%run_scoped3A : memref<!tpu.dma_semaphore, #tpu.memory_space<semaphore_mem>>) src(%dma_wait3A_16 : memref<632x32xf32, #tpu.memory_space<vmem_shared>>) dst(%dma_wait3A_14 : memref<632x32xf32, #tpu.memory_space<hbm>>)
      tpu.yield
    }) : () -> ()
    return
  }
}

module attributes {stable_mosaic.version = 14 : i64} {
  func.func @body(%arg0: i32, %arg1: memref<2x2528x16xf32, #tpu.memory_space<vmem>>, %arg2: memref<2528x128xf32, #tpu.memory_space<vmem>>, %arg3: memref<128x96xf32, #tpu.memory_space<vmem>>, %arg4: memref<2528x96xf32, #tpu.memory_space<vmem>>, %arg5: memref<2528x1xf32, #tpu.memory_space<vmem>>) attributes {dimension_semantics = [#tpu.dimension_semantics<arbitrary>], iteration_bounds = array<i64: 4>, scalar_prefetch = 0 : i64, scratch_operands = 0 : i64, tpu.core_type = #tpu.core_type<tc>, window_params = [{transform_indices = @transform_0, window_bounds = array<i64: 2, 2528, 16>}, {transform_indices = @transform_1, window_bounds = array<i64: 2528, 128>}, {pipeline_mode = #tpu.pipeline_mode<synchronous>, transform_indices = @transform_2, window_bounds = array<i64: 128, 96>}, {transform_indices = @transform_3, window_bounds = array<i64: 2528, 96>}, {transform_indices = @transform_4, window_bounds = array<i64: 2528, 1>}]} {
    %get3A = arith.constant 0 : index
    %get3A_0 = arith.constant 0 : index
    %get3A_1 = arith.constant 0 : index
    %get3A_2 = vector.load %arg1[%get3A, %get3A_0, %get3A_1] : memref<2x2528x16xf32, #tpu.memory_space<vmem>>, vector<1x2528x1xf32>
    %get3A_3 = vector.shape_cast %get3A_2 : vector<1x2528x1xf32> to vector<2528x1xf32>
    %get3A_4 = arith.constant 1 : index
    %get3A_5 = arith.constant 0 : index
    %get3A_6 = arith.constant 0 : index
    %get3A_7 = vector.load %arg1[%get3A_4, %get3A_5, %get3A_6] : memref<2x2528x16xf32, #tpu.memory_space<vmem>>, vector<1x2528x1xf32>
    %get3A_8 = vector.shape_cast %get3A_7 : vector<1x2528x1xf32> to vector<2528x1xf32>
    %add3A = arith.addf %get3A_3, %get3A_8 : vector<2528x1xf32>
    %add3A_9 = arith.constant 1.000000e+00 : f32
    %add3A_10 = vector.broadcast %add3A_9 : f32 to vector<2528x1xf32>
    %add3A_11 = arith.addf %add3A, %add3A_10 : vector<2528x1xf32>
    %rsqrt3A = math.rsqrt %add3A_11 : vector<2528x1xf32>
    %get3A_12 = arith.constant 0 : index
    %get3A_13 = arith.constant 0 : index
    %get3A_14 = vector.load %arg2[%get3A_12, %get3A_13] : memref<2528x128xf32, #tpu.memory_space<vmem>>, vector<2528x128xf32>
    %get3A_15 = arith.constant 0 : index
    %get3A_16 = arith.constant 0 : index
    %get3A_17 = vector.load %arg3[%get3A_15, %get3A_16] : memref<128x96xf32, #tpu.memory_space<vmem>>, vector<128x96xf32>
    %dot_general3A = arith.constant dense<0.000000e+00> : vector<2528x96xf32>
    %dot_general3A_18 = tpu.matmul %get3A_14, %get3A_17, %dot_general3A {dimension_numbers = #tpu.dot_dimension_numbers<[1], [0], [0], [1], [0, 0, 1, 1], [], []>, transpose_lhs_hint = false} : vector<2528x128xf32>, vector<128x96xf32>, vector<2528x96xf32> -> vector<2528x96xf32>
    %mul3A = vector.broadcast %rsqrt3A : vector<2528x1xf32> to vector<2528x96xf32>
    %mul3A_19 = arith.mulf %dot_general3A_18, %mul3A : vector<2528x96xf32>
    %swap3A = arith.constant 0 : index
    %swap3A_20 = arith.constant 0 : index
    %swap3A_21 = vector.load %arg4[%swap3A, %swap3A_20] : memref<2528x96xf32, #tpu.memory_space<vmem>>, vector<2528x96xf32>
    tpu.vector_store %arg4[%swap3A, %swap3A_20], %mul3A_19 {strides = array<i32>} : memref<2528x96xf32, #tpu.memory_space<vmem>>, vector<2528x96xf32>,
    %swap3A_22 = arith.constant 0 : index
    %swap3A_23 = arith.constant 0 : index
    %swap3A_24 = vector.load %arg5[%swap3A_22, %swap3A_23] : memref<2528x1xf32, #tpu.memory_space<vmem>>, vector<2528x1xf32>
    tpu.vector_store %arg5[%swap3A_22, %swap3A_23], %rsqrt3A {strides = array<i32>} : memref<2528x1xf32, #tpu.memory_space<vmem>>, vector<2528x1xf32>,
    return
  }
  func.func @transform_0(%arg0: i32) -> (i32, i32, i32) {
    %c0_i32 = arith.constant 0 : i32
    %c0_i32_0 = arith.constant 0 : i32
    %c0_i32_1 = arith.constant 0 : i32
    return %c0_i32, %arg0, %c0_i32_0 : i32, i32, i32
  }
  func.func @transform_1(%arg0: i32) -> (i32, i32) {
    %c0_i32 = arith.constant 0 : i32
    %c0_i32_0 = arith.constant 0 : i32
    return %arg0, %c0_i32 : i32, i32
  }
  func.func @transform_2(%arg0: i32) -> (i32, i32) {
    %c0_i32 = arith.constant 0 : i32
    %c0_i32_0 = arith.constant 0 : i32
    %c0_i32_1 = arith.constant 0 : i32
    return %c0_i32, %c0_i32_0 : i32, i32
  }
  func.func @transform_3(%arg0: i32) -> (i32, i32) {
    %c0_i32 = arith.constant 0 : i32
    %c0_i32_0 = arith.constant 0 : i32
    return %arg0, %c0_i32 : i32, i32
  }
  func.func @transform_4(%arg0: i32) -> (i32, i32) {
    %c0_i32 = arith.constant 0 : i32
    %c0_i32_0 = arith.constant 0 : i32
    return %arg0, %c0_i32 : i32, i32
  }
}

module attributes {stable_mosaic.version = 14 : i64} {
  func.func @body(%arg0: i32, %arg1: memref<2x2528x96xf32, #tpu.memory_space<vmem>>, %arg2: memref<2528x96xf32, #tpu.memory_space<vmem>>, %arg3: memref<2528x1xf32, #tpu.memory_space<vmem>>, %arg4: memref<8x96xf32, #tpu.memory_space<vmem>>, %arg5: memref<96x80xf32, #tpu.memory_space<vmem>>, %arg6: memref<2528x80xf32, #tpu.memory_space<vmem>>) attributes {dimension_semantics = [#tpu.dimension_semantics<arbitrary>], iteration_bounds = array<i64: 4>, scalar_prefetch = 0 : i64, scratch_operands = 0 : i64, tpu.core_type = #tpu.core_type<tc>, window_params = [{transform_indices = @transform_0, window_bounds = array<i64: 2, 2528, 96>}, {transform_indices = @transform_1, window_bounds = array<i64: 2528, 96>}, {transform_indices = @transform_2, window_bounds = array<i64: 2528, 1>}, {pipeline_mode = #tpu.pipeline_mode<synchronous>, transform_indices = @transform_3, window_bounds = array<i64: 8, 96>}, {pipeline_mode = #tpu.pipeline_mode<synchronous>, transform_indices = @transform_4, window_bounds = array<i64: 96, 80>}, {transform_indices = @transform_5, window_bounds = array<i64: 2528, 80>}]} {
    %get3A = arith.constant 0 : index
    %get3A_0 = arith.constant 0 : index
    %get3A_1 = vector.load %arg3[%get3A, %get3A_0] : memref<2528x1xf32, #tpu.memory_space<vmem>>, vector<2528x1xf32>
    %get3A_2 = arith.constant 0 : index
    %get3A_3 = arith.constant 0 : index
    %get3A_4 = arith.constant 0 : index
    %get3A_5 = vector.load %arg1[%get3A_2, %get3A_3, %get3A_4] : memref<2x2528x96xf32, #tpu.memory_space<vmem>>, vector<1x2528x96xf32>
    %get3A_6 = vector.shape_cast %get3A_5 : vector<1x2528x96xf32> to vector<2528x96xf32>
    %get3A_7 = arith.constant 1 : index
    %get3A_8 = arith.constant 0 : index
    %get3A_9 = arith.constant 0 : index
    %get3A_10 = vector.load %arg1[%get3A_7, %get3A_8, %get3A_9] : memref<2x2528x96xf32, #tpu.memory_space<vmem>>, vector<1x2528x96xf32>
    %get3A_11 = vector.shape_cast %get3A_10 : vector<1x2528x96xf32> to vector<2528x96xf32>
    %add3A = arith.addf %get3A_6, %get3A_11 : vector<2528x96xf32>
    %get3A_12 = arith.constant 0 : index
    %get3A_13 = arith.constant 0 : index
    %get3A_14 = vector.load %arg2[%get3A_12, %get3A_13] : memref<2528x96xf32, #tpu.memory_space<vmem>>, vector<2528x96xf32>
    %add3A_15 = arith.addf %add3A, %get3A_14 : vector<2528x96xf32>
    %mul3A = vector.broadcast %get3A_1 : vector<2528x1xf32> to vector<2528x96xf32>
    %mul3A_16 = arith.mulf %add3A_15, %mul3A : vector<2528x96xf32>
    %get3A_17 = arith.constant 0 : index
    %get3A_18 = arith.constant 0 : index
    %get3A_19 = vector.load %arg4[%get3A_17, %get3A_18] : memref<8x96xf32, #tpu.memory_space<vmem>>, vector<1x96xf32>
    %add3A_20 = vector.broadcast %get3A_19 : vector<1x96xf32> to vector<2528x96xf32>
    %add3A_21 = arith.addf %mul3A_16, %add3A_20 : vector<2528x96xf32>
    %max3A = arith.constant 0.000000e+00 : f32
    %max3A_22 = vector.broadcast %max3A : f32 to vector<2528x96xf32>
    %max3A_23 = arith.maximumf %add3A_21, %max3A_22 : vector<2528x96xf32>
    %get3A_24 = arith.constant 0 : index
    %get3A_25 = arith.constant 0 : index
    %get3A_26 = vector.load %arg5[%get3A_24, %get3A_25] : memref<96x80xf32, #tpu.memory_space<vmem>>, vector<96x80xf32>
    %dot_general3A = arith.constant dense<0.000000e+00> : vector<2528x80xf32>
    %dot_general3A_27 = tpu.matmul %max3A_23, %get3A_26, %dot_general3A {dimension_numbers = #tpu.dot_dimension_numbers<[1], [0], [0], [1], [0, 0, 1, 1], [], []>, transpose_lhs_hint = false} : vector<2528x96xf32>, vector<96x80xf32>, vector<2528x80xf32> -> vector<2528x80xf32>
    %mul3A_28 = vector.broadcast %get3A_1 : vector<2528x1xf32> to vector<2528x80xf32>
    %mul3A_29 = arith.mulf %dot_general3A_27, %mul3A_28 : vector<2528x80xf32>
    %swap3A = arith.constant 0 : index
    %swap3A_30 = arith.constant 0 : index
    %swap3A_31 = vector.load %arg6[%swap3A, %swap3A_30] : memref<2528x80xf32, #tpu.memory_space<vmem>>, vector<2528x80xf32>
    tpu.vector_store %arg6[%swap3A, %swap3A_30], %mul3A_29 {strides = array<i32>} : memref<2528x80xf32, #tpu.memory_space<vmem>>, vector<2528x80xf32>,
    return
  }
  func.func @transform_0(%arg0: i32) -> (i32, i32, i32) {
    %c0_i32 = arith.constant 0 : i32
    %c0_i32_0 = arith.constant 0 : i32
    %c0_i32_1 = arith.constant 0 : i32
    return %c0_i32, %arg0, %c0_i32_0 : i32, i32, i32
  }
  func.func @transform_1(%arg0: i32) -> (i32, i32) {
    %c0_i32 = arith.constant 0 : i32
    %c0_i32_0 = arith.constant 0 : i32
    return %arg0, %c0_i32 : i32, i32
  }
  func.func @transform_2(%arg0: i32) -> (i32, i32) {
    %c0_i32 = arith.constant 0 : i32
    %c0_i32_0 = arith.constant 0 : i32
    return %arg0, %c0_i32 : i32, i32
  }
  func.func @transform_3(%arg0: i32) -> (i32, i32) {
    %c0_i32 = arith.constant 0 : i32
    %c0_i32_0 = arith.constant 0 : i32
    %c0_i32_1 = arith.constant 0 : i32
    return %c0_i32, %c0_i32_0 : i32, i32
  }
  func.func @transform_4(%arg0: i32) -> (i32, i32) {
    %c0_i32 = arith.constant 0 : i32
    %c0_i32_0 = arith.constant 0 : i32
    %c0_i32_1 = arith.constant 0 : i32
    return %c0_i32, %c0_i32_0 : i32, i32
  }
  func.func @transform_5(%arg0: i32) -> (i32, i32) {
    %c0_i32 = arith.constant 0 : i32
    %c0_i32_0 = arith.constant 0 : i32
    return %arg0, %c0_i32 : i32, i32
  }
}

module attributes {stable_mosaic.version = 14 : i64} {
  func.func @body(%arg0: i32, %arg1: memref<2x2528x80xf32, #tpu.memory_space<vmem>>, %arg2: memref<2528x80xf32, #tpu.memory_space<vmem>>, %arg3: memref<2528x1xf32, #tpu.memory_space<vmem>>, %arg4: memref<8x80xf32, #tpu.memory_space<vmem>>, %arg5: memref<80x64xf32, #tpu.memory_space<vmem>>, %arg6: memref<2528x64xf32, #tpu.memory_space<vmem>>) attributes {dimension_semantics = [#tpu.dimension_semantics<arbitrary>], iteration_bounds = array<i64: 4>, scalar_prefetch = 0 : i64, scratch_operands = 0 : i64, tpu.core_type = #tpu.core_type<tc>, window_params = [{transform_indices = @transform_0, window_bounds = array<i64: 2, 2528, 80>}, {transform_indices = @transform_1, window_bounds = array<i64: 2528, 80>}, {transform_indices = @transform_2, window_bounds = array<i64: 2528, 1>}, {pipeline_mode = #tpu.pipeline_mode<synchronous>, transform_indices = @transform_3, window_bounds = array<i64: 8, 80>}, {pipeline_mode = #tpu.pipeline_mode<synchronous>, transform_indices = @transform_4, window_bounds = array<i64: 80, 64>}, {transform_indices = @transform_5, window_bounds = array<i64: 2528, 64>}]} {
    %get3A = arith.constant 0 : index
    %get3A_0 = arith.constant 0 : index
    %get3A_1 = vector.load %arg3[%get3A, %get3A_0] : memref<2528x1xf32, #tpu.memory_space<vmem>>, vector<2528x1xf32>
    %get3A_2 = arith.constant 0 : index
    %get3A_3 = arith.constant 0 : index
    %get3A_4 = arith.constant 0 : index
    %get3A_5 = vector.load %arg1[%get3A_2, %get3A_3, %get3A_4] : memref<2x2528x80xf32, #tpu.memory_space<vmem>>, vector<1x2528x80xf32>
    %get3A_6 = vector.shape_cast %get3A_5 : vector<1x2528x80xf32> to vector<2528x80xf32>
    %get3A_7 = arith.constant 1 : index
    %get3A_8 = arith.constant 0 : index
    %get3A_9 = arith.constant 0 : index
    %get3A_10 = vector.load %arg1[%get3A_7, %get3A_8, %get3A_9] : memref<2x2528x80xf32, #tpu.memory_space<vmem>>, vector<1x2528x80xf32>
    %get3A_11 = vector.shape_cast %get3A_10 : vector<1x2528x80xf32> to vector<2528x80xf32>
    %add3A = arith.addf %get3A_6, %get3A_11 : vector<2528x80xf32>
    %get3A_12 = arith.constant 0 : index
    %get3A_13 = arith.constant 0 : index
    %get3A_14 = vector.load %arg2[%get3A_12, %get3A_13] : memref<2528x80xf32, #tpu.memory_space<vmem>>, vector<2528x80xf32>
    %add3A_15 = arith.addf %add3A, %get3A_14 : vector<2528x80xf32>
    %mul3A = vector.broadcast %get3A_1 : vector<2528x1xf32> to vector<2528x80xf32>
    %mul3A_16 = arith.mulf %add3A_15, %mul3A : vector<2528x80xf32>
    %get3A_17 = arith.constant 0 : index
    %get3A_18 = arith.constant 0 : index
    %get3A_19 = vector.load %arg4[%get3A_17, %get3A_18] : memref<8x80xf32, #tpu.memory_space<vmem>>, vector<1x80xf32>
    %add3A_20 = vector.broadcast %get3A_19 : vector<1x80xf32> to vector<2528x80xf32>
    %add3A_21 = arith.addf %mul3A_16, %add3A_20 : vector<2528x80xf32>
    %max3A = arith.constant 0.000000e+00 : f32
    %max3A_22 = vector.broadcast %max3A : f32 to vector<2528x80xf32>
    %max3A_23 = arith.maximumf %add3A_21, %max3A_22 : vector<2528x80xf32>
    %get3A_24 = arith.constant 0 : index
    %get3A_25 = arith.constant 0 : index
    %get3A_26 = vector.load %arg5[%get3A_24, %get3A_25] : memref<80x64xf32, #tpu.memory_space<vmem>>, vector<80x64xf32>
    %dot_general3A = arith.constant dense<0.000000e+00> : vector<2528x64xf32>
    %dot_general3A_27 = tpu.matmul %max3A_23, %get3A_26, %dot_general3A {dimension_numbers = #tpu.dot_dimension_numbers<[1], [0], [0], [1], [0, 0, 1, 1], [], []>, transpose_lhs_hint = false} : vector<2528x80xf32>, vector<80x64xf32>, vector<2528x64xf32> -> vector<2528x64xf32>
    %mul3A_28 = vector.broadcast %get3A_1 : vector<2528x1xf32> to vector<2528x64xf32>
    %mul3A_29 = arith.mulf %dot_general3A_27, %mul3A_28 : vector<2528x64xf32>
    %swap3A = arith.constant 0 : index
    %swap3A_30 = arith.constant 0 : index
    %swap3A_31 = vector.load %arg6[%swap3A, %swap3A_30] : memref<2528x64xf32, #tpu.memory_space<vmem>>, vector<2528x64xf32>
    tpu.vector_store %arg6[%swap3A, %swap3A_30], %mul3A_29 {strides = array<i32>} : memref<2528x64xf32, #tpu.memory_space<vmem>>, vector<2528x64xf32>,
    return
  }
  func.func @transform_0(%arg0: i32) -> (i32, i32, i32) {
    %c0_i32 = arith.constant 0 : i32
    %c0_i32_0 = arith.constant 0 : i32
    %c0_i32_1 = arith.constant 0 : i32
    return %c0_i32, %arg0, %c0_i32_0 : i32, i32, i32
  }
  func.func @transform_1(%arg0: i32) -> (i32, i32) {
    %c0_i32 = arith.constant 0 : i32
    %c0_i32_0 = arith.constant 0 : i32
    return %arg0, %c0_i32 : i32, i32
  }
  func.func @transform_2(%arg0: i32) -> (i32, i32) {
    %c0_i32 = arith.constant 0 : i32
    %c0_i32_0 = arith.constant 0 : i32
    return %arg0, %c0_i32 : i32, i32
  }
  func.func @transform_3(%arg0: i32) -> (i32, i32) {
    %c0_i32 = arith.constant 0 : i32
    %c0_i32_0 = arith.constant 0 : i32
    %c0_i32_1 = arith.constant 0 : i32
    return %c0_i32, %c0_i32_0 : i32, i32
  }
  func.func @transform_4(%arg0: i32) -> (i32, i32) {
    %c0_i32 = arith.constant 0 : i32
    %c0_i32_0 = arith.constant 0 : i32
    %c0_i32_1 = arith.constant 0 : i32
    return %c0_i32, %c0_i32_0 : i32, i32
  }
  func.func @transform_5(%arg0: i32) -> (i32, i32) {
    %c0_i32 = arith.constant 0 : i32
    %c0_i32_0 = arith.constant 0 : i32
    return %arg0, %c0_i32 : i32, i32
  }
}

module attributes {stable_mosaic.version = 14 : i64} {
  func.func @body(%arg0: i32, %arg1: memref<2x2528x64xf32, #tpu.memory_space<vmem>>, %arg2: memref<2528x64xf32, #tpu.memory_space<vmem>>, %arg3: memref<2528x1xf32, #tpu.memory_space<vmem>>, %arg4: memref<8x64xf32, #tpu.memory_space<vmem>>, %arg5: memref<64x32xf32, #tpu.memory_space<vmem>>, %arg6: memref<2528x32xf32, #tpu.memory_space<vmem>>) attributes {dimension_semantics = [#tpu.dimension_semantics<arbitrary>], iteration_bounds = array<i64: 4>, scalar_prefetch = 0 : i64, scratch_operands = 0 : i64, tpu.core_type = #tpu.core_type<tc>, window_params = [{transform_indices = @transform_0, window_bounds = array<i64: 2, 2528, 64>}, {transform_indices = @transform_1, window_bounds = array<i64: 2528, 64>}, {transform_indices = @transform_2, window_bounds = array<i64: 2528, 1>}, {pipeline_mode = #tpu.pipeline_mode<synchronous>, transform_indices = @transform_3, window_bounds = array<i64: 8, 64>}, {pipeline_mode = #tpu.pipeline_mode<synchronous>, transform_indices = @transform_4, window_bounds = array<i64: 64, 32>}, {transform_indices = @transform_5, window_bounds = array<i64: 2528, 32>}]} {
    %get3A = arith.constant 0 : index
    %get3A_0 = arith.constant 0 : index
    %get3A_1 = vector.load %arg3[%get3A, %get3A_0] : memref<2528x1xf32, #tpu.memory_space<vmem>>, vector<2528x1xf32>
    %get3A_2 = arith.constant 0 : index
    %get3A_3 = arith.constant 0 : index
    %get3A_4 = arith.constant 0 : index
    %get3A_5 = vector.load %arg1[%get3A_2, %get3A_3, %get3A_4] : memref<2x2528x64xf32, #tpu.memory_space<vmem>>, vector<1x2528x64xf32>
    %get3A_6 = vector.shape_cast %get3A_5 : vector<1x2528x64xf32> to vector<2528x64xf32>
    %get3A_7 = arith.constant 1 : index
    %get3A_8 = arith.constant 0 : index
    %get3A_9 = arith.constant 0 : index
    %get3A_10 = vector.load %arg1[%get3A_7, %get3A_8, %get3A_9] : memref<2x2528x64xf32, #tpu.memory_space<vmem>>, vector<1x2528x64xf32>
    %get3A_11 = vector.shape_cast %get3A_10 : vector<1x2528x64xf32> to vector<2528x64xf32>
    %add3A = arith.addf %get3A_6, %get3A_11 : vector<2528x64xf32>
    %get3A_12 = arith.constant 0 : index
    %get3A_13 = arith.constant 0 : index
    %get3A_14 = vector.load %arg2[%get3A_12, %get3A_13] : memref<2528x64xf32, #tpu.memory_space<vmem>>, vector<2528x64xf32>
    %add3A_15 = arith.addf %add3A, %get3A_14 : vector<2528x64xf32>
    %mul3A = vector.broadcast %get3A_1 : vector<2528x1xf32> to vector<2528x64xf32>
    %mul3A_16 = arith.mulf %add3A_15, %mul3A : vector<2528x64xf32>
    %get3A_17 = arith.constant 0 : index
    %get3A_18 = arith.constant 0 : index
    %get3A_19 = vector.load %arg4[%get3A_17, %get3A_18] : memref<8x64xf32, #tpu.memory_space<vmem>>, vector<1x64xf32>
    %add3A_20 = vector.broadcast %get3A_19 : vector<1x64xf32> to vector<2528x64xf32>
    %add3A_21 = arith.addf %mul3A_16, %add3A_20 : vector<2528x64xf32>
    %max3A = arith.constant 0.000000e+00 : f32
    %max3A_22 = vector.broadcast %max3A : f32 to vector<2528x64xf32>
    %max3A_23 = arith.maximumf %add3A_21, %max3A_22 : vector<2528x64xf32>
    %get3A_24 = arith.constant 0 : index
    %get3A_25 = arith.constant 0 : index
    %get3A_26 = vector.load %arg5[%get3A_24, %get3A_25] : memref<64x32xf32, #tpu.memory_space<vmem>>, vector<64x32xf32>
    %dot_general3A = arith.constant dense<0.000000e+00> : vector<2528x32xf32>
    %dot_general3A_27 = tpu.matmul %max3A_23, %get3A_26, %dot_general3A {dimension_numbers = #tpu.dot_dimension_numbers<[1], [0], [0], [1], [0, 0, 1, 1], [], []>, transpose_lhs_hint = false} : vector<2528x64xf32>, vector<64x32xf32>, vector<2528x32xf32> -> vector<2528x32xf32>
    %mul3A_28 = vector.broadcast %get3A_1 : vector<2528x1xf32> to vector<2528x32xf32>
    %mul3A_29 = arith.mulf %dot_general3A_27, %mul3A_28 : vector<2528x32xf32>
    %swap3A = arith.constant 0 : index
    %swap3A_30 = arith.constant 0 : index
    %swap3A_31 = vector.load %arg6[%swap3A, %swap3A_30] : memref<2528x32xf32, #tpu.memory_space<vmem>>, vector<2528x32xf32>
    tpu.vector_store %arg6[%swap3A, %swap3A_30], %mul3A_29 {strides = array<i32>} : memref<2528x32xf32, #tpu.memory_space<vmem>>, vector<2528x32xf32>,
    return
  }
  func.func @transform_0(%arg0: i32) -> (i32, i32, i32) {
    %c0_i32 = arith.constant 0 : i32
    %c0_i32_0 = arith.constant 0 : i32
    %c0_i32_1 = arith.constant 0 : i32
    return %c0_i32, %arg0, %c0_i32_0 : i32, i32, i32
  }
  func.func @transform_1(%arg0: i32) -> (i32, i32) {
    %c0_i32 = arith.constant 0 : i32
    %c0_i32_0 = arith.constant 0 : i32
    return %arg0, %c0_i32 : i32, i32
  }
  func.func @transform_2(%arg0: i32) -> (i32, i32) {
    %c0_i32 = arith.constant 0 : i32
    %c0_i32_0 = arith.constant 0 : i32
    return %arg0, %c0_i32 : i32, i32
  }
  func.func @transform_3(%arg0: i32) -> (i32, i32) {
    %c0_i32 = arith.constant 0 : i32
    %c0_i32_0 = arith.constant 0 : i32
    %c0_i32_1 = arith.constant 0 : i32
    return %c0_i32, %c0_i32_0 : i32, i32
  }
  func.func @transform_4(%arg0: i32) -> (i32, i32) {
    %c0_i32 = arith.constant 0 : i32
    %c0_i32_0 = arith.constant 0 : i32
    %c0_i32_1 = arith.constant 0 : i32
    return %c0_i32, %c0_i32_0 : i32, i32
  }
  func.func @transform_5(%arg0: i32) -> (i32, i32) {
    %c0_i32 = arith.constant 0 : i32
    %c0_i32_0 = arith.constant 0 : i32
    return %arg0, %c0_i32 : i32, i32
  }
}

module attributes {stable_mosaic.version = 14 : i64} {
  func.func @body(%arg0: i32, %arg1: memref<2x2528x32xf32, #tpu.memory_space<vmem>>, %arg2: memref<2528x32xf32, #tpu.memory_space<vmem>>, %arg3: memref<2528x1xf32, #tpu.memory_space<vmem>>, %arg4: memref<8x32xf32, #tpu.memory_space<vmem>>, %arg5: memref<32x32xf32, #tpu.memory_space<vmem>>, %arg6: memref<2528x32xf32, #tpu.memory_space<vmem>>) attributes {dimension_semantics = [#tpu.dimension_semantics<arbitrary>], iteration_bounds = array<i64: 4>, scalar_prefetch = 0 : i64, scratch_operands = 0 : i64, tpu.core_type = #tpu.core_type<tc>, window_params = [{transform_indices = @transform_0, window_bounds = array<i64: 2, 2528, 32>}, {transform_indices = @transform_1, window_bounds = array<i64: 2528, 32>}, {transform_indices = @transform_2, window_bounds = array<i64: 2528, 1>}, {pipeline_mode = #tpu.pipeline_mode<synchronous>, transform_indices = @transform_3, window_bounds = array<i64: 8, 32>}, {pipeline_mode = #tpu.pipeline_mode<synchronous>, transform_indices = @transform_4, window_bounds = array<i64: 32, 32>}, {transform_indices = @transform_5, window_bounds = array<i64: 2528, 32>}]} {
    %get3A = arith.constant 0 : index
    %get3A_0 = arith.constant 0 : index
    %get3A_1 = vector.load %arg3[%get3A, %get3A_0] : memref<2528x1xf32, #tpu.memory_space<vmem>>, vector<2528x1xf32>
    %get3A_2 = arith.constant 0 : index
    %get3A_3 = arith.constant 0 : index
    %get3A_4 = arith.constant 0 : index
    %get3A_5 = vector.load %arg1[%get3A_2, %get3A_3, %get3A_4] : memref<2x2528x32xf32, #tpu.memory_space<vmem>>, vector<1x2528x32xf32>
    %get3A_6 = vector.shape_cast %get3A_5 : vector<1x2528x32xf32> to vector<2528x32xf32>
    %get3A_7 = arith.constant 1 : index
    %get3A_8 = arith.constant 0 : index
    %get3A_9 = arith.constant 0 : index
    %get3A_10 = vector.load %arg1[%get3A_7, %get3A_8, %get3A_9] : memref<2x2528x32xf32, #tpu.memory_space<vmem>>, vector<1x2528x32xf32>
    %get3A_11 = vector.shape_cast %get3A_10 : vector<1x2528x32xf32> to vector<2528x32xf32>
    %add3A = arith.addf %get3A_6, %get3A_11 : vector<2528x32xf32>
    %get3A_12 = arith.constant 0 : index
    %get3A_13 = arith.constant 0 : index
    %get3A_14 = vector.load %arg2[%get3A_12, %get3A_13] : memref<2528x32xf32, #tpu.memory_space<vmem>>, vector<2528x32xf32>
    %add3A_15 = arith.addf %add3A, %get3A_14 : vector<2528x32xf32>
    %mul3A = vector.broadcast %get3A_1 : vector<2528x1xf32> to vector<2528x32xf32>
    %mul3A_16 = arith.mulf %add3A_15, %mul3A : vector<2528x32xf32>
    %get3A_17 = arith.constant 0 : index
    %get3A_18 = arith.constant 0 : index
    %get3A_19 = vector.load %arg4[%get3A_17, %get3A_18] : memref<8x32xf32, #tpu.memory_space<vmem>>, vector<1x32xf32>
    %add3A_20 = vector.broadcast %get3A_19 : vector<1x32xf32> to vector<2528x32xf32>
    %add3A_21 = arith.addf %mul3A_16, %add3A_20 : vector<2528x32xf32>
    %max3A = arith.constant 0.000000e+00 : f32
    %max3A_22 = vector.broadcast %max3A : f32 to vector<2528x32xf32>
    %max3A_23 = arith.maximumf %add3A_21, %max3A_22 : vector<2528x32xf32>
    %get3A_24 = arith.constant 0 : index
    %get3A_25 = arith.constant 0 : index
    %get3A_26 = vector.load %arg5[%get3A_24, %get3A_25] : memref<32x32xf32, #tpu.memory_space<vmem>>, vector<32x32xf32>
    %dot_general3A = arith.constant dense<0.000000e+00> : vector<2528x32xf32>
    %dot_general3A_27 = tpu.matmul %max3A_23, %get3A_26, %dot_general3A {dimension_numbers = #tpu.dot_dimension_numbers<[1], [0], [0], [1], [0, 0, 1, 1], [], []>, transpose_lhs_hint = false} : vector<2528x32xf32>, vector<32x32xf32>, vector<2528x32xf32> -> vector<2528x32xf32>
    %mul3A_28 = vector.broadcast %get3A_1 : vector<2528x1xf32> to vector<2528x32xf32>
    %mul3A_29 = arith.mulf %dot_general3A_27, %mul3A_28 : vector<2528x32xf32>
    %swap3A = arith.constant 0 : index
    %swap3A_30 = arith.constant 0 : index
    %swap3A_31 = vector.load %arg6[%swap3A, %swap3A_30] : memref<2528x32xf32, #tpu.memory_space<vmem>>, vector<2528x32xf32>
    tpu.vector_store %arg6[%swap3A, %swap3A_30], %mul3A_29 {strides = array<i32>} : memref<2528x32xf32, #tpu.memory_space<vmem>>, vector<2528x32xf32>,
    return
  }
  func.func @transform_0(%arg0: i32) -> (i32, i32, i32) {
    %c0_i32 = arith.constant 0 : i32
    %c0_i32_0 = arith.constant 0 : i32
    %c0_i32_1 = arith.constant 0 : i32
    return %c0_i32, %arg0, %c0_i32_0 : i32, i32, i32
  }
  func.func @transform_1(%arg0: i32) -> (i32, i32) {
    %c0_i32 = arith.constant 0 : i32
    %c0_i32_0 = arith.constant 0 : i32
    return %arg0, %c0_i32 : i32, i32
  }
  func.func @transform_2(%arg0: i32) -> (i32, i32) {
    %c0_i32 = arith.constant 0 : i32
    %c0_i32_0 = arith.constant 0 : i32
    return %arg0, %c0_i32 : i32, i32
  }
  func.func @transform_3(%arg0: i32) -> (i32, i32) {
    %c0_i32 = arith.constant 0 : i32
    %c0_i32_0 = arith.constant 0 : i32
    %c0_i32_1 = arith.constant 0 : i32
    return %c0_i32, %c0_i32_0 : i32, i32
  }
  func.func @transform_4(%arg0: i32) -> (i32, i32) {
    %c0_i32 = arith.constant 0 : i32
    %c0_i32_0 = arith.constant 0 : i32
    %c0_i32_1 = arith.constant 0 : i32
    return %c0_i32, %c0_i32_0 : i32, i32
  }
  func.func @transform_5(%arg0: i32) -> (i32, i32) {
    %c0_i32 = arith.constant 0 : i32
    %c0_i32_0 = arith.constant 0 : i32
    return %arg0, %c0_i32 : i32, i32
  }
}

module attributes {stable_mosaic.version = 14 : i64} {
  func.func @body(%arg0: i32, %arg1: memref<2x2528x32xf32, #tpu.memory_space<vmem>>, %arg2: memref<2528x32xf32, #tpu.memory_space<vmem>>, %arg3: memref<2528x1xf32, #tpu.memory_space<vmem>>, %arg4: memref<8x32xf32, #tpu.memory_space<vmem>>, %arg5: memref<32x128xf32, #tpu.memory_space<vmem>>, %arg6: memref<8x128xf32, #tpu.memory_space<vmem>>, %arg7: memref<2528x128xf32, #tpu.memory_space<vmem>>) attributes {dimension_semantics = [#tpu.dimension_semantics<arbitrary>], iteration_bounds = array<i64: 4>, scalar_prefetch = 0 : i64, scratch_operands = 0 : i64, tpu.core_type = #tpu.core_type<tc>, window_params = [{transform_indices = @transform_0, window_bounds = array<i64: 2, 2528, 32>}, {transform_indices = @transform_1, window_bounds = array<i64: 2528, 32>}, {transform_indices = @transform_2, window_bounds = array<i64: 2528, 1>}, {pipeline_mode = #tpu.pipeline_mode<synchronous>, transform_indices = @transform_3, window_bounds = array<i64: 8, 32>}, {pipeline_mode = #tpu.pipeline_mode<synchronous>, transform_indices = @transform_4, window_bounds = array<i64: 32, 128>}, {pipeline_mode = #tpu.pipeline_mode<synchronous>, transform_indices = @transform_5, window_bounds = array<i64: 8, 128>}, {transform_indices = @transform_6, window_bounds = array<i64: 2528, 128>}]} {
    %get3A = arith.constant 0 : index
    %get3A_0 = arith.constant 0 : index
    %get3A_1 = vector.load %arg3[%get3A, %get3A_0] : memref<2528x1xf32, #tpu.memory_space<vmem>>, vector<2528x1xf32>
    %get3A_2 = arith.constant 0 : index
    %get3A_3 = arith.constant 0 : index
    %get3A_4 = arith.constant 0 : index
    %get3A_5 = vector.load %arg1[%get3A_2, %get3A_3, %get3A_4] : memref<2x2528x32xf32, #tpu.memory_space<vmem>>, vector<1x2528x32xf32>
    %get3A_6 = vector.shape_cast %get3A_5 : vector<1x2528x32xf32> to vector<2528x32xf32>
    %get3A_7 = arith.constant 1 : index
    %get3A_8 = arith.constant 0 : index
    %get3A_9 = arith.constant 0 : index
    %get3A_10 = vector.load %arg1[%get3A_7, %get3A_8, %get3A_9] : memref<2x2528x32xf32, #tpu.memory_space<vmem>>, vector<1x2528x32xf32>
    %get3A_11 = vector.shape_cast %get3A_10 : vector<1x2528x32xf32> to vector<2528x32xf32>
    %add3A = arith.addf %get3A_6, %get3A_11 : vector<2528x32xf32>
    %get3A_12 = arith.constant 0 : index
    %get3A_13 = arith.constant 0 : index
    %get3A_14 = vector.load %arg2[%get3A_12, %get3A_13] : memref<2528x32xf32, #tpu.memory_space<vmem>>, vector<2528x32xf32>
    %add3A_15 = arith.addf %add3A, %get3A_14 : vector<2528x32xf32>
    %mul3A = vector.broadcast %get3A_1 : vector<2528x1xf32> to vector<2528x32xf32>
    %mul3A_16 = arith.mulf %add3A_15, %mul3A : vector<2528x32xf32>
    %get3A_17 = arith.constant 0 : index
    %get3A_18 = arith.constant 0 : index
    %get3A_19 = vector.load %arg4[%get3A_17, %get3A_18] : memref<8x32xf32, #tpu.memory_space<vmem>>, vector<1x32xf32>
    %add3A_20 = vector.broadcast %get3A_19 : vector<1x32xf32> to vector<2528x32xf32>
    %add3A_21 = arith.addf %mul3A_16, %add3A_20 : vector<2528x32xf32>
    %max3A = arith.constant 0.000000e+00 : f32
    %max3A_22 = vector.broadcast %max3A : f32 to vector<2528x32xf32>
    %max3A_23 = arith.maximumf %add3A_21, %max3A_22 : vector<2528x32xf32>
    %get3A_24 = arith.constant 0 : index
    %get3A_25 = arith.constant 0 : index
    %get3A_26 = vector.load %arg5[%get3A_24, %get3A_25] : memref<32x128xf32, #tpu.memory_space<vmem>>, vector<32x128xf32>
    %dot_general3A = arith.constant dense<0.000000e+00> : vector<2528x128xf32>
    %dot_general3A_27 = tpu.matmul %max3A_23, %get3A_26, %dot_general3A {dimension_numbers = #tpu.dot_dimension_numbers<[1], [0], [0], [1], [0, 0, 1, 1], [], []>, transpose_lhs_hint = false} : vector<2528x32xf32>, vector<32x128xf32>, vector<2528x128xf32> -> vector<2528x128xf32>
    %get3A_28 = arith.constant 0 : index
    %get3A_29 = arith.constant 0 : index
    %get3A_30 = vector.load %arg6[%get3A_28, %get3A_29] : memref<8x128xf32, #tpu.memory_space<vmem>>, vector<1x128xf32>
    %add3A_31 = vector.broadcast %get3A_30 : vector<1x128xf32> to vector<2528x128xf32>
    %add3A_32 = arith.addf %dot_general3A_27, %add3A_31 : vector<2528x128xf32>
    %swap3A = arith.constant 0 : index
    %swap3A_33 = arith.constant 0 : index
    %swap3A_34 = vector.load %arg7[%swap3A, %swap3A_33] : memref<2528x128xf32, #tpu.memory_space<vmem>>, vector<2528x128xf32>
    tpu.vector_store %arg7[%swap3A, %swap3A_33], %add3A_32 {strides = array<i32>} : memref<2528x128xf32, #tpu.memory_space<vmem>>, vector<2528x128xf32>,
    return
  }
  func.func @transform_0(%arg0: i32) -> (i32, i32, i32) {
    %c0_i32 = arith.constant 0 : i32
    %c0_i32_0 = arith.constant 0 : i32
    %c0_i32_1 = arith.constant 0 : i32
    return %c0_i32, %arg0, %c0_i32_0 : i32, i32, i32
  }
  func.func @transform_1(%arg0: i32) -> (i32, i32) {
    %c0_i32 = arith.constant 0 : i32
    %c0_i32_0 = arith.constant 0 : i32
    return %arg0, %c0_i32 : i32, i32
  }
  func.func @transform_2(%arg0: i32) -> (i32, i32) {
    %c0_i32 = arith.constant 0 : i32
    %c0_i32_0 = arith.constant 0 : i32
    return %arg0, %c0_i32 : i32, i32
  }
  func.func @transform_3(%arg0: i32) -> (i32, i32) {
    %c0_i32 = arith.constant 0 : i32
    %c0_i32_0 = arith.constant 0 : i32
    %c0_i32_1 = arith.constant 0 : i32
    return %c0_i32, %c0_i32_0 : i32, i32
  }
  func.func @transform_4(%arg0: i32) -> (i32, i32) {
    %c0_i32 = arith.constant 0 : i32
    %c0_i32_0 = arith.constant 0 : i32
    %c0_i32_1 = arith.constant 0 : i32
    return %c0_i32, %c0_i32_0 : i32, i32
  }
  func.func @transform_5(%arg0: i32) -> (i32, i32) {
    %c0_i32 = arith.constant 0 : i32
    %c0_i32_0 = arith.constant 0 : i32
    %c0_i32_1 = arith.constant 0 : i32
    return %c0_i32, %c0_i32_0 : i32, i32
  }
  func.func @transform_6(%arg0: i32) -> (i32, i32) {
    %c0_i32 = arith.constant 0 : i32
    %c0_i32_0 = arith.constant 0 : i32
    return %arg0, %c0_i32 : i32, i32
  }
}

</mosaic_0001>

<sc_bundles>
// kernel: kernel.14.cloned.1.call-start
scs
__scs_entry_jumppad:
0x0: {  	(pc) =	sbr.rel $0x88, $3  }
0x1: {  	(tag) =	ssettag $0x0;
	lr =	simm.s32 $0x1  }
0x2: {  	[smem:$0x3F93] =	sst lr;
	_ =	strace $0xD0000000  }
0x3: {  	_ = 	snop  }
0x4: {  	_ = 	snop  }
0x5: {  	_ = 	snop  }
0x6: {  	_ = 	snop  }
0x7: {  	_ = 	snop  }
__scs_overlays_trampoline_lowered:
0x8: {  	[smem:$0x3FA2] =	sst s0  }
0x9: {  	[smem:$0x3FA3] =	sst s1  }
0xa: {  	[smem:$0x3FA4] =	sst s2  }
0xb: {  	[smem:$0x3FA5] =	sst s3  }
0xc: {  	[smem:$0x3FA6] =	sst s4  }
0xd: {  	[smem:$0x3FA7] =	sst s5  }
0xe: {  	[smem:$0x3FA8] =	sst s6  }
0xf: {  	[smem:$0x3FA9] =	sst s7  }
0x10: {  	[smem:$0x3FAA] =	sst s8  }
0x11: {  	[smem:$0x3FAB] =	sst s9;
	s0 =	simm.s32 @!p0 $0x0  }
0x12: {  	s1 =	sld [smem:$0x3F91];
	s0 =	simm.s32 @p0 $0x1  }
0x13: {  	[smem:$0x3FAC] =	sst s0;
	s0 =	simm.s32 @!p1 $0x0  }
0x14: {  	s2 =	sld [smem:$0x3F90];
	s0 =	simm.s32 @p1 $0x1  }
0x15: {  	[smem:$0x3FAD] =	sst s0;
	s0 =	simm.s32 @!p2 $0x0  }
0x16: {  	s3 =	sld [smem:$0x3FDB];
	s0 =	simm.s32 @p2 $0x1  }
0x17: {  	s4 =	simm.s32 $0x1BF5;
	[smem:$0x3FAF] =	sst s0  }
0x18: {  	s0 =	sld [smem:$0x3F92];
	_ =	swait.ge [sflag:s4], $0x0  }
0x19: {  	s7 =	sld [smem:$0x3F93]  }
0x1a: {  	s8 =	sadd.s32 $0xFFFFE003, lr  }
0x1b: {  	s9 =	sadd.s32 $0xFFFFFEF7, lr;
	s5 =	simm.s32 $0xFFFFFFFF;
	p2 =	slt.u32 s8, $0xFFFFF086  }
0x1c: {  	p1 =	slt.u32 s9, $0xF7A;
	s5 =	simm.s32 @!p2 $0x0  }
0x1d: {  	s5 =	simm.s32 @p1 $0x1;
	p0 =	seq.s32 s7, s2  }
0x1e: {  	s7 =	smul.u32 @!p0 $0xF7A, s2;
	p2 =	seq.s32 @!p0 s5, $0x0  }
0x1f: {  	s9 =	smul.u32 $0xF7A, s1;
	s8 =	simm.s32 @!p0 $0x1BF5;
	p2 =	por !p2, p0  }
0x20: {  	[sflag:s8] =	ssyncset.s32 @!p0 $0xFFFFF086;
	s6 =	sadd.s32 @!p0 s3, s7;
	s7 =	simm.s32 @!p0 $0x108  }
0x21: {  	s3 =	sadd.s32 s3, s9;
	s6 =	sadd.s32 @!p0 $0x88, s6;
	s7 =	simm.s32 @p2 $0x1082  }
0x22: {  	[simem:s7], [sflag:s8] =	dma.local @!p0 [hbm:s6], $0xF7A  }
0x23: {  	s9 =	sor.u32 $0xD0000000, s2;
	s6 =	simm.s32 $0x108;
	_ =	swait.ge @!p0 [sflag:s8], $0x0  }
0x24: {  	s3 =	sadd.s32 $0x88, s3;
	s6 =	simm.s32 @!p1 $0x1082;
	[sflag:s4] =	ssyncset.s32 $0xFFFFF086  }
0x25: {  	[simem:s6], [sflag:s4] =	dma.local [hbm:s3], $0xF7A  }
0x26: {  	[smem:$0x3F93] =	sst s1;
	(tag) =	ssettag s2;
	_ =	strace s9  }
0x27: {  	s1 =	sld [smem:$0x3FA3]  }
0x28: {  	s2 =	sld [smem:$0x3FA4]  }
0x29: {  	s4 =	sld [smem:$0x3FA6]  }
0x2a: {  	p0 =	seq.s32 s5, $0x0;
	s5 =	sld [smem:$0x3FA7]  }
0x2b: {  	s6 =	sld [smem:$0x3FA8]  }
0x2c: {  	s7 =	sld [smem:$0x3FA9]  }
0x2d: {  	s3 =	simm.s32 $0x108;
	s8 =	sld [smem:$0x3FAA]  }
0x2e: {  	s3 =	simm.s32 @!p0 $0x1082;
	s9 =	sld [smem:$0x3FAB]  }
0x2f: {  	lr =	sadd.s32 s0, s3;
	s0 =	sld [smem:$0x3FA2]  }
0x30: {  	s3 =	sld [smem:$0x3FA5]  }
0x31: {  	[smem:$0x3FAE] =	sst s10  }
0x32: {  	s10 =	sld [smem:$0x3FAC];
	_ =	sdelay $0x3  }
0x33: {  	p0 =	seq.s32 s10, $0x1;
	s10 =	sld [smem:$0x3FAE];
	_ =	sdelay $0x3  }
0x34: {  	[smem:$0x3FAE] =	sst s10  }
0x35: {  	s10 =	sld [smem:$0x3FAD];
	_ =	sdelay $0x3  }
0x36: {  	p1 =	seq.s32 s10, $0x1;
	s10 =	sld [smem:$0x3FAE];
	_ =	sdelay $0x3  }
0x37: {  	[smem:$0x3FAE] =	sst s10  }
0x38: {  	s10 =	sld [smem:$0x3FAF]  }
0x39: {  	_ = 	snop;
	(pc) =	sbr.ind lr, $3  }
0x3a: {  	_ = 	snop  }
0x3b: {  	_ = 	snop  }
0x3c: {  	p2 =	seq.s32 s10, $0x1;
	s10 =	sld [smem:$0x3FAE]  }
0x3d: {  	_ =	shalt  }
0x3e: {  	_ =	shalt  }
0x3f: {  	_ =	shalt  }
0x40: {  	_ =	shalt  }
0x41: {  	_ =	shalt  }
0x42: {  	_ =	shalt  }
0x43: {  	_ =	shalt  }
0x44: {  	_ =	shalt  }
0x45: {  	_ =	shalt  }
0x46: {  	_ =	shalt  }
0x47: {  	_ =	shalt  }
0x48: {  	_ =	shalt  }
0x49: {  	_ =	shalt  }
0x4a: {  	_ =	shalt  }
0x4b: {  	_ =	shalt  }
0x4c: {  	_ =	shalt  }
0x4d: {  	_ =	shalt  }
0x4e: {  	_ =	shalt  }
0x4f: {  	_ =	shalt  }
0x50: {  	_ =	shalt  }
0x51: {  	_ =	shalt  }
0x52: {  	_ =	shalt  }
0x53: {  	_ =	shalt  }
0x54: {  	_ =	shalt  }
0x55: {  	_ =	shalt  }
0x56: {  	_ =	shalt  }
0x57: {  	_ =	shalt  }
0x58: {  	_ =	shalt  }
0x59: {  	_ =	shalt  }
0x5a: {  	_ =	shalt  }
0x5b: {  	_ =	shalt  }
0x5c: {  	_ =	shalt  }
0x5d: {  	_ =	shalt  }
0x5e: {  	_ =	shalt  }
0x5f: {  	_ =	shalt  }
0x60: {  	_ =	shalt  }
0x61: {  	_ =	shalt  }
0x62: {  	_ =	shalt  }
0x63: {  	_ =	shalt  }
0x64: {  	_ =	shalt  }
0x65: {  	_ =	shalt  }
0x66: {  	_ =	shalt  }
0x67: {  	_ =	shalt  }
0x68: {  	_ =	shalt  }
0x69: {  	_ =	shalt  }
0x6a: {  	_ =	shalt  }
0x6b: {  	_ =	shalt  }
0x6c: {  	_ =	shalt  }
0x6d: {  	_ =	shalt  }
0x6e: {  	_ =	shalt  }
0x6f: {  	_ =	shalt  }
0x70: {  	_ =	shalt  }
0x71: {  	_ =	shalt  }
0x72: {  	_ =	shalt  }
0x73: {  	_ =	shalt  }
0x74: {  	_ =	shalt  }
0x75: {  	_ =	shalt  }
0x76: {  	_ =	shalt  }
0x77: {  	_ =	shalt  }
0x78: {  	_ =	shalt  }
0x79: {  	_ =	shalt  }
0x7a: {  	_ =	shalt  }
0x7b: {  	_ =	shalt  }
0x7c: {  	_ =	shalt  }
0x7d: {  	_ =	shalt  }
0x7e: {  	_ =	shalt  }
0x7f: {  	_ =	shalt  }
0x80: {  	_ =	shalt  }
0x81: {  	_ =	shalt  }
0x82: {  	_ =	shalt  }
0x83: {  	_ =	shalt  }
0x84: {  	_ =	shalt  }
0x85: {  	_ =	shalt  }
0x86: {  	_ =	shalt  }
0x87: {  	_ =	shalt  }
.Lfunc_end0:
.L_simem_size_0:
called_computation_lowered:
.L_overlay_start_0:
0x88: {  	s2 =	sld [smem:$0x3FD9]  }
0x89: {  	s3 =	sld [smem:$0x3FFE];
	_ =	sdelay $0x1  }
0x8a: {  	s1 =	srdreg.scid  }
0x8b: {  	s0 =	sand.u32 $0x1, s1  }
0x8c: {  	s17 =	sshll.u32 s0, $0xA;
	s2 =	sadd.s32 s3, s2  }
0x8d: {  	s2 =	sadd.s32 s2, s17  }
0x8e: {  	[smem:$0x3FBA] =	sst s2  }
0x8f: {  	_ = 	snop  }
0x90: {  	s2 =	sld [smem:$0x3FD0];
	(tm) =	ssettm $0x1  }
0x91: {  	s18 =	sld [smem:$0x3FFB];
	_ =	sdelay $0x3  }
0x92: {  	_ =	strace s18  }
0x93: {  	s3 =	sld [smem:$0x3FFC];
	_ =	sdelay $0x3  }
0x94: {  	_ =	strace s3  }
0x95: {  	s3 =	sld [smem:$0x3FFD];
	_ =	sdelay $0x3  }
0x96: {  	_ =	strace s3  }
0x97: {  	_ =	strace $0x8FFFFFFF  }
0x98: {  	s19 =	sld [smem:$0x3FDB];
	_ =	sdelay $0x1  }
0x99: {  	s4 =	simm.s32 $_scs_section_size  }
0x9a: {  	s5 =	simm.s32 $_size__tile_overlayer_lowered;
	s6 =	simm.s32 $_tile_overlayer_lowered  }
0x9b: {  	s22 =	simm.s32 $0x1BFF;
	s21 =	sshll.u32 s6, $0x1;
	s3 =	sadd.s32 s4, s19  }
0x9c: {  	s7 =	simm.s32 $0x0;
	s20 =	sshll.u32 s5, $0x1;
	s5 =	sadd.s32 s21, s3  }
0x9d: {  	[timem:s7], [sflag:s22] =	dma.local [hbm:s5], s20  }
0x9e: {  	_ =	swait.ge [sflag:s22], s20  }
0x9f: {  	s4 =	ssub.s32 $0x0, s20;
	[sflag:s22] =	ssyncset.done $0x0  }
0xa0: {  	[sflag:s22] =	ssyncadd.s32 s4;
	_ =	sdelay $0x1  }
0xa1: {  	s23 =	simm.s32 $0x1B8B  }
0xa2: {  	_ =	swait.ge [sflag:s23], $0x1  }
0xa3: {  	[sflag:s23] =	ssyncset.done $0x0  }
0xa4: {  	s25 =	simm.s32 $0x1B8E;
	s24 =	sld [smem:$0x3FFE];
	[sflag:s23] =	ssyncadd.s32 $0xFFFFFFFF  }
0xa5: {  	s26 =	simm.s32 $execute0_lowered;
	[smem:$0x3FD2] =	sst s25  }
0xa6: {  	s5 =	sshll.u32 s26, $0x1;
	_ =	strace $0x80000046;
	[dreg:$0x1] =	wrdreg $0xFFFFFFFF  }
0xa7: {  	s28 =	simm.s32 $_size_execute0_lowered;
	s3 =	sadd.s32 s3, s5;
	[dreg:$0x0] =	wrdreg $0x0  }
0xa8: {  	s5 =	sshll.u32 s28, $0x1;
	[dreg:$0x2] =	wrdreg s3  }
0xa9: {  	[dreg:$0x3] =	wrdreg s5  }
0xaa: {  	[dreg:$0x4] =	wrdreg $0xC0  }
0xab: {  	_ =	task [dreg:s7], $0x5FFFF  }
0xac: {  	[dreg:$0x1] =	wrdreg $0xFFFFFFFF  }
0xad: {  	[dreg:$0x0] =	wrdreg $0x60  }
0xae: {  	[dreg:$0x2] =	wrdreg s24  }
0xaf: {  	[dreg:$0x3] =	wrdreg s2  }
0xb0: {  	[dreg:$0x4] =	wrdreg $0x68000  }
0xb1: {  	[dreg:$0x5] =	wrdreg $0x9  }
0xb2: {  	_ =	task.clear_ibuf [dreg:s7], $0x6FFFF;
	_ =	strace $0x90000046  }
0xb3: {  	s29 =	simm.s32 $0x9;
	_ =	strace $0x80000048  }
0xb4: {  	_ =	swait.ge [sflag:s29], $0x1  }
0xb5: {  	[sflag:s29] =	ssyncadd.s32 $0xFFFFFFFF  }
0xb6: {  	_ =	strace $0x90000048  }
0xb7: {  	_ =	sfence  }
0xb8: {  	s30 =	sld [smem:$0x0];
	_ =	sdelay $0x2  }
0xb9: {  	s31 =	sshll.u32 s1, $0xD;
	s1 =	sshrl.u32 s1, $0x2  }
0xba: {  	s3 =	sand.u32 $0x4000, s31;
	s1 =	sadd.s32 s1, s30  }
0xbb: {  	s0 =	sor.u32 s3, s0;
	s1 =	sshll.u32 s1, $0x11  }
0xbc: {  	s0 =	sor.u32 s1, s0  }
0xbd: {  	s0 =	sadd.s32 $0x8F2B, s0  }
0xbe: {  	[sflag:s0] =	ssyncadd.remote.s32 $0x1  }
0xbf: {  	_ =	sfence.sel $0xFFFF  }
0xc0: {  	[dreg:$0x0] =	wrdreg $0xFFFFFFFF;
	(pc) =	sbr.abs _section_cstart, $3  }
0xc1: {  	[dreg:$0x1] =	wrdreg $0xFFFFFFFF  }
0xc2: {  	_ =	task.clear_ibuf [dreg:s7], $0x2FFFF;
	_ =	strace $0x9FFFFFFF  }
0xc3: {  	(tm) =	ssettm $0x7FFFFFFF  }
tec
execute0_lowered:
.L_overlay_start_1:
0x0: {  	(tag) =	ssettag $0x1  }
0x1: {  	s6 =	rddreg [dreg:$0x0]  }
0x2: {  	s2 =	rddreg [dreg:$0x1]  }
0x3: {  	s0 =	srdreg.scid;
	s3 =	rddreg [dreg:$0x2];
	s4 =	simm.s32 $0x0  }
0x4: {  	s13 =	simm.s32 $0x80;
	s5 =	sand.u32 $0x1, s0;
	s0 =	stileid.u32  }
0x5: {  	s14 =	simm.s32 $0x0;
	[smem:$0x7FF] =	sst s4;
	s8 =	smul.u32 $0x13C00, s0  }
0x6: {  	s1 =	sshll.u32 s5, $0x4;
	s9 =	smul.u32 $0x13C000, s5;
	s5 =	ssub.s32 $0x2, s5  }
0x7: {  	s29 =	smul.u32 $0x4F000, s0;
	s31 =	sshll.u32 s0, $0x6;
	s1 =	sor.u32 s0, s1  }
0x8: {  	s11 =	sshrl.u32 s5, $0x1;
	s7 =	smul.u32 $0x500, s1;
	s1 =	rddreg [dreg:$0x3]  }
0x9: {  	_ =	strace $0x80000047;
	s10 =	sshrl.u32 s8, $0x3;
	s8 =	sadd.s32 s8, s9  }
0xa: {  	s11 =	ssub.s32 s5, s11;
	s30 =	sshrl.u32 s29, $0x2;
	s10 =	sadd.s32 s10, s6  }
0xb: {  	s8 =	sshrl.u32 s8, $0x3;
	s12 =	sadd.s32 s30, s3;
	s9 =	smax.u32 s11, $0x1  }
0xc: {  	s11 =	simm.s32 $0x1;
	s7 =	sadd.s32 s7, s6;
	s8 =	sadd.s32 s8, s6  }
0xd: {  	s5 =	sadd.s32 $0xD200, s10;
	s6 =	sor.u32 $0x1C01, s31;
	s10 =	sshrl.u32 s12, $0x3  }
0xe: {  	s12 =	simm.s32 $0x2800;
	s7 =	sadd.s32 $0x3200, s7;
	s8 =	sadd.s32 $0x34A00, s8  }
.LBB2_1:
0xf: {  	[spmem:s10], [sflag:s6] =	dma.local [hbm:s5], $0x2780  }
0x10: {  	_ =	swait.ge [sflag:s11], $0x2780  }
0x11: {  	[sflag:s11] =	ssyncset.done $0x0  }
0x12: {  	[sflag:s11] =	ssyncadd.s32 $0xFFFFD880  }
0x13: {  	[tilespmem:s4], [sflag:$0x1] =	stream.linear.gather [hbm4b:s7+s4], $0x2800, $0x38;
	[tilespmem:$0x8F80] =	vst v63  }
0x14: {  	_ =	swait.ge [sflag:s11], $0x2800  }
0x15: {  	[sflag:s11] =	ssyncset.done $0x0  }
0x16: {  	[sflag:s11] =	ssyncadd.s32 $0xFFFFD800  }
0x17: {  	[tilespmem:s12], [sflag:$0x1] =	stream.linear.gather [hbm4b:s2+s4], $0x4000, $0x38;
	[tilespmem:$0x8F80] =	vst v63  }
0x18: {  	_ =	swait.ge [sflag:s11], $0x4000  }
0x19: {  	[sflag:s11] =	ssyncset.done $0x0  }
0x1a: {  	[sflag:s11] =	ssyncadd.s32 $0xFFFFC000  }
0x1b: {  	s15 =	simm.s32 $0x0;
	[bflag:$0x0] =	sbarrier.arrive $0xFFFF  }
0x1c: {  	[spmem:s3] =	stream.indirect.scatter.add.f32 [tilespmem:s12], [sflag:$0x1], $0x10, s15, s13, $0xb8;
	[tilespmem:$0x8F80] =	vst v63  }
0x1d: {  	_ =	swait.ge [sflag:s11], $0x800  }
0x1e: {  	s15 =	simm.s32 $0x200;
	[sflag:s11] =	ssyncset.done $0x0  }
.LBB2_2:
0x1f: {  	s16 =	sshra.s32 s15, $0x2;
	[sflag:s11] =	ssyncadd.s32 $0xFFFFF800;
	p0 =	sne.s32 s15, $0x9E00  }
0x20: {  	[spmem:s3] =	stream.indirect.scatter.add.f32 [tilespmem:s12], [sflag:$0x1], $0x10, s16, s13, $0xb8;
	[tilespmem:$0x8F80] =	vst v63  }
.Ltmp0:
0x21: {  	_ = 	snop;
	(pc) =	sbr.rel @p0 .LBB2_2-.Ltmp0, $4  }
0x22: {  	_ = 	snop  }
0x23: {  	s15 =	sadd.s32 $0x200, s15  }
0x24: {  	_ =	swait.ge [sflag:s11], $0x800  }
0x25: {  	[sflag:s11] =	ssyncset.done $0x0  }
0x26: {  	s14 =	sadd.s32 $0x1, s14  }
0x27: {  	[sflag:s11] =	ssyncadd.s32 $0xFFFFF800;
	p0 =	sne.s32 s14, s9  }
.Ltmp1:
0x28: {  	[bflag:$0x0] =	sbarrier.arrive $0xFFFF;
	(pc) =	sbr.rel @p0 .LBB2_1-.Ltmp1, $4  }
0x29: {  	[hbm:s8], [sflag:s6] =	dma.local [spmem:s10], $0x2780  }
0x2a: {  	_ =	swait.ge [sflag:s11], $0x2780  }
0x2b: {  	[sflag:s11] =	ssyncset.done $0x0  }
0x2c: {  	[sflag:s11] =	ssyncadd.s32 $0xFFFFD880  }
0x2d: {  	_ =	sfence.sel $0x180000  }
0x2e: {  	[bflag:$0x0] =	sbarrier.arrive $0xFFFF  }
0x2f: {  	p0 =	sne.s32 s0, $0x0;
	_ =	strace $0x90000047  }
0x30: {  	s0 =	sadd.s32 @!p0 $0x100000, s1;
	[bflag:$0x2] =	sbarrier.arrive $0xFFFF  }
0x31: {  	[sflag:s0] =	ssyncadd.tile.s32 @!p0 $0x1;
	_ =	shalt  }
.Lfunc_end2:
_tile_overlayer_lowered:
.L_overlay_start_2:
0x32: {  	(tag) =	ssettag $0x2  }
0x33: {  	s0 =	rddreg [dreg:$0x0];
	s2 =	stileid.u32  }
0x34: {  	s1 =	rddreg [dreg:$0x1];
	p0 =	sne.s32 s2, $0x0  }
0x35: {  	s3 =	rddreg [dreg:$0x2];
	[bflag:$0x3] =	sbarrier.arrive $0xFFFF;
	s2 =	simm.s32 @!p0 $0x1C01  }
0x36: {  	[timem:s3], [sflag:s2] =	dma.local @!p0 [hbm:s0], s1  }
0x37: {  	s0 =	simm.s32 @!p0 $0x1  }
0x38: {  	_ =	swait.ge @!p0 [sflag:s0], s1  }
0x39: {  	s1 =	ssub.s32 @!p0 $0x0, s1;
	[sflag:s0] =	ssyncset.done @!p0 $0x0  }
0x3a: {  	[sflag:s0] =	ssyncadd.s32 @!p0 s1  }
0x3b: {  	[bflag:$0x3] =	sbarrier.arrive $0xFFFF  }
0x3c: {  	_ =	shalt  }

// kernel: kernel.17.cloned.1.call-start
scs
__scs_entry_jumppad:
0x0: {  	(pc) =	sbr.rel $0x88, $3  }
0x1: {  	(tag) =	ssettag $0x0;
	lr =	simm.s32 $0x1  }
0x2: {  	[smem:$0x3F93] =	sst lr;
	_ =	strace $0xD0000000  }
0x3: {  	_ = 	snop  }
0x4: {  	_ = 	snop  }
0x5: {  	_ = 	snop  }
0x6: {  	_ = 	snop  }
0x7: {  	_ = 	snop  }
__scs_overlays_trampoline_lowered:
0x8: {  	[smem:$0x3FA2] =	sst s0  }
0x9: {  	[smem:$0x3FA3] =	sst s1  }
0xa: {  	[smem:$0x3FA4] =	sst s2  }
0xb: {  	[smem:$0x3FA5] =	sst s3  }
0xc: {  	[smem:$0x3FA6] =	sst s4  }
0xd: {  	[smem:$0x3FA7] =	sst s5  }
0xe: {  	[smem:$0x3FA8] =	sst s6  }
0xf: {  	[smem:$0x3FA9] =	sst s7  }
0x10: {  	[smem:$0x3FAA] =	sst s8  }
0x11: {  	[smem:$0x3FAB] =	sst s9;
	s0 =	simm.s32 @!p0 $0x0  }
0x12: {  	s1 =	sld [smem:$0x3F91];
	s0 =	simm.s32 @p0 $0x1  }
0x13: {  	[smem:$0x3FAC] =	sst s0;
	s0 =	simm.s32 @!p1 $0x0  }
0x14: {  	s2 =	sld [smem:$0x3F90];
	s0 =	simm.s32 @p1 $0x1  }
0x15: {  	[smem:$0x3FAD] =	sst s0;
	s0 =	simm.s32 @!p2 $0x0  }
0x16: {  	s3 =	sld [smem:$0x3FDB];
	s0 =	simm.s32 @p2 $0x1  }
0x17: {  	s4 =	simm.s32 $0x1BF5;
	[smem:$0x3FAF] =	sst s0  }
0x18: {  	s0 =	sld [smem:$0x3F92];
	_ =	swait.ge [sflag:s4], $0x0  }
0x19: {  	s7 =	sld [smem:$0x3F93]  }
0x1a: {  	s8 =	sadd.s32 $0xFFFFE003, lr  }
0x1b: {  	s9 =	sadd.s32 $0xFFFFFEF7, lr;
	s5 =	simm.s32 $0xFFFFFFFF;
	p2 =	slt.u32 s8, $0xFFFFF086  }
0x1c: {  	p1 =	slt.u32 s9, $0xF7A;
	s5 =	simm.s32 @!p2 $0x0  }
0x1d: {  	s5 =	simm.s32 @p1 $0x1;
	p0 =	seq.s32 s7, s2  }
0x1e: {  	s7 =	smul.u32 @!p0 $0xF7A, s2;
	p2 =	seq.s32 @!p0 s5, $0x0  }
0x1f: {  	s9 =	smul.u32 $0xF7A, s1;
	s8 =	simm.s32 @!p0 $0x1BF5;
	p2 =	por !p2, p0  }
0x20: {  	[sflag:s8] =	ssyncset.s32 @!p0 $0xFFFFF086;
	s6 =	sadd.s32 @!p0 s3, s7;
	s7 =	simm.s32 @!p0 $0x108  }
0x21: {  	s3 =	sadd.s32 s3, s9;
	s6 =	sadd.s32 @!p0 $0x88, s6;
	s7 =	simm.s32 @p2 $0x1082  }
0x22: {  	[simem:s7], [sflag:s8] =	dma.local @!p0 [hbm:s6], $0xF7A  }
0x23: {  	s9 =	sor.u32 $0xD0000000, s2;
	s6 =	simm.s32 $0x108;
	_ =	swait.ge @!p0 [sflag:s8], $0x0  }
0x24: {  	s3 =	sadd.s32 $0x88, s3;
	s6 =	simm.s32 @!p1 $0x1082;
	[sflag:s4] =	ssyncset.s32 $0xFFFFF086  }
0x25: {  	[simem:s6], [sflag:s4] =	dma.local [hbm:s3], $0xF7A  }
0x26: {  	[smem:$0x3F93] =	sst s1;
	(tag) =	ssettag s2;
	_ =	strace s9  }
0x27: {  	s1 =	sld [smem:$0x3FA3]  }
0x28: {  	s2 =	sld [smem:$0x3FA4]  }
0x29: {  	s4 =	sld [smem:$0x3FA6]  }
0x2a: {  	p0 =	seq.s32 s5, $0x0;
	s5 =	sld [smem:$0x3FA7]  }
0x2b: {  	s6 =	sld [smem:$0x3FA8]  }
0x2c: {  	s7 =	sld [smem:$0x3FA9]  }
0x2d: {  	s3 =	simm.s32 $0x108;
	s8 =	sld [smem:$0x3FAA]  }
0x2e: {  	s3 =	simm.s32 @!p0 $0x1082;
	s9 =	sld [smem:$0x3FAB]  }
0x2f: {  	lr =	sadd.s32 s0, s3;
	s0 =	sld [smem:$0x3FA2]  }
0x30: {  	s3 =	sld [smem:$0x3FA5]  }
0x31: {  	[smem:$0x3FAE] =	sst s10  }
0x32: {  	s10 =	sld [smem:$0x3FAC];
	_ =	sdelay $0x3  }
0x33: {  	p0 =	seq.s32 s10, $0x1;
	s10 =	sld [smem:$0x3FAE];
	_ =	sdelay $0x3  }
0x34: {  	[smem:$0x3FAE] =	sst s10  }
0x35: {  	s10 =	sld [smem:$0x3FAD];
	_ =	sdelay $0x3  }
0x36: {  	p1 =	seq.s32 s10, $0x1;
	s10 =	sld [smem:$0x3FAE];
	_ =	sdelay $0x3  }
0x37: {  	[smem:$0x3FAE] =	sst s10  }
0x38: {  	s10 =	sld [smem:$0x3FAF]  }
0x39: {  	_ = 	snop;
	(pc) =	sbr.ind lr, $3  }
0x3a: {  	_ = 	snop  }
0x3b: {  	_ = 	snop  }
0x3c: {  	p2 =	seq.s32 s10, $0x1;
	s10 =	sld [smem:$0x3FAE]  }
0x3d: {  	_ =	shalt  }
0x3e: {  	_ =	shalt  }
0x3f: {  	_ =	shalt  }
0x40: {  	_ =	shalt  }
0x41: {  	_ =	shalt  }
0x42: {  	_ =	shalt  }
0x43: {  	_ =	shalt  }
0x44: {  	_ =	shalt  }
0x45: {  	_ =	shalt  }
0x46: {  	_ =	shalt  }
0x47: {  	_ =	shalt  }
0x48: {  	_ =	shalt  }
0x49: {  	_ =	shalt  }
0x4a: {  	_ =	shalt  }
0x4b: {  	_ =	shalt  }
0x4c: {  	_ =	shalt  }
0x4d: {  	_ =	shalt  }
0x4e: {  	_ =	shalt  }
0x4f: {  	_ =	shalt  }
0x50: {  	_ =	shalt  }
0x51: {  	_ =	shalt  }
0x52: {  	_ =	shalt  }
0x53: {  	_ =	shalt  }
0x54: {  	_ =	shalt  }
0x55: {  	_ =	shalt  }
0x56: {  	_ =	shalt  }
0x57: {  	_ =	shalt  }
0x58: {  	_ =	shalt  }
0x59: {  	_ =	shalt  }
0x5a: {  	_ =	shalt  }
0x5b: {  	_ =	shalt  }
0x5c: {  	_ =	shalt  }
0x5d: {  	_ =	shalt  }
0x5e: {  	_ =	shalt  }
0x5f: {  	_ =	shalt  }
0x60: {  	_ =	shalt  }
0x61: {  	_ =	shalt  }
0x62: {  	_ =	shalt  }
0x63: {  	_ =	shalt  }
0x64: {  	_ =	shalt  }
0x65: {  	_ =	shalt  }
0x66: {  	_ =	shalt  }
0x67: {  	_ =	shalt  }
0x68: {  	_ =	shalt  }
0x69: {  	_ =	shalt  }
0x6a: {  	_ =	shalt  }
0x6b: {  	_ =	shalt  }
0x6c: {  	_ =	shalt  }
0x6d: {  	_ =	shalt  }
0x6e: {  	_ =	shalt  }
0x6f: {  	_ =	shalt  }
0x70: {  	_ =	shalt  }
0x71: {  	_ =	shalt  }
0x72: {  	_ =	shalt  }
0x73: {  	_ =	shalt  }
0x74: {  	_ =	shalt  }
0x75: {  	_ =	shalt  }
0x76: {  	_ =	shalt  }
0x77: {  	_ =	shalt  }
0x78: {  	_ =	shalt  }
0x79: {  	_ =	shalt  }
0x7a: {  	_ =	shalt  }
0x7b: {  	_ =	shalt  }
0x7c: {  	_ =	shalt  }
0x7d: {  	_ =	shalt  }
0x7e: {  	_ =	shalt  }
0x7f: {  	_ =	shalt  }
0x80: {  	_ =	shalt  }
0x81: {  	_ =	shalt  }
0x82: {  	_ =	shalt  }
0x83: {  	_ =	shalt  }
0x84: {  	_ =	shalt  }
0x85: {  	_ =	shalt  }
0x86: {  	_ =	shalt  }
0x87: {  	_ =	shalt  }
.Lfunc_end0:
.L_simem_size_0:
called_computation.1_lowered:
.L_overlay_start_0:
0x88: {  	s2 =	sld [smem:$0x3FD9]  }
0x89: {  	s3 =	sld [smem:$0x3FFE];
	_ =	sdelay $0x1  }
0x8a: {  	s1 =	srdreg.scid  }
0x8b: {  	s0 =	sand.u32 $0x1, s1  }
0x8c: {  	s16 =	sshll.u32 s0, $0xA;
	s2 =	sadd.s32 s3, s2  }
0x8d: {  	s2 =	sadd.s32 s2, s16  }
0x8e: {  	[smem:$0x3FBA] =	sst s2  }
0x8f: {  	_ = 	snop  }
0x90: {  	(tm) =	ssettm $0x1  }
0x91: {  	s17 =	sld [smem:$0x3FFB];
	_ =	sdelay $0x3  }
0x92: {  	_ =	strace s17  }
0x93: {  	s2 =	sld [smem:$0x3FFC];
	_ =	sdelay $0x3  }
0x94: {  	_ =	strace s2  }
0x95: {  	s2 =	sld [smem:$0x3FFD];
	_ =	sdelay $0x3  }
0x96: {  	_ =	strace s2  }
0x97: {  	_ =	strace $0x8FFFFFFF  }
0x98: {  	s18 =	sld [smem:$0x3FDB];
	_ =	sdelay $0x1  }
0x99: {  	s19 =	simm.s32 $_scs_section_size  }
0x9a: {  	s4 =	simm.s32 $_size__tile_overlayer_lowered;
	s5 =	simm.s32 $_tile_overlayer_lowered  }
0x9b: {  	s22 =	simm.s32 $0x1BFF;
	s21 =	sshll.u32 s5, $0x1;
	s2 =	sadd.s32 s19, s18  }
0x9c: {  	s6 =	simm.s32 $0x0;
	s20 =	sshll.u32 s4, $0x1;
	s4 =	sadd.s32 s21, s2  }
0x9d: {  	[timem:s6], [sflag:s22] =	dma.local [hbm:s4], s20  }
0x9e: {  	_ =	swait.ge [sflag:s22], s20  }
0x9f: {  	s3 =	ssub.s32 $0x0, s20;
	[sflag:s22] =	ssyncset.done $0x0  }
0xa0: {  	[sflag:s22] =	ssyncadd.s32 s3;
	_ =	sdelay $0x1  }
0xa1: {  	s23 =	simm.s32 $0x1B8B  }
0xa2: {  	_ =	swait.ge [sflag:s23], $0x1  }
0xa3: {  	[sflag:s23] =	ssyncset.done $0x0  }
0xa4: {  	s25 =	simm.s32 $0x1B8E;
	s24 =	sld [smem:$0x3FFE];
	[sflag:s23] =	ssyncadd.s32 $0xFFFFFFFF  }
0xa5: {  	s26 =	simm.s32 $execute0_lowered;
	[smem:$0x3FD2] =	sst s25  }
0xa6: {  	s4 =	sshll.u32 s26, $0x1;
	_ =	strace $0x80000049;
	[dreg:$0x1] =	wrdreg $0xFFFFFFFF  }
0xa7: {  	s28 =	simm.s32 $_size_execute0_lowered;
	s2 =	sadd.s32 s2, s4;
	[dreg:$0x0] =	wrdreg $0x0  }
0xa8: {  	s4 =	sshll.u32 s28, $0x1;
	[dreg:$0x2] =	wrdreg s2  }
0xa9: {  	[dreg:$0x3] =	wrdreg s4  }
0xaa: {  	[dreg:$0x4] =	wrdreg $0xC0  }
0xab: {  	_ =	task [dreg:s6], $0x5FFFF  }
0xac: {  	[dreg:$0x1] =	wrdreg $0xFFFFFFFF  }
0xad: {  	[dreg:$0x0] =	wrdreg $0x60  }
0xae: {  	[dreg:$0x2] =	wrdreg s24  }
0xaf: {  	[dreg:$0x3] =	wrdreg $0x80000  }
0xb0: {  	[dreg:$0x4] =	wrdreg $0x9  }
0xb1: {  	_ =	task.clear_ibuf [dreg:s6], $0x5FFFF;
	_ =	strace $0x90000049  }
0xb2: {  	s29 =	simm.s32 $0x9;
	_ =	strace $0x8000004B  }
0xb3: {  	_ =	swait.ge [sflag:s29], $0x1  }
0xb4: {  	[sflag:s29] =	ssyncadd.s32 $0xFFFFFFFF  }
0xb5: {  	_ =	strace $0x9000004B  }
0xb6: {  	_ =	sfence  }
0xb7: {  	s30 =	sld [smem:$0x0];
	_ =	sdelay $0x2  }
0xb8: {  	s31 =	sshll.u32 s1, $0xD;
	s1 =	sshrl.u32 s1, $0x2  }
0xb9: {  	s3 =	sand.u32 $0x4000, s31;
	s1 =	sadd.s32 s1, s30  }
0xba: {  	s0 =	sor.u32 s3, s0;
	s1 =	sshll.u32 s1, $0x11  }
0xbb: {  	s0 =	sor.u32 s1, s0  }
0xbc: {  	s0 =	sadd.s32 $0x8F2B, s0  }
0xbd: {  	[sflag:s0] =	ssyncadd.remote.s32 $0x1  }
0xbe: {  	_ =	sfence.sel $0xFFFF  }
0xbf: {  	[dreg:$0x0] =	wrdreg $0xFFFFFFFF;
	(pc) =	sbr.abs _section_cstart, $3  }
0xc0: {  	[dreg:$0x1] =	wrdreg $0xFFFFFFFF  }
0xc1: {  	_ =	task.clear_ibuf [dreg:s6], $0x2FFFF;
	_ =	strace $0x9FFFFFFF  }
0xc2: {  	(tm) =	ssettm $0x7FFFFFFF  }
0xc3: {  	_ =	shalt  }
tec
execute0_lowered:
.L_overlay_start_1:
0x0: {  	(tag) =	ssettag $0x1  }
0x1: {  	s0 =	srdreg.scid;
	s6 =	rddreg [dreg:$0x0]  }
0x2: {  	s2 =	rddreg [dreg:$0x1];
	s3 =	simm.s32 $0x0;
	s14 =	simm.s32 $0x80  }
0x3: {  	s15 =	simm.s32 $0x5000;
	s5 =	sand.u32 $0x1, s0;
	s0 =	stileid.u32  }
0x4: {  	s16 =	simm.s32 $0x0;
	[smem:$0x7FF] =	sst s3;
	s8 =	smul.u32 $0xED00, s0  }
0x5: {  	s4 =	sadd.s32 $0xD200, s6;
	s1 =	sshll.u32 s5, $0x4;
	s9 =	smul.u32 $0xED000, s5  }
0x6: {  	s5 =	ssub.s32 $0x2, s5;
	s31 =	sshll.u32 s0, $0x6;
	s1 =	sor.u32 s0, s1  }
0x7: {  	s30 =	sshrl.u32 s5, $0x1;
	s7 =	smul.u32 $0x500, s1;
	s1 =	rddreg [dreg:$0x2]  }
0x8: {  	_ =	strace $0x8000004A;
	s28 =	sadd.s32 s8, s9;
	s29 =	sshrl.u32 s8, $0x3  }
0x9: {  	s12 =	ssub.s32 s5, s30;
	s13 =	sadd.s32 s8, s2;
	s9 =	sadd.s32 s29, s6  }
0xa: {  	s10 =	sadd.s32 s7, s6;
	s7 =	sshrl.u32 s28, $0x3;
	s5 =	sadd.s32 $0x2AC00, s9  }
0xb: {  	s11 =	sadd.s32 s7, s6;
	s6 =	sor.u32 $0x1C01, s31;
	s7 =	sadd.s32 $0x83A00, s10  }
0xc: {  	s8 =	sadd.s32 $0x3200, s10;
	s10 =	smax.u32 s12, $0x1;
	s12 =	simm.s32 $0x1  }
0xd: {  	s9 =	sadd.s32 $0x48600, s11;
	s11 =	sshrl.u32 s13, $0x3;
	s13 =	simm.s32 $0x2800  }
.LBB2_1:
0xe: {  	[spmem:s11], [sflag:s6] =	dma.local [hbm:s5], $0x1DA0  }
0xf: {  	_ =	swait.ge [sflag:s12], $0x1DA0  }
0x10: {  	[sflag:s12] =	ssyncset.done $0x0  }
0x11: {  	[sflag:s12] =	ssyncadd.s32 $0xFFFFE260  }
0x12: {  	[tilespmem:s3], [sflag:$0x1] =	stream.linear.gather [hbm4b:s7+s3], $0x2800, $0x38;
	[tilespmem:$0x16D00] =	vst v63  }
0x13: {  	_ =	swait.ge [sflag:s12], $0x2800  }
0x14: {  	[sflag:s12] =	ssyncset.done $0x0  }
0x15: {  	[sflag:s12] =	ssyncadd.s32 $0xFFFFD800  }
0x16: {  	[tilespmem:s13], [sflag:$0x1] =	stream.linear.gather [hbm4b:s8+s3], $0x2800, $0x38;
	[tilespmem:$0x16D00] =	vst v63  }
0x17: {  	_ =	swait.ge [sflag:s12], $0x2800  }
0x18: {  	[sflag:s12] =	ssyncset.done $0x0  }
0x19: {  	[sflag:s12] =	ssyncadd.s32 $0xFFFFD800  }
0x1a: {  	s17 =	simm.s32 $0x0;
	[bflag:$0x0] =	sbarrier.arrive $0xFFFF  }
0x1b: {  	[tilespmem:s15], [sflag:$0x1] =	stream.indirect.gather [hbm4b:s4+s14], $0x60, s17, s14, $0xb8;
	[tilespmem:$0x16D00] =	vst v63  }
0x1c: {  	_ =	swait.ge [sflag:s12], $0x3000  }
0x1d: {  	[sflag:s12] =	ssyncset.done $0x0  }
0x1e: {  	s31 =	simm.s32 $0x2800;
	[sflag:s12] =	ssyncadd.s32 $0xFFFFD000  }
0x1f: {  	[spmem:s2] =	stream.indirect.scatter.add.f32 [tilespmem:s15], [sflag:$0x1], $0x60, s31, s14, $0xb8;
	[tilespmem:$0x16D00] =	vst v63  }
0x20: {  	_ =	swait.ge [sflag:s12], $0x3000  }
0x21: {  	s18 =	simm.s32 $0x400;
	s17 =	simm.s32 $0x200;
	[sflag:s12] =	ssyncset.done $0x0  }
.LBB2_2:
0x22: {  	s19 =	sshra.s32 s17, $0x2  }
0x23: {  	[sflag:s12] =	ssyncadd.s32 $0xFFFFD000;
	s17 =	smov.u32 s18;
	s20 =	sadd.s32 $0x200, s18  }
0x24: {  	[tilespmem:s15], [sflag:$0x1] =	stream.indirect.gather [hbm4b:s4+s14], $0x60, s19, s14, $0xb8;
	[tilespmem:$0x16D00] =	vst v63  }
0x25: {  	p0 =	sne.s32 s18, $0x9E00;
	_ =	swait.ge [sflag:s12], $0x3000  }
.Ltmp0:
0x26: {  	[sflag:s12] =	ssyncset.done $0x0;
	(pc) =	sbr.rel @p0 .LBB2_2-.Ltmp0, $4  }
0x27: {  	s18 =	sadd.s32 $0x2800, s19;
	[sflag:s12] =	ssyncadd.s32 $0xFFFFD000  }
0x28: {  	[spmem:s2] =	stream.indirect.scatter.add.f32 [tilespmem:s15], [sflag:$0x1], $0x60, s18, s14, $0xb8;
	[tilespmem:$0x16D00] =	vst v63  }
0x29: {  	_ =	swait.ge [sflag:s12], $0x3000  }
0x2a: {  	s18 =	smov.u32 s20;
	[sflag:s12] =	ssyncset.done $0x0  }
0x2b: {  	s17 =	sshra.s32 s17, $0x2;
	[sflag:s12] =	ssyncadd.s32 $0xFFFFD000  }
0x2c: {  	[tilespmem:s15], [sflag:$0x1] =	stream.indirect.gather [hbm4b:s4+s14], $0x60, s17, s14, $0xb8;
	[tilespmem:$0x16D00] =	vst v63  }
0x2d: {  	_ =	swait.ge [sflag:s12], $0x3000  }
0x2e: {  	[sflag:s12] =	ssyncset.done $0x0  }
0x2f: {  	s17 =	sadd.s32 $0x2800, s17;
	[sflag:s12] =	ssyncadd.s32 $0xFFFFD000  }
0x30: {  	[spmem:s2] =	stream.indirect.scatter.add.f32 [tilespmem:s15], [sflag:$0x1], $0x60, s17, s14, $0xb8;
	[tilespmem:$0x16D00] =	vst v63  }
0x31: {  	_ =	swait.ge [sflag:s12], $0x3000  }
0x32: {  	s16 =	sadd.s32 $0x1, s16;
	[sflag:s12] =	ssyncset.done $0x0  }
0x33: {  	p0 =	sne.s32 s16, s10;
	[sflag:s12] =	ssyncadd.s32 $0xFFFFD000  }
.Ltmp1:
0x34: {  	[bflag:$0x0] =	sbarrier.arrive $0xFFFF;
	(pc) =	sbr.rel @p0 .LBB2_1-.Ltmp1, $4  }
0x35: {  	[hbm:s9], [sflag:s6] =	dma.local [spmem:s11], $0x1DA0  }
0x36: {  	_ =	swait.ge [sflag:s12], $0x1DA0  }
0x37: {  	[sflag:s12] =	ssyncset.done $0x0  }
0x38: {  	[sflag:s12] =	ssyncadd.s32 $0xFFFFE260  }
0x39: {  	_ =	sfence.sel $0x180000  }
0x3a: {  	[bflag:$0x0] =	sbarrier.arrive $0xFFFF  }
0x3b: {  	p0 =	sne.s32 s0, $0x0;
	_ =	strace $0x9000004A  }
0x3c: {  	s0 =	sadd.s32 @!p0 $0x100000, s1;
	[bflag:$0x2] =	sbarrier.arrive $0xFFFF  }
0x3d: {  	[sflag:s0] =	ssyncadd.tile.s32 @!p0 $0x1;
	_ =	shalt  }
.Lfunc_end2:
_tile_overlayer_lowered:
.L_overlay_start_2:
0x3e: {  	(tag) =	ssettag $0x2  }
0x3f: {  	s0 =	rddreg [dreg:$0x0];
	s2 =	stileid.u32  }
0x40: {  	s1 =	rddreg [dreg:$0x1];
	p0 =	sne.s32 s2, $0x0  }
0x41: {  	s3 =	rddreg [dreg:$0x2];
	[bflag:$0x3] =	sbarrier.arrive $0xFFFF;
	s2 =	simm.s32 @!p0 $0x1C01  }
0x42: {  	[timem:s3], [sflag:s2] =	dma.local @!p0 [hbm:s0], s1  }
0x43: {  	s0 =	simm.s32 @!p0 $0x1  }
0x44: {  	_ =	swait.ge @!p0 [sflag:s0], s1  }
0x45: {  	s1 =	ssub.s32 @!p0 $0x0, s1;
	[sflag:s0] =	ssyncset.done @!p0 $0x0  }
0x46: {  	[sflag:s0] =	ssyncadd.s32 @!p0 s1  }
0x47: {  	[bflag:$0x3] =	sbarrier.arrive $0xFFFF  }
0x48: {  	_ =	shalt  }

// kernel: kernel.20.cloned.1.call-start
scs
__scs_entry_jumppad:
0x0: {  	(pc) =	sbr.rel $0x88, $3  }
0x1: {  	(tag) =	ssettag $0x0;
	lr =	simm.s32 $0x1  }
0x2: {  	[smem:$0x3F93] =	sst lr;
	_ =	strace $0xD0000000  }
0x3: {  	_ = 	snop  }
0x4: {  	_ = 	snop  }
0x5: {  	_ = 	snop  }
0x6: {  	_ = 	snop  }
0x7: {  	_ = 	snop  }
__scs_overlays_trampoline_lowered:
0x8: {  	[smem:$0x3FA2] =	sst s0  }
0x9: {  	[smem:$0x3FA3] =	sst s1  }
0xa: {  	[smem:$0x3FA4] =	sst s2  }
0xb: {  	[smem:$0x3FA5] =	sst s3  }
0xc: {  	[smem:$0x3FA6] =	sst s4  }
0xd: {  	[smem:$0x3FA7] =	sst s5  }
0xe: {  	[smem:$0x3FA8] =	sst s6  }
0xf: {  	[smem:$0x3FA9] =	sst s7  }
0x10: {  	[smem:$0x3FAA] =	sst s8  }
0x11: {  	[smem:$0x3FAB] =	sst s9;
	s0 =	simm.s32 @!p0 $0x0  }
0x12: {  	s1 =	sld [smem:$0x3F91];
	s0 =	simm.s32 @p0 $0x1  }
0x13: {  	[smem:$0x3FAC] =	sst s0;
	s0 =	simm.s32 @!p1 $0x0  }
0x14: {  	s2 =	sld [smem:$0x3F90];
	s0 =	simm.s32 @p1 $0x1  }
0x15: {  	[smem:$0x3FAD] =	sst s0;
	s0 =	simm.s32 @!p2 $0x0  }
0x16: {  	s3 =	sld [smem:$0x3FDB];
	s0 =	simm.s32 @p2 $0x1  }
0x17: {  	s4 =	simm.s32 $0x1BF5;
	[smem:$0x3FAF] =	sst s0  }
0x18: {  	s0 =	sld [smem:$0x3F92];
	_ =	swait.ge [sflag:s4], $0x0  }
0x19: {  	s7 =	sld [smem:$0x3F93]  }
0x1a: {  	s8 =	sadd.s32 $0xFFFFE003, lr  }
0x1b: {  	s9 =	sadd.s32 $0xFFFFFEF7, lr;
	s5 =	simm.s32 $0xFFFFFFFF;
	p2 =	slt.u32 s8, $0xFFFFF086  }
0x1c: {  	p1 =	slt.u32 s9, $0xF7A;
	s5 =	simm.s32 @!p2 $0x0  }
0x1d: {  	s5 =	simm.s32 @p1 $0x1;
	p0 =	seq.s32 s7, s2  }
0x1e: {  	s7 =	smul.u32 @!p0 $0xF7A, s2;
	p2 =	seq.s32 @!p0 s5, $0x0  }
0x1f: {  	s9 =	smul.u32 $0xF7A, s1;
	s8 =	simm.s32 @!p0 $0x1BF5;
	p2 =	por !p2, p0  }
0x20: {  	[sflag:s8] =	ssyncset.s32 @!p0 $0xFFFFF086;
	s6 =	sadd.s32 @!p0 s3, s7;
	s7 =	simm.s32 @!p0 $0x108  }
0x21: {  	s3 =	sadd.s32 s3, s9;
	s6 =	sadd.s32 @!p0 $0x88, s6;
	s7 =	simm.s32 @p2 $0x1082  }
0x22: {  	[simem:s7], [sflag:s8] =	dma.local @!p0 [hbm:s6], $0xF7A  }
0x23: {  	s9 =	sor.u32 $0xD0000000, s2;
	s6 =	simm.s32 $0x108;
	_ =	swait.ge @!p0 [sflag:s8], $0x0  }
0x24: {  	s3 =	sadd.s32 $0x88, s3;
	s6 =	simm.s32 @!p1 $0x1082;
	[sflag:s4] =	ssyncset.s32 $0xFFFFF086  }
0x25: {  	[simem:s6], [sflag:s4] =	dma.local [hbm:s3], $0xF7A  }
0x26: {  	[smem:$0x3F93] =	sst s1;
	(tag) =	ssettag s2;
	_ =	strace s9  }
0x27: {  	s1 =	sld [smem:$0x3FA3]  }
0x28: {  	s2 =	sld [smem:$0x3FA4]  }
0x29: {  	s4 =	sld [smem:$0x3FA6]  }
0x2a: {  	p0 =	seq.s32 s5, $0x0;
	s5 =	sld [smem:$0x3FA7]  }
0x2b: {  	s6 =	sld [smem:$0x3FA8]  }
0x2c: {  	s7 =	sld [smem:$0x3FA9]  }
0x2d: {  	s3 =	simm.s32 $0x108;
	s8 =	sld [smem:$0x3FAA]  }
0x2e: {  	s3 =	simm.s32 @!p0 $0x1082;
	s9 =	sld [smem:$0x3FAB]  }
0x2f: {  	lr =	sadd.s32 s0, s3;
	s0 =	sld [smem:$0x3FA2]  }
0x30: {  	s3 =	sld [smem:$0x3FA5]  }
0x31: {  	[smem:$0x3FAE] =	sst s10  }
0x32: {  	s10 =	sld [smem:$0x3FAC];
	_ =	sdelay $0x3  }
0x33: {  	p0 =	seq.s32 s10, $0x1;
	s10 =	sld [smem:$0x3FAE];
	_ =	sdelay $0x3  }
0x34: {  	[smem:$0x3FAE] =	sst s10  }
0x35: {  	s10 =	sld [smem:$0x3FAD];
	_ =	sdelay $0x3  }
0x36: {  	p1 =	seq.s32 s10, $0x1;
	s10 =	sld [smem:$0x3FAE];
	_ =	sdelay $0x3  }
0x37: {  	[smem:$0x3FAE] =	sst s10  }
0x38: {  	s10 =	sld [smem:$0x3FAF]  }
0x39: {  	_ = 	snop;
	(pc) =	sbr.ind lr, $3  }
0x3a: {  	_ = 	snop  }
0x3b: {  	_ = 	snop  }
0x3c: {  	p2 =	seq.s32 s10, $0x1;
	s10 =	sld [smem:$0x3FAE]  }
0x3d: {  	_ =	shalt  }
0x3e: {  	_ =	shalt  }
0x3f: {  	_ =	shalt  }
0x40: {  	_ =	shalt  }
0x41: {  	_ =	shalt  }
0x42: {  	_ =	shalt  }
0x43: {  	_ =	shalt  }
0x44: {  	_ =	shalt  }
0x45: {  	_ =	shalt  }
0x46: {  	_ =	shalt  }
0x47: {  	_ =	shalt  }
0x48: {  	_ =	shalt  }
0x49: {  	_ =	shalt  }
0x4a: {  	_ =	shalt  }
0x4b: {  	_ =	shalt  }
0x4c: {  	_ =	shalt  }
0x4d: {  	_ =	shalt  }
0x4e: {  	_ =	shalt  }
0x4f: {  	_ =	shalt  }
0x50: {  	_ =	shalt  }
0x51: {  	_ =	shalt  }
0x52: {  	_ =	shalt  }
0x53: {  	_ =	shalt  }
0x54: {  	_ =	shalt  }
0x55: {  	_ =	shalt  }
0x56: {  	_ =	shalt  }
0x57: {  	_ =	shalt  }
0x58: {  	_ =	shalt  }
0x59: {  	_ =	shalt  }
0x5a: {  	_ =	shalt  }
0x5b: {  	_ =	shalt  }
0x5c: {  	_ =	shalt  }
0x5d: {  	_ =	shalt  }
0x5e: {  	_ =	shalt  }
0x5f: {  	_ =	shalt  }
0x60: {  	_ =	shalt  }
0x61: {  	_ =	shalt  }
0x62: {  	_ =	shalt  }
0x63: {  	_ =	shalt  }
0x64: {  	_ =	shalt  }
0x65: {  	_ =	shalt  }
0x66: {  	_ =	shalt  }
0x67: {  	_ =	shalt  }
0x68: {  	_ =	shalt  }
0x69: {  	_ =	shalt  }
0x6a: {  	_ =	shalt  }
0x6b: {  	_ =	shalt  }
0x6c: {  	_ =	shalt  }
0x6d: {  	_ =	shalt  }
0x6e: {  	_ =	shalt  }
0x6f: {  	_ =	shalt  }
0x70: {  	_ =	shalt  }
0x71: {  	_ =	shalt  }
0x72: {  	_ =	shalt  }
0x73: {  	_ =	shalt  }
0x74: {  	_ =	shalt  }
0x75: {  	_ =	shalt  }
0x76: {  	_ =	shalt  }
0x77: {  	_ =	shalt  }
0x78: {  	_ =	shalt  }
0x79: {  	_ =	shalt  }
0x7a: {  	_ =	shalt  }
0x7b: {  	_ =	shalt  }
0x7c: {  	_ =	shalt  }
0x7d: {  	_ =	shalt  }
0x7e: {  	_ =	shalt  }
0x7f: {  	_ =	shalt  }
0x80: {  	_ =	shalt  }
0x81: {  	_ =	shalt  }
0x82: {  	_ =	shalt  }
0x83: {  	_ =	shalt  }
0x84: {  	_ =	shalt  }
0x85: {  	_ =	shalt  }
0x86: {  	_ =	shalt  }
0x87: {  	_ =	shalt  }
.Lfunc_end0:
.L_simem_size_0:
called_computation.2_lowered:
.L_overlay_start_0:
0x88: {  	s2 =	sld [smem:$0x3FD9]  }
0x89: {  	s3 =	sld [smem:$0x3FFE];
	_ =	sdelay $0x1  }
0x8a: {  	s1 =	srdreg.scid  }
0x8b: {  	s0 =	sand.u32 $0x1, s1  }
0x8c: {  	s16 =	sshll.u32 s0, $0xA;
	s2 =	sadd.s32 s3, s2  }
0x8d: {  	s2 =	sadd.s32 s2, s16  }
0x8e: {  	[smem:$0x3FBA] =	sst s2  }
0x8f: {  	_ = 	snop  }
0x90: {  	(tm) =	ssettm $0x1  }
0x91: {  	s17 =	sld [smem:$0x3FFB];
	_ =	sdelay $0x3  }
0x92: {  	_ =	strace s17  }
0x93: {  	s2 =	sld [smem:$0x3FFC];
	_ =	sdelay $0x3  }
0x94: {  	_ =	strace s2  }
0x95: {  	s2 =	sld [smem:$0x3FFD];
	_ =	sdelay $0x3  }
0x96: {  	_ =	strace s2  }
0x97: {  	_ =	strace $0x8FFFFFFF  }
0x98: {  	s18 =	sld [smem:$0x3FDB];
	_ =	sdelay $0x1  }
0x99: {  	s19 =	simm.s32 $_scs_section_size  }
0x9a: {  	s4 =	simm.s32 $_size__tile_overlayer_lowered;
	s5 =	simm.s32 $_tile_overlayer_lowered  }
0x9b: {  	s22 =	simm.s32 $0x1BFF;
	s21 =	sshll.u32 s5, $0x1;
	s2 =	sadd.s32 s19, s18  }
0x9c: {  	s6 =	simm.s32 $0x0;
	s20 =	sshll.u32 s4, $0x1;
	s4 =	sadd.s32 s21, s2  }
0x9d: {  	[timem:s6], [sflag:s22] =	dma.local [hbm:s4], s20  }
0x9e: {  	_ =	swait.ge [sflag:s22], s20  }
0x9f: {  	s3 =	ssub.s32 $0x0, s20;
	[sflag:s22] =	ssyncset.done $0x0  }
0xa0: {  	[sflag:s22] =	ssyncadd.s32 s3;
	_ =	sdelay $0x1  }
0xa1: {  	s23 =	simm.s32 $0x1B8B  }
0xa2: {  	_ =	swait.ge [sflag:s23], $0x1  }
0xa3: {  	[sflag:s23] =	ssyncset.done $0x0  }
0xa4: {  	s25 =	simm.s32 $0x1B8E;
	s24 =	sld [smem:$0x3FFE];
	[sflag:s23] =	ssyncadd.s32 $0xFFFFFFFF  }
0xa5: {  	s26 =	simm.s32 $execute0_lowered;
	[smem:$0x3FD2] =	sst s25  }
0xa6: {  	s4 =	sshll.u32 s26, $0x1;
	_ =	strace $0x8000004C;
	[dreg:$0x1] =	wrdreg $0xFFFFFFFF  }
0xa7: {  	s28 =	simm.s32 $_size_execute0_lowered;
	s2 =	sadd.s32 s2, s4;
	[dreg:$0x0] =	wrdreg $0x0  }
0xa8: {  	s4 =	sshll.u32 s28, $0x1;
	[dreg:$0x2] =	wrdreg s2  }
0xa9: {  	[dreg:$0x3] =	wrdreg s4  }
0xaa: {  	[dreg:$0x4] =	wrdreg $0xC0  }
0xab: {  	_ =	task [dreg:s6], $0x5FFFF  }
0xac: {  	[dreg:$0x1] =	wrdreg $0xFFFFFFFF  }
0xad: {  	[dreg:$0x0] =	wrdreg $0x60  }
0xae: {  	[dreg:$0x2] =	wrdreg s24  }
0xaf: {  	[dreg:$0x3] =	wrdreg $0x78000  }
0xb0: {  	[dreg:$0x4] =	wrdreg $0x9  }
0xb1: {  	_ =	task.clear_ibuf [dreg:s6], $0x5FFFF;
	_ =	strace $0x9000004C  }
0xb2: {  	s29 =	simm.s32 $0x9;
	_ =	strace $0x8000004E  }
0xb3: {  	_ =	swait.ge [sflag:s29], $0x1  }
0xb4: {  	[sflag:s29] =	ssyncadd.s32 $0xFFFFFFFF  }
0xb5: {  	_ =	strace $0x9000004E  }
0xb6: {  	_ =	sfence  }
0xb7: {  	s30 =	sld [smem:$0x0];
	_ =	sdelay $0x2  }
0xb8: {  	s31 =	sshll.u32 s1, $0xD;
	s1 =	sshrl.u32 s1, $0x2  }
0xb9: {  	s3 =	sand.u32 $0x4000, s31;
	s1 =	sadd.s32 s1, s30  }
0xba: {  	s0 =	sor.u32 s3, s0;
	s1 =	sshll.u32 s1, $0x11  }
0xbb: {  	s0 =	sor.u32 s1, s0  }
0xbc: {  	s0 =	sadd.s32 $0x8F2B, s0  }
0xbd: {  	[sflag:s0] =	ssyncadd.remote.s32 $0x1  }
0xbe: {  	_ =	sfence.sel $0xFFFF  }
0xbf: {  	[dreg:$0x0] =	wrdreg $0xFFFFFFFF;
	(pc) =	sbr.abs _section_cstart, $3  }
0xc0: {  	[dreg:$0x1] =	wrdreg $0xFFFFFFFF  }
0xc1: {  	_ =	task.clear_ibuf [dreg:s6], $0x2FFFF;
	_ =	strace $0x9FFFFFFF  }
0xc2: {  	(tm) =	ssettm $0x7FFFFFFF  }
0xc3: {  	_ =	shalt  }
tec
execute0_lowered:
.L_overlay_start_1:
0x0: {  	(tag) =	ssettag $0x1  }
0x1: {  	s0 =	srdreg.scid;
	s6 =	rddreg [dreg:$0x0]  }
0x2: {  	s2 =	rddreg [dreg:$0x1];
	s3 =	simm.s32 $0x0;
	s14 =	simm.s32 $0x80  }
0x3: {  	s15 =	simm.s32 $0x5000;
	s5 =	sand.u32 $0x1, s0;
	s0 =	stileid.u32  }
0x4: {  	s16 =	simm.s32 $0x0;
	[smem:$0x7FF] =	sst s3;
	s8 =	smul.u32 $0xC580, s0  }
0x5: {  	s4 =	sadd.s32 $0xD200, s6;
	s1 =	sshll.u32 s5, $0x4;
	s9 =	smul.u32 $0xC5800, s5  }
0x6: {  	s5 =	ssub.s32 $0x2, s5;
	s31 =	sshll.u32 s0, $0x6;
	s1 =	sor.u32 s0, s1  }
0x7: {  	s30 =	sshrl.u32 s5, $0x1;
	s7 =	smul.u32 $0x500, s1;
	s1 =	rddreg [dreg:$0x2]  }
0x8: {  	_ =	strace $0x8000004D;
	s28 =	sadd.s32 s8, s9;
	s29 =	sshrl.u32 s8, $0x3  }
0x9: {  	s12 =	ssub.s32 s5, s30;
	s13 =	sadd.s32 s8, s2;
	s9 =	sadd.s32 s29, s6  }
0xa: {  	s10 =	sadd.s32 s7, s6;
	s7 =	sshrl.u32 s28, $0x3;
	s5 =	sadd.s32 $0x25E00, s9  }
0xb: {  	s11 =	sadd.s32 s7, s6;
	s6 =	sor.u32 $0x1C01, s31;
	s7 =	sadd.s32 $0x83A00, s10  }
0xc: {  	s8 =	sadd.s32 $0x3200, s10;
	s10 =	smax.u32 s12, $0x1;
	s12 =	simm.s32 $0x1  }
0xd: {  	s9 =	sadd.s32 $0x3EA00, s11;
	s11 =	sshrl.u32 s13, $0x3;
	s13 =	simm.s32 $0x2800  }
.LBB2_1:
0xe: {  	[spmem:s11], [sflag:s6] =	dma.local [hbm:s5], $0x18B0  }
0xf: {  	_ =	swait.ge [sflag:s12], $0x18B0  }
0x10: {  	[sflag:s12] =	ssyncset.done $0x0  }
0x11: {  	[sflag:s12] =	ssyncadd.s32 $0xFFFFE750  }
0x12: {  	[tilespmem:s3], [sflag:$0x1] =	stream.linear.gather [hbm4b:s7+s3], $0x2800, $0x38;
	[tilespmem:$0x13D80] =	vst v63  }
0x13: {  	_ =	swait.ge [sflag:s12], $0x2800  }
0x14: {  	[sflag:s12] =	ssyncset.done $0x0  }
0x15: {  	[sflag:s12] =	ssyncadd.s32 $0xFFFFD800  }
0x16: {  	[tilespmem:s13], [sflag:$0x1] =	stream.linear.gather [hbm4b:s8+s3], $0x2800, $0x38;
	[tilespmem:$0x13D80] =	vst v63  }
0x17: {  	_ =	swait.ge [sflag:s12], $0x2800  }
0x18: {  	[sflag:s12] =	ssyncset.done $0x0  }
0x19: {  	[sflag:s12] =	ssyncadd.s32 $0xFFFFD800  }
0x1a: {  	s17 =	simm.s32 $0x0;
	[bflag:$0x0] =	sbarrier.arrive $0xFFFF  }
0x1b: {  	[tilespmem:s15], [sflag:$0x1] =	stream.indirect.gather [hbm4b:s4+s14], $0x50, s17, s14, $0xb8;
	[tilespmem:$0x13D80] =	vst v63  }
0x1c: {  	_ =	swait.ge [sflag:s12], $0x2800  }
0x1d: {  	[sflag:s12] =	ssyncset.done $0x0  }
0x1e: {  	s31 =	simm.s32 $0x2800;
	[sflag:s12] =	ssyncadd.s32 $0xFFFFD800  }
0x1f: {  	[spmem:s2] =	stream.indirect.scatter.add.f32 [tilespmem:s15], [sflag:$0x1], $0x50, s31, s14, $0xb8;
	[tilespmem:$0x13D80] =	vst v63  }
0x20: {  	_ =	swait.ge [sflag:s12], $0x2800  }
0x21: {  	s18 =	simm.s32 $0x400;
	s17 =	simm.s32 $0x200;
	[sflag:s12] =	ssyncset.done $0x0  }
.LBB2_2:
0x22: {  	s19 =	sshra.s32 s17, $0x2  }
0x23: {  	[sflag:s12] =	ssyncadd.s32 $0xFFFFD800;
	s17 =	smov.u32 s18;
	s20 =	sadd.s32 $0x200, s18  }
0x24: {  	[tilespmem:s15], [sflag:$0x1] =	stream.indirect.gather [hbm4b:s4+s14], $0x50, s19, s14, $0xb8;
	[tilespmem:$0x13D80] =	vst v63  }
0x25: {  	p0 =	sne.s32 s18, $0x9E00;
	_ =	swait.ge [sflag:s12], $0x2800  }
.Ltmp0:
0x26: {  	[sflag:s12] =	ssyncset.done $0x0;
	(pc) =	sbr.rel @p0 .LBB2_2-.Ltmp0, $4  }
0x27: {  	s18 =	sadd.s32 $0x2800, s19;
	[sflag:s12] =	ssyncadd.s32 $0xFFFFD800  }
0x28: {  	[spmem:s2] =	stream.indirect.scatter.add.f32 [tilespmem:s15], [sflag:$0x1], $0x50, s18, s14, $0xb8;
	[tilespmem:$0x13D80] =	vst v63  }
0x29: {  	_ =	swait.ge [sflag:s12], $0x2800  }
0x2a: {  	s18 =	smov.u32 s20;
	[sflag:s12] =	ssyncset.done $0x0  }
0x2b: {  	s17 =	sshra.s32 s17, $0x2;
	[sflag:s12] =	ssyncadd.s32 $0xFFFFD800  }
0x2c: {  	[tilespmem:s15], [sflag:$0x1] =	stream.indirect.gather [hbm4b:s4+s14], $0x50, s17, s14, $0xb8;
	[tilespmem:$0x13D80] =	vst v63  }
0x2d: {  	_ =	swait.ge [sflag:s12], $0x2800  }
0x2e: {  	[sflag:s12] =	ssyncset.done $0x0  }
0x2f: {  	s17 =	sadd.s32 $0x2800, s17;
	[sflag:s12] =	ssyncadd.s32 $0xFFFFD800  }
0x30: {  	[spmem:s2] =	stream.indirect.scatter.add.f32 [tilespmem:s15], [sflag:$0x1], $0x50, s17, s14, $0xb8;
	[tilespmem:$0x13D80] =	vst v63  }
0x31: {  	_ =	swait.ge [sflag:s12], $0x2800  }
0x32: {  	s16 =	sadd.s32 $0x1, s16;
	[sflag:s12] =	ssyncset.done $0x0  }
0x33: {  	p0 =	sne.s32 s16, s10;
	[sflag:s12] =	ssyncadd.s32 $0xFFFFD800  }
.Ltmp1:
0x34: {  	[bflag:$0x0] =	sbarrier.arrive $0xFFFF;
	(pc) =	sbr.rel @p0 .LBB2_1-.Ltmp1, $4  }
0x35: {  	[hbm:s9], [sflag:s6] =	dma.local [spmem:s11], $0x18B0  }
0x36: {  	_ =	swait.ge [sflag:s12], $0x18B0  }
0x37: {  	[sflag:s12] =	ssyncset.done $0x0  }
0x38: {  	[sflag:s12] =	ssyncadd.s32 $0xFFFFE750  }
0x39: {  	_ =	sfence.sel $0x180000  }
0x3a: {  	[bflag:$0x0] =	sbarrier.arrive $0xFFFF  }
0x3b: {  	p0 =	sne.s32 s0, $0x0;
	_ =	strace $0x9000004D  }
0x3c: {  	s0 =	sadd.s32 @!p0 $0x100000, s1;
	[bflag:$0x2] =	sbarrier.arrive $0xFFFF  }
0x3d: {  	[sflag:s0] =	ssyncadd.tile.s32 @!p0 $0x1;
	_ =	shalt  }
.Lfunc_end2:
_tile_overlayer_lowered:
.L_overlay_start_2:
0x3e: {  	(tag) =	ssettag $0x2  }
0x3f: {  	s0 =	rddreg [dreg:$0x0];
	s2 =	stileid.u32  }
0x40: {  	s1 =	rddreg [dreg:$0x1];
	p0 =	sne.s32 s2, $0x0  }
0x41: {  	s3 =	rddreg [dreg:$0x2];
	[bflag:$0x3] =	sbarrier.arrive $0xFFFF;
	s2 =	simm.s32 @!p0 $0x1C01  }
0x42: {  	[timem:s3], [sflag:s2] =	dma.local @!p0 [hbm:s0], s1  }
0x43: {  	s0 =	simm.s32 @!p0 $0x1  }
0x44: {  	_ =	swait.ge @!p0 [sflag:s0], s1  }
0x45: {  	s1 =	ssub.s32 @!p0 $0x0, s1;
	[sflag:s0] =	ssyncset.done @!p0 $0x0  }
0x46: {  	[sflag:s0] =	ssyncadd.s32 @!p0 s1  }
0x47: {  	[bflag:$0x3] =	sbarrier.arrive $0xFFFF  }
0x48: {  	_ =	shalt  }

// kernel: kernel.23.cloned.1.call-start
scs
__scs_entry_jumppad:
0x0: {  	(pc) =	sbr.rel $0x88, $3  }
0x1: {  	(tag) =	ssettag $0x0;
	lr =	simm.s32 $0x1  }
0x2: {  	[smem:$0x3F93] =	sst lr;
	_ =	strace $0xD0000000  }
0x3: {  	_ = 	snop  }
0x4: {  	_ = 	snop  }
0x5: {  	_ = 	snop  }
0x6: {  	_ = 	snop  }
0x7: {  	_ = 	snop  }
__scs_overlays_trampoline_lowered:
0x8: {  	[smem:$0x3FA2] =	sst s0  }
0x9: {  	[smem:$0x3FA3] =	sst s1  }
0xa: {  	[smem:$0x3FA4] =	sst s2  }
0xb: {  	[smem:$0x3FA5] =	sst s3  }
0xc: {  	[smem:$0x3FA6] =	sst s4  }
0xd: {  	[smem:$0x3FA7] =	sst s5  }
0xe: {  	[smem:$0x3FA8] =	sst s6  }
0xf: {  	[smem:$0x3FA9] =	sst s7  }
0x10: {  	[smem:$0x3FAA] =	sst s8  }
0x11: {  	[smem:$0x3FAB] =	sst s9;
	s0 =	simm.s32 @!p0 $0x0  }
0x12: {  	s1 =	sld [smem:$0x3F91];
	s0 =	simm.s32 @p0 $0x1  }
0x13: {  	[smem:$0x3FAC] =	sst s0;
	s0 =	simm.s32 @!p1 $0x0  }
0x14: {  	s2 =	sld [smem:$0x3F90];
	s0 =	simm.s32 @p1 $0x1  }
0x15: {  	[smem:$0x3FAD] =	sst s0;
	s0 =	simm.s32 @!p2 $0x0  }
0x16: {  	s3 =	sld [smem:$0x3FDB];
	s0 =	simm.s32 @p2 $0x1  }
0x17: {  	s4 =	simm.s32 $0x1BF5;
	[smem:$0x3FAF] =	sst s0  }
0x18: {  	s0 =	sld [smem:$0x3F92];
	_ =	swait.ge [sflag:s4], $0x0  }
0x19: {  	s7 =	sld [smem:$0x3F93]  }
0x1a: {  	s8 =	sadd.s32 $0xFFFFE003, lr  }
0x1b: {  	s9 =	sadd.s32 $0xFFFFFEF7, lr;
	s5 =	simm.s32 $0xFFFFFFFF;
	p2 =	slt.u32 s8, $0xFFFFF086  }
0x1c: {  	p1 =	slt.u32 s9, $0xF7A;
	s5 =	simm.s32 @!p2 $0x0  }
0x1d: {  	s5 =	simm.s32 @p1 $0x1;
	p0 =	seq.s32 s7, s2  }
0x1e: {  	s7 =	smul.u32 @!p0 $0xF7A, s2;
	p2 =	seq.s32 @!p0 s5, $0x0  }
0x1f: {  	s9 =	smul.u32 $0xF7A, s1;
	s8 =	simm.s32 @!p0 $0x1BF5;
	p2 =	por !p2, p0  }
0x20: {  	[sflag:s8] =	ssyncset.s32 @!p0 $0xFFFFF086;
	s6 =	sadd.s32 @!p0 s3, s7;
	s7 =	simm.s32 @!p0 $0x108  }
0x21: {  	s3 =	sadd.s32 s3, s9;
	s6 =	sadd.s32 @!p0 $0x88, s6;
	s7 =	simm.s32 @p2 $0x1082  }
0x22: {  	[simem:s7], [sflag:s8] =	dma.local @!p0 [hbm:s6], $0xF7A  }
0x23: {  	s9 =	sor.u32 $0xD0000000, s2;
	s6 =	simm.s32 $0x108;
	_ =	swait.ge @!p0 [sflag:s8], $0x0  }
0x24: {  	s3 =	sadd.s32 $0x88, s3;
	s6 =	simm.s32 @!p1 $0x1082;
	[sflag:s4] =	ssyncset.s32 $0xFFFFF086  }
0x25: {  	[simem:s6], [sflag:s4] =	dma.local [hbm:s3], $0xF7A  }
0x26: {  	[smem:$0x3F93] =	sst s1;
	(tag) =	ssettag s2;
	_ =	strace s9  }
0x27: {  	s1 =	sld [smem:$0x3FA3]  }
0x28: {  	s2 =	sld [smem:$0x3FA4]  }
0x29: {  	s4 =	sld [smem:$0x3FA6]  }
0x2a: {  	p0 =	seq.s32 s5, $0x0;
	s5 =	sld [smem:$0x3FA7]  }
0x2b: {  	s6 =	sld [smem:$0x3FA8]  }
0x2c: {  	s7 =	sld [smem:$0x3FA9]  }
0x2d: {  	s3 =	simm.s32 $0x108;
	s8 =	sld [smem:$0x3FAA]  }
0x2e: {  	s3 =	simm.s32 @!p0 $0x1082;
	s9 =	sld [smem:$0x3FAB]  }
0x2f: {  	lr =	sadd.s32 s0, s3;
	s0 =	sld [smem:$0x3FA2]  }
0x30: {  	s3 =	sld [smem:$0x3FA5]  }
0x31: {  	[smem:$0x3FAE] =	sst s10  }
0x32: {  	s10 =	sld [smem:$0x3FAC];
	_ =	sdelay $0x3  }
0x33: {  	p0 =	seq.s32 s10, $0x1;
	s10 =	sld [smem:$0x3FAE];
	_ =	sdelay $0x3  }
0x34: {  	[smem:$0x3FAE] =	sst s10  }
0x35: {  	s10 =	sld [smem:$0x3FAD];
	_ =	sdelay $0x3  }
0x36: {  	p1 =	seq.s32 s10, $0x1;
	s10 =	sld [smem:$0x3FAE];
	_ =	sdelay $0x3  }
0x37: {  	[smem:$0x3FAE] =	sst s10  }
0x38: {  	s10 =	sld [smem:$0x3FAF]  }
0x39: {  	_ = 	snop;
	(pc) =	sbr.ind lr, $3  }
0x3a: {  	_ = 	snop  }
0x3b: {  	_ = 	snop  }
0x3c: {  	p2 =	seq.s32 s10, $0x1;
	s10 =	sld [smem:$0x3FAE]  }
0x3d: {  	_ =	shalt  }
0x3e: {  	_ =	shalt  }
0x3f: {  	_ =	shalt  }
0x40: {  	_ =	shalt  }
0x41: {  	_ =	shalt  }
0x42: {  	_ =	shalt  }
0x43: {  	_ =	shalt  }
0x44: {  	_ =	shalt  }
0x45: {  	_ =	shalt  }
0x46: {  	_ =	shalt  }
0x47: {  	_ =	shalt  }
0x48: {  	_ =	shalt  }
0x49: {  	_ =	shalt  }
0x4a: {  	_ =	shalt  }
0x4b: {  	_ =	shalt  }
0x4c: {  	_ =	shalt  }
0x4d: {  	_ =	shalt  }
0x4e: {  	_ =	shalt  }
0x4f: {  	_ =	shalt  }
0x50: {  	_ =	shalt  }
0x51: {  	_ =	shalt  }
0x52: {  	_ =	shalt  }
0x53: {  	_ =	shalt  }
0x54: {  	_ =	shalt  }
0x55: {  	_ =	shalt  }
0x56: {  	_ =	shalt  }
0x57: {  	_ =	shalt  }
0x58: {  	_ =	shalt  }
0x59: {  	_ =	shalt  }
0x5a: {  	_ =	shalt  }
0x5b: {  	_ =	shalt  }
0x5c: {  	_ =	shalt  }
0x5d: {  	_ =	shalt  }
0x5e: {  	_ =	shalt  }
0x5f: {  	_ =	shalt  }
0x60: {  	_ =	shalt  }
0x61: {  	_ =	shalt  }
0x62: {  	_ =	shalt  }
0x63: {  	_ =	shalt  }
0x64: {  	_ =	shalt  }
0x65: {  	_ =	shalt  }
0x66: {  	_ =	shalt  }
0x67: {  	_ =	shalt  }
0x68: {  	_ =	shalt  }
0x69: {  	_ =	shalt  }
0x6a: {  	_ =	shalt  }
0x6b: {  	_ =	shalt  }
0x6c: {  	_ =	shalt  }
0x6d: {  	_ =	shalt  }
0x6e: {  	_ =	shalt  }
0x6f: {  	_ =	shalt  }
0x70: {  	_ =	shalt  }
0x71: {  	_ =	shalt  }
0x72: {  	_ =	shalt  }
0x73: {  	_ =	shalt  }
0x74: {  	_ =	shalt  }
0x75: {  	_ =	shalt  }
0x76: {  	_ =	shalt  }
0x77: {  	_ =	shalt  }
0x78: {  	_ =	shalt  }
0x79: {  	_ =	shalt  }
0x7a: {  	_ =	shalt  }
0x7b: {  	_ =	shalt  }
0x7c: {  	_ =	shalt  }
0x7d: {  	_ =	shalt  }
0x7e: {  	_ =	shalt  }
0x7f: {  	_ =	shalt  }
0x80: {  	_ =	shalt  }
0x81: {  	_ =	shalt  }
0x82: {  	_ =	shalt  }
0x83: {  	_ =	shalt  }
0x84: {  	_ =	shalt  }
0x85: {  	_ =	shalt  }
0x86: {  	_ =	shalt  }
0x87: {  	_ =	shalt  }
.Lfunc_end0:
.L_simem_size_0:
called_computation.3_lowered:
.L_overlay_start_0:
0x88: {  	s2 =	sld [smem:$0x3FD9]  }
0x89: {  	s3 =	sld [smem:$0x3FFE];
	_ =	sdelay $0x1  }
0x8a: {  	s1 =	srdreg.scid  }
0x8b: {  	s0 =	sand.u32 $0x1, s1  }
0x8c: {  	s16 =	sshll.u32 s0, $0xA;
	s2 =	sadd.s32 s3, s2  }
0x8d: {  	s2 =	sadd.s32 s2, s16  }
0x8e: {  	[smem:$0x3FBA] =	sst s2  }
0x8f: {  	_ = 	snop  }
0x90: {  	(tm) =	ssettm $0x1  }
0x91: {  	s17 =	sld [smem:$0x3FFB];
	_ =	sdelay $0x3  }
0x92: {  	_ =	strace s17  }
0x93: {  	s2 =	sld [smem:$0x3FFC];
	_ =	sdelay $0x3  }
0x94: {  	_ =	strace s2  }
0x95: {  	s2 =	sld [smem:$0x3FFD];
	_ =	sdelay $0x3  }
0x96: {  	_ =	strace s2  }
0x97: {  	_ =	strace $0x8FFFFFFF  }
0x98: {  	s18 =	sld [smem:$0x3FDB];
	_ =	sdelay $0x1  }
0x99: {  	s19 =	simm.s32 $_scs_section_size  }
0x9a: {  	s4 =	simm.s32 $_size__tile_overlayer_lowered;
	s5 =	simm.s32 $_tile_overlayer_lowered  }
0x9b: {  	s22 =	simm.s32 $0x1BFF;
	s21 =	sshll.u32 s5, $0x1;
	s2 =	sadd.s32 s19, s18  }
0x9c: {  	s6 =	simm.s32 $0x0;
	s20 =	sshll.u32 s4, $0x1;
	s4 =	sadd.s32 s21, s2  }
0x9d: {  	[timem:s6], [sflag:s22] =	dma.local [hbm:s4], s20  }
0x9e: {  	_ =	swait.ge [sflag:s22], s20  }
0x9f: {  	s3 =	ssub.s32 $0x0, s20;
	[sflag:s22] =	ssyncset.done $0x0  }
0xa0: {  	[sflag:s22] =	ssyncadd.s32 s3;
	_ =	sdelay $0x1  }
0xa1: {  	s23 =	simm.s32 $0x1B8B  }
0xa2: {  	_ =	swait.ge [sflag:s23], $0x1  }
0xa3: {  	[sflag:s23] =	ssyncset.done $0x0  }
0xa4: {  	s25 =	simm.s32 $0x1B8E;
	s24 =	sld [smem:$0x3FFE];
	[sflag:s23] =	ssyncadd.s32 $0xFFFFFFFF  }
0xa5: {  	s26 =	simm.s32 $execute0_lowered;
	[smem:$0x3FD2] =	sst s25  }
0xa6: {  	s4 =	sshll.u32 s26, $0x1;
	_ =	strace $0x8000004F;
	[dreg:$0x1] =	wrdreg $0xFFFFFFFF  }
0xa7: {  	s28 =	simm.s32 $_size_execute0_lowered;
	s2 =	sadd.s32 s2, s4;
	[dreg:$0x0] =	wrdreg $0x0  }
0xa8: {  	s4 =	sshll.u32 s28, $0x1;
	[dreg:$0x2] =	wrdreg s2  }
0xa9: {  	[dreg:$0x3] =	wrdreg s4  }
0xaa: {  	[dreg:$0x4] =	wrdreg $0xC0  }
0xab: {  	_ =	task [dreg:s6], $0x5FFFF  }
0xac: {  	[dreg:$0x1] =	wrdreg $0xFFFFFFFF  }
0xad: {  	[dreg:$0x0] =	wrdreg $0x60  }
0xae: {  	[dreg:$0x2] =	wrdreg s24  }
0xaf: {  	[dreg:$0x3] =	wrdreg $0x70000  }
0xb0: {  	[dreg:$0x4] =	wrdreg $0x9  }
0xb1: {  	_ =	task.clear_ibuf [dreg:s6], $0x5FFFF;
	_ =	strace $0x9000004F  }
0xb2: {  	s29 =	simm.s32 $0x9;
	_ =	strace $0x80000051  }
0xb3: {  	_ =	swait.ge [sflag:s29], $0x1  }
0xb4: {  	[sflag:s29] =	ssyncadd.s32 $0xFFFFFFFF  }
0xb5: {  	_ =	strace $0x90000051  }
0xb6: {  	_ =	sfence  }
0xb7: {  	s30 =	sld [smem:$0x0];
	_ =	sdelay $0x2  }
0xb8: {  	s31 =	sshll.u32 s1, $0xD;
	s1 =	sshrl.u32 s1, $0x2  }
0xb9: {  	s3 =	sand.u32 $0x4000, s31;
	s1 =	sadd.s32 s1, s30  }
0xba: {  	s0 =	sor.u32 s3, s0;
	s1 =	sshll.u32 s1, $0x11  }
0xbb: {  	s0 =	sor.u32 s1, s0  }
0xbc: {  	s0 =	sadd.s32 $0x8F2B, s0  }
0xbd: {  	[sflag:s0] =	ssyncadd.remote.s32 $0x1  }
0xbe: {  	_ =	sfence.sel $0xFFFF  }
0xbf: {  	[dreg:$0x0] =	wrdreg $0xFFFFFFFF;
	(pc) =	sbr.abs _section_cstart, $3  }
0xc0: {  	[dreg:$0x1] =	wrdreg $0xFFFFFFFF  }
0xc1: {  	_ =	task.clear_ibuf [dreg:s6], $0x2FFFF;
	_ =	strace $0x9FFFFFFF  }
0xc2: {  	(tm) =	ssettm $0x7FFFFFFF  }
0xc3: {  	_ =	shalt  }
tec
execute0_lowered:
.L_overlay_start_1:
0x0: {  	(tag) =	ssettag $0x1  }
0x1: {  	s0 =	srdreg.scid;
	s6 =	rddreg [dreg:$0x0]  }
0x2: {  	s2 =	rddreg [dreg:$0x1];
	s3 =	simm.s32 $0x0;
	s14 =	simm.s32 $0x80  }
0x3: {  	s15 =	simm.s32 $0x5000;
	s5 =	sand.u32 $0x1, s0;
	s0 =	stileid.u32  }
0x4: {  	s16 =	simm.s32 $0x0;
	[smem:$0x7FF] =	sst s3;
	s8 =	smul.u32 $0x9E00, s0  }
0x5: {  	s4 =	sadd.s32 $0xD200, s6;
	s1 =	sshll.u32 s5, $0x4;
	s9 =	smul.u32 $0x9E000, s5  }
0x6: {  	s5 =	ssub.s32 $0x2, s5;
	s31 =	sshll.u32 s0, $0x6;
	s1 =	sor.u32 s0, s1  }
0x7: {  	s30 =	sshrl.u32 s5, $0x1;
	s7 =	smul.u32 $0x500, s1;
	s1 =	rddreg [dreg:$0x2]  }
0x8: {  	_ =	strace $0x80000050;
	s28 =	sadd.s32 s8, s9;
	s29 =	sshrl.u32 s8, $0x3  }
0x9: {  	s12 =	ssub.s32 s5, s30;
	s13 =	sadd.s32 s8, s2;
	s9 =	sadd.s32 s29, s6  }
0xa: {  	s10 =	sadd.s32 s7, s6;
	s7 =	sshrl.u32 s28, $0x3;
	s5 =	sadd.s32 $0x20E00, s9  }
0xb: {  	s11 =	sadd.s32 s7, s6;
	s6 =	sor.u32 $0x1C01, s31;
	s7 =	sadd.s32 $0x83A00, s10  }
0xc: {  	s8 =	sadd.s32 $0x3200, s10;
	s10 =	smax.u32 s12, $0x1;
	s12 =	simm.s32 $0x1  }
0xd: {  	s9 =	sadd.s32 $0x34A00, s11;
	s11 =	sshrl.u32 s13, $0x3;
	s13 =	simm.s32 $0x2800  }
.LBB2_1:
0xe: {  	[spmem:s11], [sflag:s6] =	dma.local [hbm:s5], $0x13C0  }
0xf: {  	_ =	swait.ge [sflag:s12], $0x13C0  }
0x10: {  	[sflag:s12] =	ssyncset.done $0x0  }
0x11: {  	[sflag:s12] =	ssyncadd.s32 $0xFFFFEC40  }
0x12: {  	[tilespmem:s3], [sflag:$0x1] =	stream.linear.gather [hbm4b:s7+s3], $0x2800, $0x38;
	[tilespmem:$0x10E00] =	vst v63  }
0x13: {  	_ =	swait.ge [sflag:s12], $0x2800  }
0x14: {  	[sflag:s12] =	ssyncset.done $0x0  }
0x15: {  	[sflag:s12] =	ssyncadd.s32 $0xFFFFD800  }
0x16: {  	[tilespmem:s13], [sflag:$0x1] =	stream.linear.gather [hbm4b:s8+s3], $0x2800, $0x38;
	[tilespmem:$0x10E00] =	vst v63  }
0x17: {  	_ =	swait.ge [sflag:s12], $0x2800  }
0x18: {  	[sflag:s12] =	ssyncset.done $0x0  }
0x19: {  	[sflag:s12] =	ssyncadd.s32 $0xFFFFD800  }
0x1a: {  	s17 =	simm.s32 $0x0;
	[bflag:$0x0] =	sbarrier.arrive $0xFFFF  }
0x1b: {  	[tilespmem:s15], [sflag:$0x1] =	stream.indirect.gather [hbm4b:s4+s14], $0x40, s17, s14, $0xb8;
	[tilespmem:$0x10E00] =	vst v63  }
0x1c: {  	_ =	swait.ge [sflag:s12], $0x2000  }
0x1d: {  	[sflag:s12] =	ssyncset.done $0x0  }
0x1e: {  	s31 =	simm.s32 $0x2800;
	[sflag:s12] =	ssyncadd.s32 $0xFFFFE000  }
0x1f: {  	[spmem:s2] =	stream.indirect.scatter.add.f32 [tilespmem:s15], [sflag:$0x1], $0x40, s31, s14, $0xb8;
	[tilespmem:$0x10E00] =	vst v63  }
0x20: {  	_ =	swait.ge [sflag:s12], $0x2000  }
0x21: {  	s18 =	simm.s32 $0x400;
	s17 =	simm.s32 $0x200;
	[sflag:s12] =	ssyncset.done $0x0  }
.LBB2_2:
0x22: {  	s19 =	sshra.s32 s17, $0x2  }
0x23: {  	[sflag:s12] =	ssyncadd.s32 $0xFFFFE000;
	s17 =	smov.u32 s18;
	s20 =	sadd.s32 $0x200, s18  }
0x24: {  	[tilespmem:s15], [sflag:$0x1] =	stream.indirect.gather [hbm4b:s4+s14], $0x40, s19, s14, $0xb8;
	[tilespmem:$0x10E00] =	vst v63  }
0x25: {  	p0 =	sne.s32 s18, $0x9E00;
	_ =	swait.ge [sflag:s12], $0x2000  }
.Ltmp0:
0x26: {  	[sflag:s12] =	ssyncset.done $0x0;
	(pc) =	sbr.rel @p0 .LBB2_2-.Ltmp0, $4  }
0x27: {  	s18 =	sadd.s32 $0x2800, s19;
	[sflag:s12] =	ssyncadd.s32 $0xFFFFE000  }
0x28: {  	[spmem:s2] =	stream.indirect.scatter.add.f32 [tilespmem:s15], [sflag:$0x1], $0x40, s18, s14, $0xb8;
	[tilespmem:$0x10E00] =	vst v63  }
0x29: {  	_ =	swait.ge [sflag:s12], $0x2000  }
0x2a: {  	s18 =	smov.u32 s20;
	[sflag:s12] =	ssyncset.done $0x0  }
0x2b: {  	s17 =	sshra.s32 s17, $0x2;
	[sflag:s12] =	ssyncadd.s32 $0xFFFFE000  }
0x2c: {  	[tilespmem:s15], [sflag:$0x1] =	stream.indirect.gather [hbm4b:s4+s14], $0x40, s17, s14, $0xb8;
	[tilespmem:$0x10E00] =	vst v63  }
0x2d: {  	_ =	swait.ge [sflag:s12], $0x2000  }
0x2e: {  	[sflag:s12] =	ssyncset.done $0x0  }
0x2f: {  	s17 =	sadd.s32 $0x2800, s17;
	[sflag:s12] =	ssyncadd.s32 $0xFFFFE000  }
0x30: {  	[spmem:s2] =	stream.indirect.scatter.add.f32 [tilespmem:s15], [sflag:$0x1], $0x40, s17, s14, $0xb8;
	[tilespmem:$0x10E00] =	vst v63  }
0x31: {  	_ =	swait.ge [sflag:s12], $0x2000  }
0x32: {  	s16 =	sadd.s32 $0x1, s16;
	[sflag:s12] =	ssyncset.done $0x0  }
0x33: {  	p0 =	sne.s32 s16, s10;
	[sflag:s12] =	ssyncadd.s32 $0xFFFFE000  }
.Ltmp1:
0x34: {  	[bflag:$0x0] =	sbarrier.arrive $0xFFFF;
	(pc) =	sbr.rel @p0 .LBB2_1-.Ltmp1, $4  }
0x35: {  	[hbm:s9], [sflag:s6] =	dma.local [spmem:s11], $0x13C0  }
0x36: {  	_ =	swait.ge [sflag:s12], $0x13C0  }
0x37: {  	[sflag:s12] =	ssyncset.done $0x0  }
0x38: {  	[sflag:s12] =	ssyncadd.s32 $0xFFFFEC40  }
0x39: {  	_ =	sfence.sel $0x180000  }
0x3a: {  	[bflag:$0x0] =	sbarrier.arrive $0xFFFF  }
0x3b: {  	p0 =	sne.s32 s0, $0x0;
	_ =	strace $0x90000050  }
0x3c: {  	s0 =	sadd.s32 @!p0 $0x100000, s1;
	[bflag:$0x2] =	sbarrier.arrive $0xFFFF  }
0x3d: {  	[sflag:s0] =	ssyncadd.tile.s32 @!p0 $0x1;
	_ =	shalt  }
.Lfunc_end2:
_tile_overlayer_lowered:
.L_overlay_start_2:
0x3e: {  	(tag) =	ssettag $0x2  }
0x3f: {  	s0 =	rddreg [dreg:$0x0];
	s2 =	stileid.u32  }
0x40: {  	s1 =	rddreg [dreg:$0x1];
	p0 =	sne.s32 s2, $0x0  }
0x41: {  	s3 =	rddreg [dreg:$0x2];
	[bflag:$0x3] =	sbarrier.arrive $0xFFFF;
	s2 =	simm.s32 @!p0 $0x1C01  }
0x42: {  	[timem:s3], [sflag:s2] =	dma.local @!p0 [hbm:s0], s1  }
0x43: {  	s0 =	simm.s32 @!p0 $0x1  }
0x44: {  	_ =	swait.ge @!p0 [sflag:s0], s1  }
0x45: {  	s1 =	ssub.s32 @!p0 $0x0, s1;
	[sflag:s0] =	ssyncset.done @!p0 $0x0  }
0x46: {  	[sflag:s0] =	ssyncadd.s32 @!p0 s1  }
0x47: {  	[bflag:$0x3] =	sbarrier.arrive $0xFFFF  }
0x48: {  	_ =	shalt  }

// kernel: kernel.26.cloned.1.call-start
scs
__scs_entry_jumppad:
0x0: {  	(pc) =	sbr.rel $0x88, $3  }
0x1: {  	(tag) =	ssettag $0x0;
	lr =	simm.s32 $0x1  }
0x2: {  	[smem:$0x3F93] =	sst lr;
	_ =	strace $0xD0000000  }
0x3: {  	_ = 	snop  }
0x4: {  	_ = 	snop  }
0x5: {  	_ = 	snop  }
0x6: {  	_ = 	snop  }
0x7: {  	_ = 	snop  }
__scs_overlays_trampoline_lowered:
0x8: {  	[smem:$0x3FA2] =	sst s0  }
0x9: {  	[smem:$0x3FA3] =	sst s1  }
0xa: {  	[smem:$0x3FA4] =	sst s2  }
0xb: {  	[smem:$0x3FA5] =	sst s3  }
0xc: {  	[smem:$0x3FA6] =	sst s4  }
0xd: {  	[smem:$0x3FA7] =	sst s5  }
0xe: {  	[smem:$0x3FA8] =	sst s6  }
0xf: {  	[smem:$0x3FA9] =	sst s7  }
0x10: {  	[smem:$0x3FAA] =	sst s8  }
0x11: {  	[smem:$0x3FAB] =	sst s9;
	s0 =	simm.s32 @!p0 $0x0  }
0x12: {  	s1 =	sld [smem:$0x3F91];
	s0 =	simm.s32 @p0 $0x1  }
0x13: {  	[smem:$0x3FAC] =	sst s0;
	s0 =	simm.s32 @!p1 $0x0  }
0x14: {  	s2 =	sld [smem:$0x3F90];
	s0 =	simm.s32 @p1 $0x1  }
0x15: {  	[smem:$0x3FAD] =	sst s0;
	s0 =	simm.s32 @!p2 $0x0  }
0x16: {  	s3 =	sld [smem:$0x3FDB];
	s0 =	simm.s32 @p2 $0x1  }
0x17: {  	s4 =	simm.s32 $0x1BF5;
	[smem:$0x3FAF] =	sst s0  }
0x18: {  	s0 =	sld [smem:$0x3F92];
	_ =	swait.ge [sflag:s4], $0x0  }
0x19: {  	s7 =	sld [smem:$0x3F93]  }
0x1a: {  	s8 =	sadd.s32 $0xFFFFE003, lr  }
0x1b: {  	s9 =	sadd.s32 $0xFFFFFEF7, lr;
	s5 =	simm.s32 $0xFFFFFFFF;
	p2 =	slt.u32 s8, $0xFFFFF086  }
0x1c: {  	p1 =	slt.u32 s9, $0xF7A;
	s5 =	simm.s32 @!p2 $0x0  }
0x1d: {  	s5 =	simm.s32 @p1 $0x1;
	p0 =	seq.s32 s7, s2  }
0x1e: {  	s7 =	smul.u32 @!p0 $0xF7A, s2;
	p2 =	seq.s32 @!p0 s5, $0x0  }
0x1f: {  	s9 =	smul.u32 $0xF7A, s1;
	s8 =	simm.s32 @!p0 $0x1BF5;
	p2 =	por !p2, p0  }
0x20: {  	[sflag:s8] =	ssyncset.s32 @!p0 $0xFFFFF086;
	s6 =	sadd.s32 @!p0 s3, s7;
	s7 =	simm.s32 @!p0 $0x108  }
0x21: {  	s3 =	sadd.s32 s3, s9;
	s6 =	sadd.s32 @!p0 $0x88, s6;
	s7 =	simm.s32 @p2 $0x1082  }
0x22: {  	[simem:s7], [sflag:s8] =	dma.local @!p0 [hbm:s6], $0xF7A  }
0x23: {  	s9 =	sor.u32 $0xD0000000, s2;
	s6 =	simm.s32 $0x108;
	_ =	swait.ge @!p0 [sflag:s8], $0x0  }
0x24: {  	s3 =	sadd.s32 $0x88, s3;
	s6 =	simm.s32 @!p1 $0x1082;
	[sflag:s4] =	ssyncset.s32 $0xFFFFF086  }
0x25: {  	[simem:s6], [sflag:s4] =	dma.local [hbm:s3], $0xF7A  }
0x26: {  	[smem:$0x3F93] =	sst s1;
	(tag) =	ssettag s2;
	_ =	strace s9  }
0x27: {  	s1 =	sld [smem:$0x3FA3]  }
0x28: {  	s2 =	sld [smem:$0x3FA4]  }
0x29: {  	s4 =	sld [smem:$0x3FA6]  }
0x2a: {  	p0 =	seq.s32 s5, $0x0;
	s5 =	sld [smem:$0x3FA7]  }
0x2b: {  	s6 =	sld [smem:$0x3FA8]  }
0x2c: {  	s7 =	sld [smem:$0x3FA9]  }
0x2d: {  	s3 =	simm.s32 $0x108;
	s8 =	sld [smem:$0x3FAA]  }
0x2e: {  	s3 =	simm.s32 @!p0 $0x1082;
	s9 =	sld [smem:$0x3FAB]  }
0x2f: {  	lr =	sadd.s32 s0, s3;
	s0 =	sld [smem:$0x3FA2]  }
0x30: {  	s3 =	sld [smem:$0x3FA5]  }
0x31: {  	[smem:$0x3FAE] =	sst s10  }
0x32: {  	s10 =	sld [smem:$0x3FAC];
	_ =	sdelay $0x3  }
0x33: {  	p0 =	seq.s32 s10, $0x1;
	s10 =	sld [smem:$0x3FAE];
	_ =	sdelay $0x3  }
0x34: {  	[smem:$0x3FAE] =	sst s10  }
0x35: {  	s10 =	sld [smem:$0x3FAD];
	_ =	sdelay $0x3  }
0x36: {  	p1 =	seq.s32 s10, $0x1;
	s10 =	sld [smem:$0x3FAE];
	_ =	sdelay $0x3  }
0x37: {  	[smem:$0x3FAE] =	sst s10  }
0x38: {  	s10 =	sld [smem:$0x3FAF]  }
0x39: {  	_ = 	snop;
	(pc) =	sbr.ind lr, $3  }
0x3a: {  	_ = 	snop  }
0x3b: {  	_ = 	snop  }
0x3c: {  	p2 =	seq.s32 s10, $0x1;
	s10 =	sld [smem:$0x3FAE]  }
0x3d: {  	_ =	shalt  }
0x3e: {  	_ =	shalt  }
0x3f: {  	_ =	shalt  }
0x40: {  	_ =	shalt  }
0x41: {  	_ =	shalt  }
0x42: {  	_ =	shalt  }
0x43: {  	_ =	shalt  }
0x44: {  	_ =	shalt  }
0x45: {  	_ =	shalt  }
0x46: {  	_ =	shalt  }
0x47: {  	_ =	shalt  }
0x48: {  	_ =	shalt  }
0x49: {  	_ =	shalt  }
0x4a: {  	_ =	shalt  }
0x4b: {  	_ =	shalt  }
0x4c: {  	_ =	shalt  }
0x4d: {  	_ =	shalt  }
0x4e: {  	_ =	shalt  }
0x4f: {  	_ =	shalt  }
0x50: {  	_ =	shalt  }
0x51: {  	_ =	shalt  }
0x52: {  	_ =	shalt  }
0x53: {  	_ =	shalt  }
0x54: {  	_ =	shalt  }
0x55: {  	_ =	shalt  }
0x56: {  	_ =	shalt  }
0x57: {  	_ =	shalt  }
0x58: {  	_ =	shalt  }
0x59: {  	_ =	shalt  }
0x5a: {  	_ =	shalt  }
0x5b: {  	_ =	shalt  }
0x5c: {  	_ =	shalt  }
0x5d: {  	_ =	shalt  }
0x5e: {  	_ =	shalt  }
0x5f: {  	_ =	shalt  }
0x60: {  	_ =	shalt  }
0x61: {  	_ =	shalt  }
0x62: {  	_ =	shalt  }
0x63: {  	_ =	shalt  }
0x64: {  	_ =	shalt  }
0x65: {  	_ =	shalt  }
0x66: {  	_ =	shalt  }
0x67: {  	_ =	shalt  }
0x68: {  	_ =	shalt  }
0x69: {  	_ =	shalt  }
0x6a: {  	_ =	shalt  }
0x6b: {  	_ =	shalt  }
0x6c: {  	_ =	shalt  }
0x6d: {  	_ =	shalt  }
0x6e: {  	_ =	shalt  }
0x6f: {  	_ =	shalt  }
0x70: {  	_ =	shalt  }
0x71: {  	_ =	shalt  }
0x72: {  	_ =	shalt  }
0x73: {  	_ =	shalt  }
0x74: {  	_ =	shalt  }
0x75: {  	_ =	shalt  }
0x76: {  	_ =	shalt  }
0x77: {  	_ =	shalt  }
0x78: {  	_ =	shalt  }
0x79: {  	_ =	shalt  }
0x7a: {  	_ =	shalt  }
0x7b: {  	_ =	shalt  }
0x7c: {  	_ =	shalt  }
0x7d: {  	_ =	shalt  }
0x7e: {  	_ =	shalt  }
0x7f: {  	_ =	shalt  }
0x80: {  	_ =	shalt  }
0x81: {  	_ =	shalt  }
0x82: {  	_ =	shalt  }
0x83: {  	_ =	shalt  }
0x84: {  	_ =	shalt  }
0x85: {  	_ =	shalt  }
0x86: {  	_ =	shalt  }
0x87: {  	_ =	shalt  }
.Lfunc_end0:
.L_simem_size_0:
called_computation.4_lowered:
.L_overlay_start_0:
0x88: {  	s2 =	sld [smem:$0x3FD9]  }
0x89: {  	s3 =	sld [smem:$0x3FFE];
	_ =	sdelay $0x1  }
0x8a: {  	s1 =	srdreg.scid  }
0x8b: {  	s0 =	sand.u32 $0x1, s1  }
0x8c: {  	s16 =	sshll.u32 s0, $0xA;
	s2 =	sadd.s32 s3, s2  }
0x8d: {  	s2 =	sadd.s32 s2, s16  }
0x8e: {  	[smem:$0x3FBA] =	sst s2  }
0x8f: {  	_ = 	snop  }
0x90: {  	(tm) =	ssettm $0x1  }
0x91: {  	s17 =	sld [smem:$0x3FFB];
	_ =	sdelay $0x3  }
0x92: {  	_ =	strace s17  }
0x93: {  	s2 =	sld [smem:$0x3FFC];
	_ =	sdelay $0x3  }
0x94: {  	_ =	strace s2  }
0x95: {  	s2 =	sld [smem:$0x3FFD];
	_ =	sdelay $0x3  }
0x96: {  	_ =	strace s2  }
0x97: {  	_ =	strace $0x8FFFFFFF  }
0x98: {  	s18 =	sld [smem:$0x3FDB];
	_ =	sdelay $0x1  }
0x99: {  	s19 =	simm.s32 $_scs_section_size  }
0x9a: {  	s4 =	simm.s32 $_size__tile_overlayer_lowered;
	s5 =	simm.s32 $_tile_overlayer_lowered  }
0x9b: {  	s22 =	simm.s32 $0x1BFF;
	s21 =	sshll.u32 s5, $0x1;
	s2 =	sadd.s32 s19, s18  }
0x9c: {  	s6 =	simm.s32 $0x0;
	s20 =	sshll.u32 s4, $0x1;
	s4 =	sadd.s32 s21, s2  }
0x9d: {  	[timem:s6], [sflag:s22] =	dma.local [hbm:s4], s20  }
0x9e: {  	_ =	swait.ge [sflag:s22], s20  }
0x9f: {  	s3 =	ssub.s32 $0x0, s20;
	[sflag:s22] =	ssyncset.done $0x0  }
0xa0: {  	[sflag:s22] =	ssyncadd.s32 s3;
	_ =	sdelay $0x1  }
0xa1: {  	s23 =	simm.s32 $0x1B8B  }
0xa2: {  	_ =	swait.ge [sflag:s23], $0x1  }
0xa3: {  	[sflag:s23] =	ssyncset.done $0x0  }
0xa4: {  	s25 =	simm.s32 $0x1B8E;
	s24 =	sld [smem:$0x3FFE];
	[sflag:s23] =	ssyncadd.s32 $0xFFFFFFFF  }
0xa5: {  	s26 =	simm.s32 $execute0_lowered;
	[smem:$0x3FD2] =	sst s25  }
0xa6: {  	s4 =	sshll.u32 s26, $0x1;
	_ =	strace $0x80000052;
	[dreg:$0x1] =	wrdreg $0xFFFFFFFF  }
0xa7: {  	s28 =	simm.s32 $_size_execute0_lowered;
	s2 =	sadd.s32 s2, s4;
	[dreg:$0x0] =	wrdreg $0x0  }
0xa8: {  	s4 =	sshll.u32 s28, $0x1;
	[dreg:$0x2] =	wrdreg s2  }
0xa9: {  	[dreg:$0x3] =	wrdreg s4  }
0xaa: {  	[dreg:$0x4] =	wrdreg $0xC0  }
0xab: {  	_ =	task [dreg:s6], $0x5FFFF  }
0xac: {  	[dreg:$0x1] =	wrdreg $0xFFFFFFFF  }
0xad: {  	[dreg:$0x0] =	wrdreg $0x60  }
0xae: {  	[dreg:$0x2] =	wrdreg s24  }
0xaf: {  	[dreg:$0x3] =	wrdreg $0x60000  }
0xb0: {  	[dreg:$0x4] =	wrdreg $0x9  }
0xb1: {  	_ =	task.clear_ibuf [dreg:s6], $0x5FFFF;
	_ =	strace $0x90000052  }
0xb2: {  	s29 =	simm.s32 $0x9;
	_ =	strace $0x80000054  }
0xb3: {  	_ =	swait.ge [sflag:s29], $0x1  }
0xb4: {  	[sflag:s29] =	ssyncadd.s32 $0xFFFFFFFF  }
0xb5: {  	_ =	strace $0x90000054  }
0xb6: {  	_ =	sfence  }
0xb7: {  	s30 =	sld [smem:$0x0];
	_ =	sdelay $0x2  }
0xb8: {  	s31 =	sshll.u32 s1, $0xD;
	s1 =	sshrl.u32 s1, $0x2  }
0xb9: {  	s3 =	sand.u32 $0x4000, s31;
	s1 =	sadd.s32 s1, s30  }
0xba: {  	s0 =	sor.u32 s3, s0;
	s1 =	sshll.u32 s1, $0x11  }
0xbb: {  	s0 =	sor.u32 s1, s0  }
0xbc: {  	s0 =	sadd.s32 $0x8F2B, s0  }
0xbd: {  	[sflag:s0] =	ssyncadd.remote.s32 $0x1  }
0xbe: {  	_ =	sfence.sel $0xFFFF  }
0xbf: {  	[dreg:$0x0] =	wrdreg $0xFFFFFFFF;
	(pc) =	sbr.abs _section_cstart, $3  }
0xc0: {  	[dreg:$0x1] =	wrdreg $0xFFFFFFFF  }
0xc1: {  	_ =	task.clear_ibuf [dreg:s6], $0x2FFFF;
	_ =	strace $0x9FFFFFFF  }
0xc2: {  	(tm) =	ssettm $0x7FFFFFFF  }
0xc3: {  	_ =	shalt  }
tec
execute0_lowered:
.L_overlay_start_1:
0x0: {  	(tag) =	ssettag $0x1  }
0x1: {  	s0 =	srdreg.scid;
	s6 =	rddreg [dreg:$0x0]  }
0x2: {  	s2 =	rddreg [dreg:$0x1];
	s3 =	simm.s32 $0x0;
	s14 =	simm.s32 $0x80  }
0x3: {  	s15 =	simm.s32 $0x5000;
	s5 =	sand.u32 $0x1, s0;
	s0 =	stileid.u32  }
0x4: {  	s16 =	simm.s32 $0x0;
	[smem:$0x7FF] =	sst s3;
	s8 =	smul.u32 $0x4F00, s0  }
0x5: {  	s4 =	sadd.s32 $0xD200, s6;
	s1 =	sshll.u32 s5, $0x4;
	s9 =	smul.u32 $0x4F000, s5  }
0x6: {  	s5 =	ssub.s32 $0x2, s5;
	s31 =	sshll.u32 s0, $0x6;
	s1 =	sor.u32 s0, s1  }
0x7: {  	s30 =	sshrl.u32 s5, $0x1;
	s7 =	smul.u32 $0x500, s1;
	s1 =	rddreg [dreg:$0x2]  }
0x8: {  	_ =	strace $0x80000053;
	s28 =	sadd.s32 s8, s9;
	s29 =	sshrl.u32 s8, $0x3  }
0x9: {  	s12 =	ssub.s32 s5, s30;
	s13 =	sadd.s32 s8, s2;
	s9 =	sadd.s32 s29, s6  }
0xa: {  	s10 =	sadd.s32 s7, s6;
	s7 =	sshrl.u32 s28, $0x3;
	s5 =	sadd.s32 $0x17000, s9  }
0xb: {  	s11 =	sadd.s32 s7, s6;
	s6 =	sor.u32 $0x1C01, s31;
	s7 =	sadd.s32 $0x83A00, s10  }
0xc: {  	s8 =	sadd.s32 $0x3200, s10;
	s10 =	smax.u32 s12, $0x1;
	s12 =	simm.s32 $0x1  }
0xd: {  	s9 =	sadd.s32 $0x20E00, s11;
	s11 =	sshrl.u32 s13, $0x3;
	s13 =	simm.s32 $0x2800  }
.LBB2_1:
0xe: {  	[spmem:s11], [sflag:s6] =	dma.local [hbm:s5], $0x9E0  }
0xf: {  	_ =	swait.ge [sflag:s12], $0x9E0  }
0x10: {  	[sflag:s12] =	ssyncset.done $0x0  }
0x11: {  	[sflag:s12] =	ssyncadd.s32 $0xFFFFF620  }
0x12: {  	[tilespmem:s3], [sflag:$0x1] =	stream.linear.gather [hbm4b:s7+s3], $0x2800, $0x38;
	[tilespmem:$0xAF00] =	vst v63  }
0x13: {  	_ =	swait.ge [sflag:s12], $0x2800  }
0x14: {  	[sflag:s12] =	ssyncset.done $0x0  }
0x15: {  	[sflag:s12] =	ssyncadd.s32 $0xFFFFD800  }
0x16: {  	[tilespmem:s13], [sflag:$0x1] =	stream.linear.gather [hbm4b:s8+s3], $0x2800, $0x38;
	[tilespmem:$0xAF00] =	vst v63  }
0x17: {  	_ =	swait.ge [sflag:s12], $0x2800  }
0x18: {  	[sflag:s12] =	ssyncset.done $0x0  }
0x19: {  	[sflag:s12] =	ssyncadd.s32 $0xFFFFD800  }
0x1a: {  	s17 =	simm.s32 $0x0;
	[bflag:$0x0] =	sbarrier.arrive $0xFFFF  }
0x1b: {  	[tilespmem:s15], [sflag:$0x1] =	stream.indirect.gather [hbm4b:s4+s14], $0x20, s17, s14, $0xb8;
	[tilespmem:$0xAF00] =	vst v63  }
0x1c: {  	_ =	swait.ge [sflag:s12], $0x1000  }
0x1d: {  	[sflag:s12] =	ssyncset.done $0x0  }
0x1e: {  	s31 =	simm.s32 $0x2800;
	[sflag:s12] =	ssyncadd.s32 $0xFFFFF000  }
0x1f: {  	[spmem:s2] =	stream.indirect.scatter.add.f32 [tilespmem:s15], [sflag:$0x1], $0x20, s31, s14, $0xb8;
	[tilespmem:$0xAF00] =	vst v63  }
0x20: {  	_ =	swait.ge [sflag:s12], $0x1000  }
0x21: {  	s18 =	simm.s32 $0x400;
	s17 =	simm.s32 $0x200;
	[sflag:s12] =	ssyncset.done $0x0  }
.LBB2_2:
0x22: {  	s19 =	sshra.s32 s17, $0x2  }
0x23: {  	[sflag:s12] =	ssyncadd.s32 $0xFFFFF000;
	s17 =	smov.u32 s18;
	s20 =	sadd.s32 $0x200, s18  }
0x24: {  	[tilespmem:s15], [sflag:$0x1] =	stream.indirect.gather [hbm4b:s4+s14], $0x20, s19, s14, $0xb8;
	[tilespmem:$0xAF00] =	vst v63  }
0x25: {  	p0 =	sne.s32 s18, $0x9E00;
	_ =	swait.ge [sflag:s12], $0x1000  }
.Ltmp0:
0x26: {  	[sflag:s12] =	ssyncset.done $0x0;
	(pc) =	sbr.rel @p0 .LBB2_2-.Ltmp0, $4  }
0x27: {  	s18 =	sadd.s32 $0x2800, s19;
	[sflag:s12] =	ssyncadd.s32 $0xFFFFF000  }
0x28: {  	[spmem:s2] =	stream.indirect.scatter.add.f32 [tilespmem:s15], [sflag:$0x1], $0x20, s18, s14, $0xb8;
	[tilespmem:$0xAF00] =	vst v63  }
0x29: {  	_ =	swait.ge [sflag:s12], $0x1000  }
0x2a: {  	s18 =	smov.u32 s20;
	[sflag:s12] =	ssyncset.done $0x0  }
0x2b: {  	s17 =	sshra.s32 s17, $0x2;
	[sflag:s12] =	ssyncadd.s32 $0xFFFFF000  }
0x2c: {  	[tilespmem:s15], [sflag:$0x1] =	stream.indirect.gather [hbm4b:s4+s14], $0x20, s17, s14, $0xb8;
	[tilespmem:$0xAF00] =	vst v63  }
0x2d: {  	_ =	swait.ge [sflag:s12], $0x1000  }
0x2e: {  	[sflag:s12] =	ssyncset.done $0x0  }
0x2f: {  	s17 =	sadd.s32 $0x2800, s17;
	[sflag:s12] =	ssyncadd.s32 $0xFFFFF000  }
0x30: {  	[spmem:s2] =	stream.indirect.scatter.add.f32 [tilespmem:s15], [sflag:$0x1], $0x20, s17, s14, $0xb8;
	[tilespmem:$0xAF00] =	vst v63  }
0x31: {  	_ =	swait.ge [sflag:s12], $0x1000  }
0x32: {  	s16 =	sadd.s32 $0x1, s16;
	[sflag:s12] =	ssyncset.done $0x0  }
0x33: {  	p0 =	sne.s32 s16, s10;
	[sflag:s12] =	ssyncadd.s32 $0xFFFFF000  }
.Ltmp1:
0x34: {  	[bflag:$0x0] =	sbarrier.arrive $0xFFFF;
	(pc) =	sbr.rel @p0 .LBB2_1-.Ltmp1, $4  }
0x35: {  	[hbm:s9], [sflag:s6] =	dma.local [spmem:s11], $0x9E0  }
0x36: {  	_ =	swait.ge [sflag:s12], $0x9E0  }
0x37: {  	[sflag:s12] =	ssyncset.done $0x0  }
0x38: {  	[sflag:s12] =	ssyncadd.s32 $0xFFFFF620  }
0x39: {  	_ =	sfence.sel $0x180000  }
0x3a: {  	[bflag:$0x0] =	sbarrier.arrive $0xFFFF  }
0x3b: {  	p0 =	sne.s32 s0, $0x0;
	_ =	strace $0x90000053  }
0x3c: {  	s0 =	sadd.s32 @!p0 $0x100000, s1;
	[bflag:$0x2] =	sbarrier.arrive $0xFFFF  }
0x3d: {  	[sflag:s0] =	ssyncadd.tile.s32 @!p0 $0x1;
	_ =	shalt  }
.Lfunc_end2:
_tile_overlayer_lowered:
.L_overlay_start_2:
0x3e: {  	(tag) =	ssettag $0x2  }
0x3f: {  	s0 =	rddreg [dreg:$0x0];
	s2 =	stileid.u32  }
0x40: {  	s1 =	rddreg [dreg:$0x1];
	p0 =	sne.s32 s2, $0x0  }
0x41: {  	s3 =	rddreg [dreg:$0x2];
	[bflag:$0x3] =	sbarrier.arrive $0xFFFF;
	s2 =	simm.s32 @!p0 $0x1C01  }
0x42: {  	[timem:s3], [sflag:s2] =	dma.local @!p0 [hbm:s0], s1  }
0x43: {  	s0 =	simm.s32 @!p0 $0x1  }
0x44: {  	_ =	swait.ge @!p0 [sflag:s0], s1  }
0x45: {  	s1 =	ssub.s32 @!p0 $0x0, s1;
	[sflag:s0] =	ssyncset.done @!p0 $0x0  }
0x46: {  	[sflag:s0] =	ssyncadd.s32 @!p0 s1  }
0x47: {  	[bflag:$0x3] =	sbarrier.arrive $0xFFFF  }
0x48: {  	_ =	shalt  }

// kernel: kernel.29.cloned.1.call-start
scs
__scs_entry_jumppad:
0x0: {  	(pc) =	sbr.rel $0x88, $3  }
0x1: {  	(tag) =	ssettag $0x0;
	lr =	simm.s32 $0x1  }
0x2: {  	[smem:$0x3F93] =	sst lr;
	_ =	strace $0xD0000000  }
0x3: {  	_ = 	snop  }
0x4: {  	_ = 	snop  }
0x5: {  	_ = 	snop  }
0x6: {  	_ = 	snop  }
0x7: {  	_ = 	snop  }
__scs_overlays_trampoline_lowered:
0x8: {  	[smem:$0x3FA2] =	sst s0  }
0x9: {  	[smem:$0x3FA3] =	sst s1  }
0xa: {  	[smem:$0x3FA4] =	sst s2  }
0xb: {  	[smem:$0x3FA5] =	sst s3  }
0xc: {  	[smem:$0x3FA6] =	sst s4  }
0xd: {  	[smem:$0x3FA7] =	sst s5  }
0xe: {  	[smem:$0x3FA8] =	sst s6  }
0xf: {  	[smem:$0x3FA9] =	sst s7  }
0x10: {  	[smem:$0x3FAA] =	sst s8  }
0x11: {  	[smem:$0x3FAB] =	sst s9;
	s0 =	simm.s32 @!p0 $0x0  }
0x12: {  	s1 =	sld [smem:$0x3F91];
	s0 =	simm.s32 @p0 $0x1  }
0x13: {  	[smem:$0x3FAC] =	sst s0;
	s0 =	simm.s32 @!p1 $0x0  }
0x14: {  	s2 =	sld [smem:$0x3F90];
	s0 =	simm.s32 @p1 $0x1  }
0x15: {  	[smem:$0x3FAD] =	sst s0;
	s0 =	simm.s32 @!p2 $0x0  }
0x16: {  	s3 =	sld [smem:$0x3FDB];
	s0 =	simm.s32 @p2 $0x1  }
0x17: {  	s4 =	simm.s32 $0x1BF5;
	[smem:$0x3FAF] =	sst s0  }
0x18: {  	s0 =	sld [smem:$0x3F92];
	_ =	swait.ge [sflag:s4], $0x0  }
0x19: {  	s7 =	sld [smem:$0x3F93]  }
0x1a: {  	s8 =	sadd.s32 $0xFFFFE003, lr  }
0x1b: {  	s9 =	sadd.s32 $0xFFFFFEF7, lr;
	s5 =	simm.s32 $0xFFFFFFFF;
	p2 =	slt.u32 s8, $0xFFFFF086  }
0x1c: {  	p1 =	slt.u32 s9, $0xF7A;
	s5 =	simm.s32 @!p2 $0x0  }
0x1d: {  	s5 =	simm.s32 @p1 $0x1;
	p0 =	seq.s32 s7, s2  }
0x1e: {  	s7 =	smul.u32 @!p0 $0xF7A, s2;
	p2 =	seq.s32 @!p0 s5, $0x0  }
0x1f: {  	s9 =	smul.u32 $0xF7A, s1;
	s8 =	simm.s32 @!p0 $0x1BF5;
	p2 =	por !p2, p0  }
0x20: {  	[sflag:s8] =	ssyncset.s32 @!p0 $0xFFFFF086;
	s6 =	sadd.s32 @!p0 s3, s7;
	s7 =	simm.s32 @!p0 $0x108  }
0x21: {  	s3 =	sadd.s32 s3, s9;
	s6 =	sadd.s32 @!p0 $0x88, s6;
	s7 =	simm.s32 @p2 $0x1082  }
0x22: {  	[simem:s7], [sflag:s8] =	dma.local @!p0 [hbm:s6], $0xF7A  }
0x23: {  	s9 =	sor.u32 $0xD0000000, s2;
	s6 =	simm.s32 $0x108;
	_ =	swait.ge @!p0 [sflag:s8], $0x0  }
0x24: {  	s3 =	sadd.s32 $0x88, s3;
	s6 =	simm.s32 @!p1 $0x1082;
	[sflag:s4] =	ssyncset.s32 $0xFFFFF086  }
0x25: {  	[simem:s6], [sflag:s4] =	dma.local [hbm:s3], $0xF7A  }
0x26: {  	[smem:$0x3F93] =	sst s1;
	(tag) =	ssettag s2;
	_ =	strace s9  }
0x27: {  	s1 =	sld [smem:$0x3FA3]  }
0x28: {  	s2 =	sld [smem:$0x3FA4]  }
0x29: {  	s4 =	sld [smem:$0x3FA6]  }
0x2a: {  	p0 =	seq.s32 s5, $0x0;
	s5 =	sld [smem:$0x3FA7]  }
0x2b: {  	s6 =	sld [smem:$0x3FA8]  }
0x2c: {  	s7 =	sld [smem:$0x3FA9]  }
0x2d: {  	s3 =	simm.s32 $0x108;
	s8 =	sld [smem:$0x3FAA]  }
0x2e: {  	s3 =	simm.s32 @!p0 $0x1082;
	s9 =	sld [smem:$0x3FAB]  }
0x2f: {  	lr =	sadd.s32 s0, s3;
	s0 =	sld [smem:$0x3FA2]  }
0x30: {  	s3 =	sld [smem:$0x3FA5]  }
0x31: {  	[smem:$0x3FAE] =	sst s10  }
0x32: {  	s10 =	sld [smem:$0x3FAC];
	_ =	sdelay $0x3  }
0x33: {  	p0 =	seq.s32 s10, $0x1;
	s10 =	sld [smem:$0x3FAE];
	_ =	sdelay $0x3  }
0x34: {  	[smem:$0x3FAE] =	sst s10  }
0x35: {  	s10 =	sld [smem:$0x3FAD];
	_ =	sdelay $0x3  }
0x36: {  	p1 =	seq.s32 s10, $0x1;
	s10 =	sld [smem:$0x3FAE];
	_ =	sdelay $0x3  }
0x37: {  	[smem:$0x3FAE] =	sst s10  }
0x38: {  	s10 =	sld [smem:$0x3FAF]  }
0x39: {  	_ = 	snop;
	(pc) =	sbr.ind lr, $3  }
0x3a: {  	_ = 	snop  }
0x3b: {  	_ = 	snop  }
0x3c: {  	p2 =	seq.s32 s10, $0x1;
	s10 =	sld [smem:$0x3FAE]  }
0x3d: {  	_ =	shalt  }
0x3e: {  	_ =	shalt  }
0x3f: {  	_ =	shalt  }
0x40: {  	_ =	shalt  }
0x41: {  	_ =	shalt  }
0x42: {  	_ =	shalt  }
0x43: {  	_ =	shalt  }
0x44: {  	_ =	shalt  }
0x45: {  	_ =	shalt  }
0x46: {  	_ =	shalt  }
0x47: {  	_ =	shalt  }
0x48: {  	_ =	shalt  }
0x49: {  	_ =	shalt  }
0x4a: {  	_ =	shalt  }
0x4b: {  	_ =	shalt  }
0x4c: {  	_ =	shalt  }
0x4d: {  	_ =	shalt  }
0x4e: {  	_ =	shalt  }
0x4f: {  	_ =	shalt  }
0x50: {  	_ =	shalt  }
0x51: {  	_ =	shalt  }
0x52: {  	_ =	shalt  }
0x53: {  	_ =	shalt  }
0x54: {  	_ =	shalt  }
0x55: {  	_ =	shalt  }
0x56: {  	_ =	shalt  }
0x57: {  	_ =	shalt  }
0x58: {  	_ =	shalt  }
0x59: {  	_ =	shalt  }
0x5a: {  	_ =	shalt  }
0x5b: {  	_ =	shalt  }
0x5c: {  	_ =	shalt  }
0x5d: {  	_ =	shalt  }
0x5e: {  	_ =	shalt  }
0x5f: {  	_ =	shalt  }
0x60: {  	_ =	shalt  }
0x61: {  	_ =	shalt  }
0x62: {  	_ =	shalt  }
0x63: {  	_ =	shalt  }
0x64: {  	_ =	shalt  }
0x65: {  	_ =	shalt  }
0x66: {  	_ =	shalt  }
0x67: {  	_ =	shalt  }
0x68: {  	_ =	shalt  }
0x69: {  	_ =	shalt  }
0x6a: {  	_ =	shalt  }
0x6b: {  	_ =	shalt  }
0x6c: {  	_ =	shalt  }
0x6d: {  	_ =	shalt  }
0x6e: {  	_ =	shalt  }
0x6f: {  	_ =	shalt  }
0x70: {  	_ =	shalt  }
0x71: {  	_ =	shalt  }
0x72: {  	_ =	shalt  }
0x73: {  	_ =	shalt  }
0x74: {  	_ =	shalt  }
0x75: {  	_ =	shalt  }
0x76: {  	_ =	shalt  }
0x77: {  	_ =	shalt  }
0x78: {  	_ =	shalt  }
0x79: {  	_ =	shalt  }
0x7a: {  	_ =	shalt  }
0x7b: {  	_ =	shalt  }
0x7c: {  	_ =	shalt  }
0x7d: {  	_ =	shalt  }
0x7e: {  	_ =	shalt  }
0x7f: {  	_ =	shalt  }
0x80: {  	_ =	shalt  }
0x81: {  	_ =	shalt  }
0x82: {  	_ =	shalt  }
0x83: {  	_ =	shalt  }
0x84: {  	_ =	shalt  }
0x85: {  	_ =	shalt  }
0x86: {  	_ =	shalt  }
0x87: {  	_ =	shalt  }
.Lfunc_end0:
.L_simem_size_0:
called_computation.5_lowered:
.L_overlay_start_0:
0x88: {  	s2 =	sld [smem:$0x3FD9]  }
0x89: {  	s3 =	sld [smem:$0x3FFE];
	_ =	sdelay $0x1  }
0x8a: {  	s1 =	srdreg.scid  }
0x8b: {  	s0 =	sand.u32 $0x1, s1  }
0x8c: {  	s16 =	sshll.u32 s0, $0xA;
	s2 =	sadd.s32 s3, s2  }
0x8d: {  	s2 =	sadd.s32 s2, s16  }
0x8e: {  	[smem:$0x3FBA] =	sst s2  }
0x8f: {  	_ = 	snop  }
0x90: {  	(tm) =	ssettm $0x1  }
0x91: {  	s17 =	sld [smem:$0x3FFB];
	_ =	sdelay $0x3  }
0x92: {  	_ =	strace s17  }
0x93: {  	s2 =	sld [smem:$0x3FFC];
	_ =	sdelay $0x3  }
0x94: {  	_ =	strace s2  }
0x95: {  	s2 =	sld [smem:$0x3FFD];
	_ =	sdelay $0x3  }
0x96: {  	_ =	strace s2  }
0x97: {  	_ =	strace $0x8FFFFFFF  }
0x98: {  	s18 =	sld [smem:$0x3FDB];
	_ =	sdelay $0x1  }
0x99: {  	s19 =	simm.s32 $_scs_section_size  }
0x9a: {  	s4 =	simm.s32 $_size__tile_overlayer_lowered;
	s5 =	simm.s32 $_tile_overlayer_lowered  }
0x9b: {  	s22 =	simm.s32 $0x1BFF;
	s21 =	sshll.u32 s5, $0x1;
	s2 =	sadd.s32 s19, s18  }
0x9c: {  	s6 =	simm.s32 $0x0;
	s20 =	sshll.u32 s4, $0x1;
	s4 =	sadd.s32 s21, s2  }
0x9d: {  	[timem:s6], [sflag:s22] =	dma.local [hbm:s4], s20  }
0x9e: {  	_ =	swait.ge [sflag:s22], s20  }
0x9f: {  	s3 =	ssub.s32 $0x0, s20;
	[sflag:s22] =	ssyncset.done $0x0  }
0xa0: {  	[sflag:s22] =	ssyncadd.s32 s3;
	_ =	sdelay $0x1  }
0xa1: {  	s23 =	simm.s32 $0x1B8B  }
0xa2: {  	_ =	swait.ge [sflag:s23], $0x1  }
0xa3: {  	[sflag:s23] =	ssyncset.done $0x0  }
0xa4: {  	s25 =	simm.s32 $0x1B8E;
	s24 =	sld [smem:$0x3FFE];
	[sflag:s23] =	ssyncadd.s32 $0xFFFFFFFF  }
0xa5: {  	s26 =	simm.s32 $execute0_lowered;
	[smem:$0x3FD2] =	sst s25  }
0xa6: {  	s4 =	sshll.u32 s26, $0x1;
	_ =	strace $0x80000055;
	[dreg:$0x1] =	wrdreg $0xFFFFFFFF  }
0xa7: {  	s28 =	simm.s32 $_size_execute0_lowered;
	s2 =	sadd.s32 s2, s4;
	[dreg:$0x0] =	wrdreg $0x0  }
0xa8: {  	s4 =	sshll.u32 s28, $0x1;
	[dreg:$0x2] =	wrdreg s2  }
0xa9: {  	[dreg:$0x3] =	wrdreg s4  }
0xaa: {  	[dreg:$0x4] =	wrdreg $0xC0  }
0xab: {  	_ =	task [dreg:s6], $0x5FFFF  }
0xac: {  	[dreg:$0x1] =	wrdreg $0xFFFFFFFF  }
0xad: {  	[dreg:$0x0] =	wrdreg $0x60  }
0xae: {  	[dreg:$0x2] =	wrdreg s24  }
0xaf: {  	[dreg:$0x3] =	wrdreg $0x60000  }
0xb0: {  	[dreg:$0x4] =	wrdreg $0x9  }
0xb1: {  	_ =	task.clear_ibuf [dreg:s6], $0x5FFFF;
	_ =	strace $0x90000055  }
0xb2: {  	s29 =	simm.s32 $0x9;
	_ =	strace $0x80000057  }
0xb3: {  	_ =	swait.ge [sflag:s29], $0x1  }
0xb4: {  	[sflag:s29] =	ssyncadd.s32 $0xFFFFFFFF  }
0xb5: {  	_ =	strace $0x90000057  }
0xb6: {  	_ =	sfence  }
0xb7: {  	s30 =	sld [smem:$0x0];
	_ =	sdelay $0x2  }
0xb8: {  	s31 =	sshll.u32 s1, $0xD;
	s1 =	sshrl.u32 s1, $0x2  }
0xb9: {  	s3 =	sand.u32 $0x4000, s31;
	s1 =	sadd.s32 s1, s30  }
0xba: {  	s0 =	sor.u32 s3, s0;
	s1 =	sshll.u32 s1, $0x11  }
0xbb: {  	s0 =	sor.u32 s1, s0  }
0xbc: {  	s0 =	sadd.s32 $0x8F2B, s0  }
0xbd: {  	[sflag:s0] =	ssyncadd.remote.s32 $0x1  }
0xbe: {  	_ =	sfence.sel $0xFFFF  }
0xbf: {  	[dreg:$0x0] =	wrdreg $0xFFFFFFFF;
	(pc) =	sbr.abs _section_cstart, $3  }
0xc0: {  	[dreg:$0x1] =	wrdreg $0xFFFFFFFF  }
0xc1: {  	_ =	task.clear_ibuf [dreg:s6], $0x2FFFF;
	_ =	strace $0x9FFFFFFF  }
0xc2: {  	(tm) =	ssettm $0x7FFFFFFF  }
0xc3: {  	_ =	shalt  }
tec
execute0_lowered:
.L_overlay_start_1:
0x0: {  	(tag) =	ssettag $0x1  }
0x1: {  	s0 =	srdreg.scid;
	s6 =	rddreg [dreg:$0x0]  }
0x2: {  	s2 =	rddreg [dreg:$0x1];
	s3 =	simm.s32 $0x0;
	s14 =	simm.s32 $0x80  }
0x3: {  	s15 =	simm.s32 $0x5000;
	s5 =	sand.u32 $0x1, s0;
	s0 =	stileid.u32  }
0x4: {  	s16 =	simm.s32 $0x0;
	[smem:$0x7FF] =	sst s3;
	s8 =	smul.u32 $0x4F00, s0  }
0x5: {  	s4 =	sadd.s32 $0xD200, s6;
	s1 =	sshll.u32 s5, $0x4;
	s9 =	smul.u32 $0x4F000, s5  }
0x6: {  	s5 =	ssub.s32 $0x2, s5;
	s31 =	sshll.u32 s0, $0x6;
	s1 =	sor.u32 s0, s1  }
0x7: {  	s30 =	sshrl.u32 s5, $0x1;
	s7 =	smul.u32 $0x500, s1;
	s1 =	rddreg [dreg:$0x2]  }
0x8: {  	_ =	strace $0x80000056;
	s28 =	sadd.s32 s8, s9;
	s29 =	sshrl.u32 s8, $0x3  }
0x9: {  	s12 =	ssub.s32 s5, s30;
	s13 =	sadd.s32 s8, s2;
	s9 =	sadd.s32 s29, s6  }
0xa: {  	s10 =	sadd.s32 s7, s6;
	s7 =	sshrl.u32 s28, $0x3;
	s5 =	sadd.s32 $0x17000, s9  }
0xb: {  	s11 =	sadd.s32 s7, s6;
	s6 =	sor.u32 $0x1C01, s31;
	s7 =	sadd.s32 $0x83A00, s10  }
0xc: {  	s8 =	sadd.s32 $0x3200, s10;
	s10 =	smax.u32 s12, $0x1;
	s12 =	simm.s32 $0x1  }
0xd: {  	s9 =	sadd.s32 $0x20E00, s11;
	s11 =	sshrl.u32 s13, $0x3;
	s13 =	simm.s32 $0x2800  }
.LBB2_1:
0xe: {  	[spmem:s11], [sflag:s6] =	dma.local [hbm:s5], $0x9E0  }
0xf: {  	_ =	swait.ge [sflag:s12], $0x9E0  }
0x10: {  	[sflag:s12] =	ssyncset.done $0x0  }
0x11: {  	[sflag:s12] =	ssyncadd.s32 $0xFFFFF620  }
0x12: {  	[tilespmem:s3], [sflag:$0x1] =	stream.linear.gather [hbm4b:s7+s3], $0x2800, $0x38;
	[tilespmem:$0xAF00] =	vst v63  }
0x13: {  	_ =	swait.ge [sflag:s12], $0x2800  }
0x14: {  	[sflag:s12] =	ssyncset.done $0x0  }
0x15: {  	[sflag:s12] =	ssyncadd.s32 $0xFFFFD800  }
0x16: {  	[tilespmem:s13], [sflag:$0x1] =	stream.linear.gather [hbm4b:s8+s3], $0x2800, $0x38;
	[tilespmem:$0xAF00] =	vst v63  }
0x17: {  	_ =	swait.ge [sflag:s12], $0x2800  }
0x18: {  	[sflag:s12] =	ssyncset.done $0x0  }
0x19: {  	[sflag:s12] =	ssyncadd.s32 $0xFFFFD800  }
0x1a: {  	s17 =	simm.s32 $0x0;
	[bflag:$0x0] =	sbarrier.arrive $0xFFFF  }
0x1b: {  	[tilespmem:s15], [sflag:$0x1] =	stream.indirect.gather [hbm4b:s4+s14], $0x20, s17, s14, $0xb8;
	[tilespmem:$0xAF00] =	vst v63  }
0x1c: {  	_ =	swait.ge [sflag:s12], $0x1000  }
0x1d: {  	[sflag:s12] =	ssyncset.done $0x0  }
0x1e: {  	s31 =	simm.s32 $0x2800;
	[sflag:s12] =	ssyncadd.s32 $0xFFFFF000  }
0x1f: {  	[spmem:s2] =	stream.indirect.scatter.add.f32 [tilespmem:s15], [sflag:$0x1], $0x20, s31, s14, $0xb8;
	[tilespmem:$0xAF00] =	vst v63  }
0x20: {  	_ =	swait.ge [sflag:s12], $0x1000  }
0x21: {  	s18 =	simm.s32 $0x400;
	s17 =	simm.s32 $0x200;
	[sflag:s12] =	ssyncset.done $0x0  }
.LBB2_2:
0x22: {  	s19 =	sshra.s32 s17, $0x2  }
0x23: {  	[sflag:s12] =	ssyncadd.s32 $0xFFFFF000;
	s17 =	smov.u32 s18;
	s20 =	sadd.s32 $0x200, s18  }
0x24: {  	[tilespmem:s15], [sflag:$0x1] =	stream.indirect.gather [hbm4b:s4+s14], $0x20, s19, s14, $0xb8;
	[tilespmem:$0xAF00] =	vst v63  }
0x25: {  	p0 =	sne.s32 s18, $0x9E00;
	_ =	swait.ge [sflag:s12], $0x1000  }
.Ltmp0:
0x26: {  	[sflag:s12] =	ssyncset.done $0x0;
	(pc) =	sbr.rel @p0 .LBB2_2-.Ltmp0, $4  }
0x27: {  	s18 =	sadd.s32 $0x2800, s19;
	[sflag:s12] =	ssyncadd.s32 $0xFFFFF000  }
0x28: {  	[spmem:s2] =	stream.indirect.scatter.add.f32 [tilespmem:s15], [sflag:$0x1], $0x20, s18, s14, $0xb8;
	[tilespmem:$0xAF00] =	vst v63  }
0x29: {  	_ =	swait.ge [sflag:s12], $0x1000  }
0x2a: {  	s18 =	smov.u32 s20;
	[sflag:s12] =	ssyncset.done $0x0  }
0x2b: {  	s17 =	sshra.s32 s17, $0x2;
	[sflag:s12] =	ssyncadd.s32 $0xFFFFF000  }
0x2c: {  	[tilespmem:s15], [sflag:$0x1] =	stream.indirect.gather [hbm4b:s4+s14], $0x20, s17, s14, $0xb8;
	[tilespmem:$0xAF00] =	vst v63  }
0x2d: {  	_ =	swait.ge [sflag:s12], $0x1000  }
0x2e: {  	[sflag:s12] =	ssyncset.done $0x0  }
0x2f: {  	s17 =	sadd.s32 $0x2800, s17;
	[sflag:s12] =	ssyncadd.s32 $0xFFFFF000  }
0x30: {  	[spmem:s2] =	stream.indirect.scatter.add.f32 [tilespmem:s15], [sflag:$0x1], $0x20, s17, s14, $0xb8;
	[tilespmem:$0xAF00] =	vst v63  }
0x31: {  	_ =	swait.ge [sflag:s12], $0x1000  }
0x32: {  	s16 =	sadd.s32 $0x1, s16;
	[sflag:s12] =	ssyncset.done $0x0  }
0x33: {  	p0 =	sne.s32 s16, s10;
	[sflag:s12] =	ssyncadd.s32 $0xFFFFF000  }
.Ltmp1:
0x34: {  	[bflag:$0x0] =	sbarrier.arrive $0xFFFF;
	(pc) =	sbr.rel @p0 .LBB2_1-.Ltmp1, $4  }
0x35: {  	[hbm:s9], [sflag:s6] =	dma.local [spmem:s11], $0x9E0  }
0x36: {  	_ =	swait.ge [sflag:s12], $0x9E0  }
0x37: {  	[sflag:s12] =	ssyncset.done $0x0  }
0x38: {  	[sflag:s12] =	ssyncadd.s32 $0xFFFFF620  }
0x39: {  	_ =	sfence.sel $0x180000  }
0x3a: {  	[bflag:$0x0] =	sbarrier.arrive $0xFFFF  }
0x3b: {  	p0 =	sne.s32 s0, $0x0;
	_ =	strace $0x90000056  }
0x3c: {  	s0 =	sadd.s32 @!p0 $0x100000, s1;
	[bflag:$0x2] =	sbarrier.arrive $0xFFFF  }
0x3d: {  	[sflag:s0] =	ssyncadd.tile.s32 @!p0 $0x1;
	_ =	shalt  }
.Lfunc_end2:
_tile_overlayer_lowered:
.L_overlay_start_2:
0x3e: {  	(tag) =	ssettag $0x2  }
0x3f: {  	s0 =	rddreg [dreg:$0x0];
	s2 =	stileid.u32  }
0x40: {  	s1 =	rddreg [dreg:$0x1];
	p0 =	sne.s32 s2, $0x0  }
0x41: {  	s3 =	rddreg [dreg:$0x2];
	[bflag:$0x3] =	sbarrier.arrive $0xFFFF;
	s2 =	simm.s32 @!p0 $0x1C01  }
0x42: {  	[timem:s3], [sflag:s2] =	dma.local @!p0 [hbm:s0], s1  }
0x43: {  	s0 =	simm.s32 @!p0 $0x1  }
0x44: {  	_ =	swait.ge @!p0 [sflag:s0], s1  }
0x45: {  	s1 =	ssub.s32 @!p0 $0x0, s1;
	[sflag:s0] =	ssyncset.done @!p0 $0x0  }
0x46: {  	[sflag:s0] =	ssyncadd.s32 @!p0 s1  }
0x47: {  	[bflag:$0x3] =	sbarrier.arrive $0xFFFF  }
0x48: {  	_ =	shalt  }

</sc_bundles>
